<compile_context>
chip_gen: v7x
topology: tpu7x:2x2x1
jax: 0.10.2.dev20260603
libtpu: 0.0.44.dev20260713+nightly
codegen_flags: <defaults>
</compile_context>

<pallas_src>
import jax
import jax.numpy as jnp
import numpy as np
from jax import lax
from jax.experimental import pallas as pl
from jax.experimental.pallas import tpu as pltpu
from jax.experimental.pallas import tpu_sc as plsc

BATCH = 4096
NOUT = 4096
NLANE = 16
NW = 32
ROWS_PER_W = BATCH // NW
R = 8
NBLK = ROWS_PER_W // R
GW = 2048
NGRP = NOUT // GW
CPG = GW // NLANE

_M = np.zeros((4, 16), np.float32)
for _i in (8, 9, 10, 11, 12, 13, 14, 15):
    _M[0, _i] = 1.0
for _i, _v in ((2, 1), (3, 1), (6, 1), (7, 1), (8, -1), (9, -1), (12, -1), (13, -1)):
    _M[1, _i] = _v
for _i, _v in ((4, 1), (5, 1), (6, 1), (7, 1), (8, -1), (9, -1), (10, -1), (11, -1)):
    _M[2, _i] = _v
for _i, _v in ((1, 1), (2, -1), (4, -1), (6, -2), (7, -1), (8, 1), (9, 2),
               (11, 1), (13, 1), (14, -1)):
    _M[3, _i] = _v


def _rnd_bf16_bits(v):
    u = lax.bitcast_convert_type(v, jnp.uint32)
    rounded = u + jnp.uint32(0x7FFF) + ((u >> 16) & jnp.uint32(1))
    return rounded & jnp.uint32(0xFFFF0000)


def _coef_body(m_ref, wt_ref, ia_ref, ib_ref, o_ref, oi_ref):
    wt = wt_ref[...]
    m = jnp.max(wt, axis=0, keepdims=True)
    e = jnp.exp(wt - m)
    p = e / jnp.sum(e, axis=0, keepdims=True)
    coefs = lax.dot_general(
        m_ref[...], p, (((1,), (0,)), ((), ())),
        preferred_element_type=jnp.float32)
    even = jnp.concatenate([coefs[0:1, :], coefs[2:3, :]], axis=0)
    odd = jnp.concatenate([coefs[1:2, :], coefs[3:4, :]], axis=0)
    hi = _rnd_bf16_bits(even)
    lo = _rnd_bf16_bits(odd) >> 16
    o_ref[...] = (hi | lo).astype(jnp.int32)
    oi_ref[...] = ia_ref[...] | (ib_ref[...] << 16)


_coef_call = pl.pallas_call(
    _coef_body,
    out_shape=(jax.ShapeDtypeStruct((2, NOUT), jnp.int32),
               jax.ShapeDtypeStruct((NOUT,), jnp.int32)),
)


def _sc_body(x_hbm, idx_hbm, coef_hbm, out_hbm,
             idx_v, coef_v, og0, og1, *xr_and_sems):
    xrows = xr_and_sems[: 2 * R]
    sx0, sx1, so0, so1 = xr_and_sems[2 * R:]
    mesh_nc = 2
    wid = lax.axis_index("s") * mesh_nc + lax.axis_index("c")
    base = wid * ROWS_PER_W

    xbufs = (xrows[:R], xrows[R:])
    xsems = (sx0, sx1)
    obufs = (og0, og1)
    osems = (so0, so1)

    def x_start(blk, b):
        row0 = base + blk * R
        for r in range(R):
            pltpu.async_copy(x_hbm.at[row0 + r, :], xbufs[b][r], xsems[b])

    def x_wait(blk, b):
        row0 = base + blk * R
        for r in range(R):
            pltpu.make_async_copy(
                x_hbm.at[row0 + r, :], xbufs[b][r], xsems[b]).wait()

    x_start(0, 0)
    x_start(1, 1)
    pltpu.sync_copy(idx_hbm, idx_v)
    pltpu.sync_copy(coef_hbm, coef_v)

    msk16 = jnp.full((NLANE,), 0xFFFF, jnp.int32)
    mskhi = jnp.full((NLANE,), -65536, jnp.int32)

    def blk_pair(i2, carry):
        for b in (0, 1):
            blk = i2 * 2 + b
            row0 = base + blk * R
            xb = xbufs[b]
            x_wait(blk, b)

            for g in range(NGRP):
                og = obufs[g]
                dst = out_hbm.at[pl.ds(row0, R), pl.ds(g * GW, GW)]

                @pl.when(blk >= 1)
                def _():
                    pltpu.make_async_copy(og, dst, osems[g]).wait()

                @plsc.parallel_loop(0, CPG, unroll=2)
                def chunk_body(cc):
                    s = g * GW + cc * NLANE
                    pk = idx_v[pl.ds(s, NLANE)]
                    ia = pk & msk16
                    ib = lax.shift_right_logical(pk, 16)
                    w0 = coef_v[0, pl.ds(s, NLANE)]
                    w1 = coef_v[1, pl.ds(s, NLANE)]
                    c0 = plsc.bitcast(w0 & mskhi, jnp.float32)
                    ca = plsc.bitcast(lax.shift_left(w0, 16), jnp.float32)
                    cb = plsc.bitcast(w1 & mskhi, jnp.float32)
                    cab = plsc.bitcast(lax.shift_left(w1, 16), jnp.float32)
                    avs = []
                    bvs = []
                    for r in range(R):
                        avs.append(plsc.load_gather(xb[r], [ia]))
                        bvs.append(plsc.load_gather(xb[r], [ib]))
                    for r in range(R):
                        f1 = c0 + ca * avs[r]
                        f2 = cb + cab * avs[r]
                        og[r, pl.ds(cc * NLANE, NLANE)] = f1 + bvs[r] * f2

                pltpu.async_copy(og, dst, osems[g])

            @pl.when(blk < NBLK - 2)
            def _():
                x_start(blk + 2, b)
        return carry

    lax.fori_loop(0, NBLK // 2, blk_pair, 0)

    for g in range(NGRP):
        last = out_hbm.at[pl.ds(base + (NBLK - 1) * R, R),
                          pl.ds(g * GW, GW)]
        pltpu.make_async_copy(obufs[g], last, osems[g]).wait()


_sc_call = pl.kernel(
    _sc_body,
    out_type=jax.ShapeDtypeStruct((BATCH, NOUT), jnp.float32),
    mesh=plsc.VectorSubcoreMesh(core_axis_name="c", subcore_axis_name="s"),
    compiler_params=pltpu.CompilerParams(needs_layout_passes=False),
    scratch_types=[
        pltpu.VMEM((NOUT,), jnp.int32),
        pltpu.VMEM((2, NOUT), jnp.int32),
        pltpu.VMEM((R, GW), jnp.float32),
        pltpu.VMEM((R, GW), jnp.float32),
    ] + [pltpu.VMEM((NOUT,), jnp.float32) for _ in range(2 * R)] + [
        pltpu.SemaphoreType.DMA,
        pltpu.SemaphoreType.DMA,
        pltpu.SemaphoreType.DMA,
        pltpu.SemaphoreType.DMA,
    ],
)


def kernel(x, weights, idx_a, idx_b):
    coef, idx_pk = _coef_call(jnp.asarray(_M), weights.T,
                              idx_a.astype(jnp.int32),
                              idx_b.astype(jnp.int32))
    return _sc_call(x, idx_pk, coef)

# --- scband reference (transcript-rebuilt; emitter-appended) ---
"""Pipeline reference for scband-logic-layer-57509612094159 (READ-ONLY COPY).

The authoritative reference and input builder live on the scoring server;
editing this copy changes nothing except your own understanding.
"""

import jax, jax.numpy as jnp
import numpy as np

BATCH = 4096
IN_DIM = 4096
OUT_DIM = 4096


def _bin_op(a, b, i):
    if i == 0:
        return jnp.zeros_like(a)
    elif i == 1:
        return a * b
    elif i == 2:
        return a * (1 - b)
    elif i == 3:
        return a
    elif i == 4:
        return (1 - a) * b
    elif i == 5:
        return b
    elif i == 6:
        return a + b - 2 * a * b
    elif i == 7:
        return a + b - a * b
    elif i == 8:
        return 1 - (a + b - a * b)
    elif i == 9:
        return 1 - (a + b - 2 * a * b)
    elif i == 10:
        return 1 - b
    elif i == 11:
        return 1 - b + a * b
    elif i == 12:
        return 1 - a
    elif i == 13:
        return 1 - a + a * b
    elif i == 14:
        return 1 - a * b
    else:
        return jnp.ones_like(a)


def setup_inputs(seed: int = 0) -> dict:
    key = jax.random.key(seed)
    k1, k2, k3, k4 = jax.random.split(key, 4)
    x = jax.random.uniform(k1, (BATCH, IN_DIM), dtype=jnp.float32)
    weights = jax.random.normal(k2, (OUT_DIM, 16), dtype=jnp.float32)
    # emulate _get_connections: random indices into in_dim for each of the
    # two operands of every output neuron
    perm = jax.random.permutation(k3, 2 * OUT_DIM) % IN_DIM
    perm2 = jax.random.permutation(k4, IN_DIM)
    idx = jnp.take(perm2, perm).reshape(2, OUT_DIM)
    idx_a = idx[0].astype(jnp.int64)
    idx_b = idx[1].astype(jnp.int64)
    return {"x": x, "weights": weights, "idx_a": idx_a, "idx_b": idx_b}


def reference(x, weights, idx_a, idx_b):
    # training-mode forward (nn.Module default): softmax-weighted blend of
    # all 16 binary logic ops; grad_factor=1.0 so GradFactor is identity.
    a = jnp.take(x, idx_a, axis=1)  # [B, out_dim]
    b = jnp.take(x, idx_b, axis=1)  # [B, out_dim]
    probs = jax.nn.softmax(weights, axis=-1)  # [out_dim, 16]
    result = jnp.zeros_like(a)
    for i in range(16):
        result = result + probs[None, :, i] * _bin_op(a, b, i)
    return result

if __name__ == "__main__":
    import jax
    _d = setup_inputs()
    print(jax.jit(kernel)(*tuple(_d.values())))

</pallas_src>

<mosaic_0001>
#map = affine_map<(d0, d1) -> (0, 0)>
#map1 = affine_map<(d0, d1) -> (0)>
module attributes {stable_mosaic.version = 14 : i64} {
  func.func @_sc_body(%arg0: i32, %arg1: i32, %arg2: memref<4096x4096xf32, #tpu.memory_space<hbm>>, %arg3: memref<4096xi32, #tpu.memory_space<hbm>>, %arg4: memref<2x4096xi32, #tpu.memory_space<hbm>>, %arg5: memref<4096x4096xf32, #tpu.memory_space<hbm>>, %arg6: memref<4096xi32, #tpu.memory_space<vmem>>, %arg7: memref<2x4096xi32, #tpu.memory_space<vmem>>, %arg8: memref<8x2048xf32, #tpu.memory_space<vmem>>, %arg9: memref<8x2048xf32, #tpu.memory_space<vmem>>, %arg10: memref<4096xf32, #tpu.memory_space<vmem>>, %arg11: memref<4096xf32, #tpu.memory_space<vmem>>, %arg12: memref<4096xf32, #tpu.memory_space<vmem>>, %arg13: memref<4096xf32, #tpu.memory_space<vmem>>, %arg14: memref<4096xf32, #tpu.memory_space<vmem>>, %arg15: memref<4096xf32, #tpu.memory_space<vmem>>, %arg16: memref<4096xf32, #tpu.memory_space<vmem>>, %arg17: memref<4096xf32, #tpu.memory_space<vmem>>, %arg18: memref<4096xf32, #tpu.memory_space<vmem>>, %arg19: memref<4096xf32, #tpu.memory_space<vmem>>, %arg20: memref<4096xf32, #tpu.memory_space<vmem>>, %arg21: memref<4096xf32, #tpu.memory_space<vmem>>, %arg22: memref<4096xf32, #tpu.memory_space<vmem>>, %arg23: memref<4096xf32, #tpu.memory_space<vmem>>, %arg24: memref<4096xf32, #tpu.memory_space<vmem>>, %arg25: memref<4096xf32, #tpu.memory_space<vmem>>, %arg26: memref<!tpu.dma_semaphore, #tpu.memory_space<semaphore_mem>>, %arg27: memref<!tpu.dma_semaphore, #tpu.memory_space<semaphore_mem>>, %arg28: memref<!tpu.dma_semaphore, #tpu.memory_space<semaphore_mem>>, %arg29: memref<!tpu.dma_semaphore, #tpu.memory_space<semaphore_mem>>) attributes {dimension_semantics = [#tpu.dimension_semantics<core_parallel>, #tpu.dimension_semantics<subcore_parallel>], iteration_bounds = array<i64: 2, 16>, scalar_prefetch = 0 : i64, scratch_operands = 24 : i64, tpu.core_type = #tpu.core_type<sc_vector_subcore>, window_params = [{transform_indices = #map}, {transform_indices = #map1}, {transform_indices = #map}, {transform_indices = #map}]} {
    %mul3A = arith.constant 2 : i32
    %mul3A_0 = arith.muli %arg1, %mul3A : i32
    %add3A = arith.addi %mul3A_0, %arg0 : i32
    %mul3A_1 = arith.constant 128 : i32
    %mul3A_2 = arith.muli %add3A, %mul3A_1 : i32
    %add3A_3 = arith.constant 0 : i32
    %add3A_4 = arith.addi %mul3A_2, %add3A_3 : i32
    %add3A_5 = arith.constant 0 : i32
    %add3A_6 = arith.addi %add3A_4, %add3A_5 : i32
    %dma_start3A = arith.constant 0 : i32
    %dma_start3A_7 = tpu.memref_slice %arg2[%add3A_6, %dma_start3A] : memref<4096x4096xf32, #tpu.memory_space<hbm>> -> memref<1x4096xf32, #tpu.memory_space<hbm>>
    %dma_start3A_8 = tpu.memref_squeeze %dma_start3A_7 : memref<1x4096xf32, #tpu.memory_space<hbm>> -> memref<4096xf32, #tpu.memory_space<hbm>>
    %dma_start3A_9 = arith.constant 0 : i32
    %dma_start3A_10 = tpu.memref_slice %arg2[%add3A_6, %dma_start3A_9] : memref<4096x4096xf32, #tpu.memory_space<hbm>> -> memref<1x4096xf32, #tpu.memory_space<hbm>>
    %dma_start3A_11 = tpu.memref_squeeze %dma_start3A_10 : memref<1x4096xf32, #tpu.memory_space<hbm>> -> memref<4096xf32, #tpu.memory_space<hbm>>
    tpu.enqueue_dma source(%dma_start3A_11 : memref<4096xf32, #tpu.memory_space<hbm>>) target(%arg10 : memref<4096xf32, #tpu.memory_space<vmem>>) target_semaphore(%arg26 : memref<!tpu.dma_semaphore, #tpu.memory_space<semaphore_mem>>)
    %add3A_12 = arith.constant 1 : i32
    %add3A_13 = arith.addi %add3A_4, %add3A_12 : i32
    %dma_start3A_14 = arith.constant 0 : i32
    %dma_start3A_15 = tpu.memref_slice %arg2[%add3A_13, %dma_start3A_14] : memref<4096x4096xf32, #tpu.memory_space<hbm>> -> memref<1x4096xf32, #tpu.memory_space<hbm>>
    %dma_start3A_16 = tpu.memref_squeeze %dma_start3A_15 : memref<1x4096xf32, #tpu.memory_space<hbm>> -> memref<4096xf32, #tpu.memory_space<hbm>>
    %dma_start3A_17 = arith.constant 0 : i32
    %dma_start3A_18 = tpu.memref_slice %arg2[%add3A_13, %dma_start3A_17] : memref<4096x4096xf32, #tpu.memory_space<hbm>> -> memref<1x4096xf32, #tpu.memory_space<hbm>>
    %dma_start3A_19 = tpu.memref_squeeze %dma_start3A_18 : memref<1x4096xf32, #tpu.memory_space<hbm>> -> memref<4096xf32, #tpu.memory_space<hbm>>
    tpu.enqueue_dma source(%dma_start3A_19 : memref<4096xf32, #tpu.memory_space<hbm>>) target(%arg11 : memref<4096xf32, #tpu.memory_space<vmem>>) target_semaphore(%arg26 : memref<!tpu.dma_semaphore, #tpu.memory_space<semaphore_mem>>)
    %add3A_20 = arith.constant 2 : i32
    %add3A_21 = arith.addi %add3A_4, %add3A_20 : i32
    %dma_start3A_22 = arith.constant 0 : i32
    %dma_start3A_23 = tpu.memref_slice %arg2[%add3A_21, %dma_start3A_22] : memref<4096x4096xf32, #tpu.memory_space<hbm>> -> memref<1x4096xf32, #tpu.memory_space<hbm>>
    %dma_start3A_24 = tpu.memref_squeeze %dma_start3A_23 : memref<1x4096xf32, #tpu.memory_space<hbm>> -> memref<4096xf32, #tpu.memory_space<hbm>>
    %dma_start3A_25 = arith.constant 0 : i32
    %dma_start3A_26 = tpu.memref_slice %arg2[%add3A_21, %dma_start3A_25] : memref<4096x4096xf32, #tpu.memory_space<hbm>> -> memref<1x4096xf32, #tpu.memory_space<hbm>>
    %dma_start3A_27 = tpu.memref_squeeze %dma_start3A_26 : memref<1x4096xf32, #tpu.memory_space<hbm>> -> memref<4096xf32, #tpu.memory_space<hbm>>
    tpu.enqueue_dma source(%dma_start3A_27 : memref<4096xf32, #tpu.memory_space<hbm>>) target(%arg12 : memref<4096xf32, #tpu.memory_space<vmem>>) target_semaphore(%arg26 : memref<!tpu.dma_semaphore, #tpu.memory_space<semaphore_mem>>)
    %add3A_28 = arith.constant 3 : i32
    %add3A_29 = arith.addi %add3A_4, %add3A_28 : i32
    %dma_start3A_30 = arith.constant 0 : i32
    %dma_start3A_31 = tpu.memref_slice %arg2[%add3A_29, %dma_start3A_30] : memref<4096x4096xf32, #tpu.memory_space<hbm>> -> memref<1x4096xf32, #tpu.memory_space<hbm>>
    %dma_start3A_32 = tpu.memref_squeeze %dma_start3A_31 : memref<1x4096xf32, #tpu.memory_space<hbm>> -> memref<4096xf32, #tpu.memory_space<hbm>>
    %dma_start3A_33 = arith.constant 0 : i32
    %dma_start3A_34 = tpu.memref_slice %arg2[%add3A_29, %dma_start3A_33] : memref<4096x4096xf32, #tpu.memory_space<hbm>> -> memref<1x4096xf32, #tpu.memory_space<hbm>>
    %dma_start3A_35 = tpu.memref_squeeze %dma_start3A_34 : memref<1x4096xf32, #tpu.memory_space<hbm>> -> memref<4096xf32, #tpu.memory_space<hbm>>
    tpu.enqueue_dma source(%dma_start3A_35 : memref<4096xf32, #tpu.memory_space<hbm>>) target(%arg13 : memref<4096xf32, #tpu.memory_space<vmem>>) target_semaphore(%arg26 : memref<!tpu.dma_semaphore, #tpu.memory_space<semaphore_mem>>)
    %add3A_36 = arith.constant 4 : i32
    %add3A_37 = arith.addi %add3A_4, %add3A_36 : i32
    %dma_start3A_38 = arith.constant 0 : i32
    %dma_start3A_39 = tpu.memref_slice %arg2[%add3A_37, %dma_start3A_38] : memref<4096x4096xf32, #tpu.memory_space<hbm>> -> memref<1x4096xf32, #tpu.memory_space<hbm>>
    %dma_start3A_40 = tpu.memref_squeeze %dma_start3A_39 : memref<1x4096xf32, #tpu.memory_space<hbm>> -> memref<4096xf32, #tpu.memory_space<hbm>>
    %dma_start3A_41 = arith.constant 0 : i32
    %dma_start3A_42 = tpu.memref_slice %arg2[%add3A_37, %dma_start3A_41] : memref<4096x4096xf32, #tpu.memory_space<hbm>> -> memref<1x4096xf32, #tpu.memory_space<hbm>>
    %dma_start3A_43 = tpu.memref_squeeze %dma_start3A_42 : memref<1x4096xf32, #tpu.memory_space<hbm>> -> memref<4096xf32, #tpu.memory_space<hbm>>
    tpu.enqueue_dma source(%dma_start3A_43 : memref<4096xf32, #tpu.memory_space<hbm>>) target(%arg14 : memref<4096xf32, #tpu.memory_space<vmem>>) target_semaphore(%arg26 : memref<!tpu.dma_semaphore, #tpu.memory_space<semaphore_mem>>)
    %add3A_44 = arith.constant 5 : i32
    %add3A_45 = arith.addi %add3A_4, %add3A_44 : i32
    %dma_start3A_46 = arith.constant 0 : i32
    %dma_start3A_47 = tpu.memref_slice %arg2[%add3A_45, %dma_start3A_46] : memref<4096x4096xf32, #tpu.memory_space<hbm>> -> memref<1x4096xf32, #tpu.memory_space<hbm>>
    %dma_start3A_48 = tpu.memref_squeeze %dma_start3A_47 : memref<1x4096xf32, #tpu.memory_space<hbm>> -> memref<4096xf32, #tpu.memory_space<hbm>>
    %dma_start3A_49 = arith.constant 0 : i32
    %dma_start3A_50 = tpu.memref_slice %arg2[%add3A_45, %dma_start3A_49] : memref<4096x4096xf32, #tpu.memory_space<hbm>> -> memref<1x4096xf32, #tpu.memory_space<hbm>>
    %dma_start3A_51 = tpu.memref_squeeze %dma_start3A_50 : memref<1x4096xf32, #tpu.memory_space<hbm>> -> memref<4096xf32, #tpu.memory_space<hbm>>
    tpu.enqueue_dma source(%dma_start3A_51 : memref<4096xf32, #tpu.memory_space<hbm>>) target(%arg15 : memref<4096xf32, #tpu.memory_space<vmem>>) target_semaphore(%arg26 : memref<!tpu.dma_semaphore, #tpu.memory_space<semaphore_mem>>)
    %add3A_52 = arith.constant 6 : i32
    %add3A_53 = arith.addi %add3A_4, %add3A_52 : i32
    %dma_start3A_54 = arith.constant 0 : i32
    %dma_start3A_55 = tpu.memref_slice %arg2[%add3A_53, %dma_start3A_54] : memref<4096x4096xf32, #tpu.memory_space<hbm>> -> memref<1x4096xf32, #tpu.memory_space<hbm>>
    %dma_start3A_56 = tpu.memref_squeeze %dma_start3A_55 : memref<1x4096xf32, #tpu.memory_space<hbm>> -> memref<4096xf32, #tpu.memory_space<hbm>>
    %dma_start3A_57 = arith.constant 0 : i32
    %dma_start3A_58 = tpu.memref_slice %arg2[%add3A_53, %dma_start3A_57] : memref<4096x4096xf32, #tpu.memory_space<hbm>> -> memref<1x4096xf32, #tpu.memory_space<hbm>>
    %dma_start3A_59 = tpu.memref_squeeze %dma_start3A_58 : memref<1x4096xf32, #tpu.memory_space<hbm>> -> memref<4096xf32, #tpu.memory_space<hbm>>
    tpu.enqueue_dma source(%dma_start3A_59 : memref<4096xf32, #tpu.memory_space<hbm>>) target(%arg16 : memref<4096xf32, #tpu.memory_space<vmem>>) target_semaphore(%arg26 : memref<!tpu.dma_semaphore, #tpu.memory_space<semaphore_mem>>)
    %add3A_60 = arith.constant 7 : i32
    %add3A_61 = arith.addi %add3A_4, %add3A_60 : i32
    %dma_start3A_62 = arith.constant 0 : i32
    %dma_start3A_63 = tpu.memref_slice %arg2[%add3A_61, %dma_start3A_62] : memref<4096x4096xf32, #tpu.memory_space<hbm>> -> memref<1x4096xf32, #tpu.memory_space<hbm>>
    %dma_start3A_64 = tpu.memref_squeeze %dma_start3A_63 : memref<1x4096xf32, #tpu.memory_space<hbm>> -> memref<4096xf32, #tpu.memory_space<hbm>>
    %dma_start3A_65 = arith.constant 0 : i32
    %dma_start3A_66 = tpu.memref_slice %arg2[%add3A_61, %dma_start3A_65] : memref<4096x4096xf32, #tpu.memory_space<hbm>> -> memref<1x4096xf32, #tpu.memory_space<hbm>>
    %dma_start3A_67 = tpu.memref_squeeze %dma_start3A_66 : memref<1x4096xf32, #tpu.memory_space<hbm>> -> memref<4096xf32, #tpu.memory_space<hbm>>
    tpu.enqueue_dma source(%dma_start3A_67 : memref<4096xf32, #tpu.memory_space<hbm>>) target(%arg17 : memref<4096xf32, #tpu.memory_space<vmem>>) target_semaphore(%arg26 : memref<!tpu.dma_semaphore, #tpu.memory_space<semaphore_mem>>)
    %add3A_68 = arith.constant 8 : i32
    %add3A_69 = arith.addi %mul3A_2, %add3A_68 : i32
    %add3A_70 = arith.constant 0 : i32
    %add3A_71 = arith.addi %add3A_69, %add3A_70 : i32
    %dma_start3A_72 = arith.constant 0 : i32
    %dma_start3A_73 = tpu.memref_slice %arg2[%add3A_71, %dma_start3A_72] : memref<4096x4096xf32, #tpu.memory_space<hbm>> -> memref<1x4096xf32, #tpu.memory_space<hbm>>
    %dma_start3A_74 = tpu.memref_squeeze %dma_start3A_73 : memref<1x4096xf32, #tpu.memory_space<hbm>> -> memref<4096xf32, #tpu.memory_space<hbm>>
    %dma_start3A_75 = arith.constant 0 : i32
    %dma_start3A_76 = tpu.memref_slice %arg2[%add3A_71, %dma_start3A_75] : memref<4096x4096xf32, #tpu.memory_space<hbm>> -> memref<1x4096xf32, #tpu.memory_space<hbm>>
    %dma_start3A_77 = tpu.memref_squeeze %dma_start3A_76 : memref<1x4096xf32, #tpu.memory_space<hbm>> -> memref<4096xf32, #tpu.memory_space<hbm>>
    tpu.enqueue_dma source(%dma_start3A_77 : memref<4096xf32, #tpu.memory_space<hbm>>) target(%arg18 : memref<4096xf32, #tpu.memory_space<vmem>>) target_semaphore(%arg27 : memref<!tpu.dma_semaphore, #tpu.memory_space<semaphore_mem>>)
    %add3A_78 = arith.constant 1 : i32
    %add3A_79 = arith.addi %add3A_69, %add3A_78 : i32
    %dma_start3A_80 = arith.constant 0 : i32
    %dma_start3A_81 = tpu.memref_slice %arg2[%add3A_79, %dma_start3A_80] : memref<4096x4096xf32, #tpu.memory_space<hbm>> -> memref<1x4096xf32, #tpu.memory_space<hbm>>
    %dma_start3A_82 = tpu.memref_squeeze %dma_start3A_81 : memref<1x4096xf32, #tpu.memory_space<hbm>> -> memref<4096xf32, #tpu.memory_space<hbm>>
    %dma_start3A_83 = arith.constant 0 : i32
    %dma_start3A_84 = tpu.memref_slice %arg2[%add3A_79, %dma_start3A_83] : memref<4096x4096xf32, #tpu.memory_space<hbm>> -> memref<1x4096xf32, #tpu.memory_space<hbm>>
    %dma_start3A_85 = tpu.memref_squeeze %dma_start3A_84 : memref<1x4096xf32, #tpu.memory_space<hbm>> -> memref<4096xf32, #tpu.memory_space<hbm>>
    tpu.enqueue_dma source(%dma_start3A_85 : memref<4096xf32, #tpu.memory_space<hbm>>) target(%arg19 : memref<4096xf32, #tpu.memory_space<vmem>>) target_semaphore(%arg27 : memref<!tpu.dma_semaphore, #tpu.memory_space<semaphore_mem>>)
    %add3A_86 = arith.constant 2 : i32
    %add3A_87 = arith.addi %add3A_69, %add3A_86 : i32
    %dma_start3A_88 = arith.constant 0 : i32
    %dma_start3A_89 = tpu.memref_slice %arg2[%add3A_87, %dma_start3A_88] : memref<4096x4096xf32, #tpu.memory_space<hbm>> -> memref<1x4096xf32, #tpu.memory_space<hbm>>
    %dma_start3A_90 = tpu.memref_squeeze %dma_start3A_89 : memref<1x4096xf32, #tpu.memory_space<hbm>> -> memref<4096xf32, #tpu.memory_space<hbm>>
    %dma_start3A_91 = arith.constant 0 : i32
    %dma_start3A_92 = tpu.memref_slice %arg2[%add3A_87, %dma_start3A_91] : memref<4096x4096xf32, #tpu.memory_space<hbm>> -> memref<1x4096xf32, #tpu.memory_space<hbm>>
    %dma_start3A_93 = tpu.memref_squeeze %dma_start3A_92 : memref<1x4096xf32, #tpu.memory_space<hbm>> -> memref<4096xf32, #tpu.memory_space<hbm>>
    tpu.enqueue_dma source(%dma_start3A_93 : memref<4096xf32, #tpu.memory_space<hbm>>) target(%arg20 : memref<4096xf32, #tpu.memory_space<vmem>>) target_semaphore(%arg27 : memref<!tpu.dma_semaphore, #tpu.memory_space<semaphore_mem>>)
    %add3A_94 = arith.constant 3 : i32
    %add3A_95 = arith.addi %add3A_69, %add3A_94 : i32
    %dma_start3A_96 = arith.constant 0 : i32
    %dma_start3A_97 = tpu.memref_slice %arg2[%add3A_95, %dma_start3A_96] : memref<4096x4096xf32, #tpu.memory_space<hbm>> -> memref<1x4096xf32, #tpu.memory_space<hbm>>
    %dma_start3A_98 = tpu.memref_squeeze %dma_start3A_97 : memref<1x4096xf32, #tpu.memory_space<hbm>> -> memref<4096xf32, #tpu.memory_space<hbm>>
    %dma_start3A_99 = arith.constant 0 : i32
    %dma_start3A_100 = tpu.memref_slice %arg2[%add3A_95, %dma_start3A_99] : memref<4096x4096xf32, #tpu.memory_space<hbm>> -> memref<1x4096xf32, #tpu.memory_space<hbm>>
    %dma_start3A_101 = tpu.memref_squeeze %dma_start3A_100 : memref<1x4096xf32, #tpu.memory_space<hbm>> -> memref<4096xf32, #tpu.memory_space<hbm>>
    tpu.enqueue_dma source(%dma_start3A_101 : memref<4096xf32, #tpu.memory_space<hbm>>) target(%arg21 : memref<4096xf32, #tpu.memory_space<vmem>>) target_semaphore(%arg27 : memref<!tpu.dma_semaphore, #tpu.memory_space<semaphore_mem>>)
    %add3A_102 = arith.constant 4 : i32
    %add3A_103 = arith.addi %add3A_69, %add3A_102 : i32
    %dma_start3A_104 = arith.constant 0 : i32
    %dma_start3A_105 = tpu.memref_slice %arg2[%add3A_103, %dma_start3A_104] : memref<4096x4096xf32, #tpu.memory_space<hbm>> -> memref<1x4096xf32, #tpu.memory_space<hbm>>
    %dma_start3A_106 = tpu.memref_squeeze %dma_start3A_105 : memref<1x4096xf32, #tpu.memory_space<hbm>> -> memref<4096xf32, #tpu.memory_space<hbm>>
    %dma_start3A_107 = arith.constant 0 : i32
    %dma_start3A_108 = tpu.memref_slice %arg2[%add3A_103, %dma_start3A_107] : memref<4096x4096xf32, #tpu.memory_space<hbm>> -> memref<1x4096xf32, #tpu.memory_space<hbm>>
    %dma_start3A_109 = tpu.memref_squeeze %dma_start3A_108 : memref<1x4096xf32, #tpu.memory_space<hbm>> -> memref<4096xf32, #tpu.memory_space<hbm>>
    tpu.enqueue_dma source(%dma_start3A_109 : memref<4096xf32, #tpu.memory_space<hbm>>) target(%arg22 : memref<4096xf32, #tpu.memory_space<vmem>>) target_semaphore(%arg27 : memref<!tpu.dma_semaphore, #tpu.memory_space<semaphore_mem>>)
    %add3A_110 = arith.constant 5 : i32
    %add3A_111 = arith.addi %add3A_69, %add3A_110 : i32
    %dma_start3A_112 = arith.constant 0 : i32
    %dma_start3A_113 = tpu.memref_slice %arg2[%add3A_111, %dma_start3A_112] : memref<4096x4096xf32, #tpu.memory_space<hbm>> -> memref<1x4096xf32, #tpu.memory_space<hbm>>
    %dma_start3A_114 = tpu.memref_squeeze %dma_start3A_113 : memref<1x4096xf32, #tpu.memory_space<hbm>> -> memref<4096xf32, #tpu.memory_space<hbm>>
    %dma_start3A_115 = arith.constant 0 : i32
    %dma_start3A_116 = tpu.memref_slice %arg2[%add3A_111, %dma_start3A_115] : memref<4096x4096xf32, #tpu.memory_space<hbm>> -> memref<1x4096xf32, #tpu.memory_space<hbm>>
    %dma_start3A_117 = tpu.memref_squeeze %dma_start3A_116 : memref<1x4096xf32, #tpu.memory_space<hbm>> -> memref<4096xf32, #tpu.memory_space<hbm>>
    tpu.enqueue_dma source(%dma_start3A_117 : memref<4096xf32, #tpu.memory_space<hbm>>) target(%arg23 : memref<4096xf32, #tpu.memory_space<vmem>>) target_semaphore(%arg27 : memref<!tpu.dma_semaphore, #tpu.memory_space<semaphore_mem>>)
    %add3A_118 = arith.constant 6 : i32
    %add3A_119 = arith.addi %add3A_69, %add3A_118 : i32
    %dma_start3A_120 = arith.constant 0 : i32
    %dma_start3A_121 = tpu.memref_slice %arg2[%add3A_119, %dma_start3A_120] : memref<4096x4096xf32, #tpu.memory_space<hbm>> -> memref<1x4096xf32, #tpu.memory_space<hbm>>
    %dma_start3A_122 = tpu.memref_squeeze %dma_start3A_121 : memref<1x4096xf32, #tpu.memory_space<hbm>> -> memref<4096xf32, #tpu.memory_space<hbm>>
    %dma_start3A_123 = arith.constant 0 : i32
    %dma_start3A_124 = tpu.memref_slice %arg2[%add3A_119, %dma_start3A_123] : memref<4096x4096xf32, #tpu.memory_space<hbm>> -> memref<1x4096xf32, #tpu.memory_space<hbm>>
    %dma_start3A_125 = tpu.memref_squeeze %dma_start3A_124 : memref<1x4096xf32, #tpu.memory_space<hbm>> -> memref<4096xf32, #tpu.memory_space<hbm>>
    tpu.enqueue_dma source(%dma_start3A_125 : memref<4096xf32, #tpu.memory_space<hbm>>) target(%arg24 : memref<4096xf32, #tpu.memory_space<vmem>>) target_semaphore(%arg27 : memref<!tpu.dma_semaphore, #tpu.memory_space<semaphore_mem>>)
    %add3A_126 = arith.constant 7 : i32
    %add3A_127 = arith.addi %add3A_69, %add3A_126 : i32
    %dma_start3A_128 = arith.constant 0 : i32
    %dma_start3A_129 = tpu.memref_slice %arg2[%add3A_127, %dma_start3A_128] : memref<4096x4096xf32, #tpu.memory_space<hbm>> -> memref<1x4096xf32, #tpu.memory_space<hbm>>
    %dma_start3A_130 = tpu.memref_squeeze %dma_start3A_129 : memref<1x4096xf32, #tpu.memory_space<hbm>> -> memref<4096xf32, #tpu.memory_space<hbm>>
    %dma_start3A_131 = arith.constant 0 : i32
    %dma_start3A_132 = tpu.memref_slice %arg2[%add3A_127, %dma_start3A_131] : memref<4096x4096xf32, #tpu.memory_space<hbm>> -> memref<1x4096xf32, #tpu.memory_space<hbm>>
    %dma_start3A_133 = tpu.memref_squeeze %dma_start3A_132 : memref<1x4096xf32, #tpu.memory_space<hbm>> -> memref<4096xf32, #tpu.memory_space<hbm>>
    tpu.enqueue_dma source(%dma_start3A_133 : memref<4096xf32, #tpu.memory_space<hbm>>) target(%arg25 : memref<4096xf32, #tpu.memory_space<vmem>>) target_semaphore(%arg27 : memref<!tpu.dma_semaphore, #tpu.memory_space<semaphore_mem>>)
    "tpu.region"() ({
      %run_scoped3A = tpu.sem_alloc : memref<!tpu.dma_semaphore, #tpu.memory_space<semaphore_mem>>
      tpu.enqueue_dma source(%arg3 : memref<4096xi32, #tpu.memory_space<hbm>>) target(%arg6 : memref<4096xi32, #tpu.memory_space<vmem>>) target_semaphore(%run_scoped3A : memref<!tpu.dma_semaphore, #tpu.memory_space<semaphore_mem>>)
      tpu.wait_dma2 semaphore(%run_scoped3A : memref<!tpu.dma_semaphore, #tpu.memory_space<semaphore_mem>>) src(%arg3 : memref<4096xi32, #tpu.memory_space<hbm>>) dst(%arg6 : memref<4096xi32, #tpu.memory_space<vmem>>)
      tpu.yield
    }) : () -> ()
    "tpu.region"() ({
      %run_scoped3A = tpu.sem_alloc : memref<!tpu.dma_semaphore, #tpu.memory_space<semaphore_mem>>
      tpu.enqueue_dma source(%arg4 : memref<2x4096xi32, #tpu.memory_space<hbm>>) target(%arg7 : memref<2x4096xi32, #tpu.memory_space<vmem>>) target_semaphore(%run_scoped3A : memref<!tpu.dma_semaphore, #tpu.memory_space<semaphore_mem>>)
      tpu.wait_dma2 semaphore(%run_scoped3A : memref<!tpu.dma_semaphore, #tpu.memory_space<semaphore_mem>>) src(%arg4 : memref<2x4096xi32, #tpu.memory_space<hbm>>) dst(%arg7 : memref<2x4096xi32, #tpu.memory_space<vmem>>)
      tpu.yield
    }) : () -> ()
    %broadcast_in_dim3A = arith.constant 65535 : i32
    %broadcast_in_dim3A_134 = vector.broadcast %broadcast_in_dim3A : i32 to vector<16xi32>
    %broadcast_in_dim3A_135 = arith.constant -65536 : i32
    %broadcast_in_dim3A_136 = vector.broadcast %broadcast_in_dim3A_135 : i32 to vector<16xi32>
    %scan3A = arith.constant 0 : i32
    %scan3A_137 = arith.constant 0 : i32
    %scan3A_138 = arith.constant 8 : i32
    %scan3A_139 = arith.addi %scan3A_137, %scan3A_138 : i32
    %scan3A_140 = arith.constant 1 : i32
    scf.for %scan3A_153 = %scan3A_137 to %scan3A_139 step %scan3A_140  : i32 {
      %mul3A_154 = arith.constant 2 : i32
      %mul3A_155 = arith.muli %scan3A_153, %mul3A_154 : i32
      %add3A_156 = arith.constant 0 : i32
      %add3A_157 = arith.addi %mul3A_155, %add3A_156 : i32
      %mul3A_158 = arith.constant 8 : i32
      %mul3A_159 = arith.muli %add3A_157, %mul3A_158 : i32
      %add3A_160 = arith.addi %mul3A_2, %mul3A_159 : i32
      %mul3A_161 = arith.constant 8 : i32
      %mul3A_162 = arith.muli %add3A_157, %mul3A_161 : i32
      %add3A_163 = arith.addi %mul3A_2, %mul3A_162 : i32
      %add3A_164 = arith.constant 0 : i32
      %add3A_165 = arith.addi %add3A_163, %add3A_164 : i32
      %dma_wait3A_166 = arith.constant 0 : i32
      %dma_wait3A_167 = tpu.memref_slice %arg2[%add3A_165, %dma_wait3A_166] : memref<4096x4096xf32, #tpu.memory_space<hbm>> -> memref<1x4096xf32, #tpu.memory_space<hbm>>
      %dma_wait3A_168 = tpu.memref_squeeze %dma_wait3A_167 : memref<1x4096xf32, #tpu.memory_space<hbm>> -> memref<4096xf32, #tpu.memory_space<hbm>>
      %dma_wait3A_169 = arith.constant 0 : i32
      %dma_wait3A_170 = tpu.memref_slice %arg2[%add3A_165, %dma_wait3A_169] : memref<4096x4096xf32, #tpu.memory_space<hbm>> -> memref<1x4096xf32, #tpu.memory_space<hbm>>
      %dma_wait3A_171 = tpu.memref_squeeze %dma_wait3A_170 : memref<1x4096xf32, #tpu.memory_space<hbm>> -> memref<4096xf32, #tpu.memory_space<hbm>>
      tpu.wait_dma2 semaphore(%arg26 : memref<!tpu.dma_semaphore, #tpu.memory_space<semaphore_mem>>) src(%dma_wait3A_171 : memref<4096xf32, #tpu.memory_space<hbm>>) dst(%arg10 : memref<4096xf32, #tpu.memory_space<vmem>>)
      %add3A_172 = arith.constant 1 : i32
      %add3A_173 = arith.addi %add3A_163, %add3A_172 : i32
      %dma_wait3A_174 = arith.constant 0 : i32
      %dma_wait3A_175 = tpu.memref_slice %arg2[%add3A_173, %dma_wait3A_174] : memref<4096x4096xf32, #tpu.memory_space<hbm>> -> memref<1x4096xf32, #tpu.memory_space<hbm>>
      %dma_wait3A_176 = tpu.memref_squeeze %dma_wait3A_175 : memref<1x4096xf32, #tpu.memory_space<hbm>> -> memref<4096xf32, #tpu.memory_space<hbm>>
      %dma_wait3A_177 = arith.constant 0 : i32
      %dma_wait3A_178 = tpu.memref_slice %arg2[%add3A_173, %dma_wait3A_177] : memref<4096x4096xf32, #tpu.memory_space<hbm>> -> memref<1x4096xf32, #tpu.memory_space<hbm>>
      %dma_wait3A_179 = tpu.memref_squeeze %dma_wait3A_178 : memref<1x4096xf32, #tpu.memory_space<hbm>> -> memref<4096xf32, #tpu.memory_space<hbm>>
      tpu.wait_dma2 semaphore(%arg26 : memref<!tpu.dma_semaphore, #tpu.memory_space<semaphore_mem>>) src(%dma_wait3A_179 : memref<4096xf32, #tpu.memory_space<hbm>>) dst(%arg11 : memref<4096xf32, #tpu.memory_space<vmem>>)
      %add3A_180 = arith.constant 2 : i32
      %add3A_181 = arith.addi %add3A_163, %add3A_180 : i32
      %dma_wait3A_182 = arith.constant 0 : i32
      %dma_wait3A_183 = tpu.memref_slice %arg2[%add3A_181, %dma_wait3A_182] : memref<4096x4096xf32, #tpu.memory_space<hbm>> -> memref<1x4096xf32, #tpu.memory_space<hbm>>
      %dma_wait3A_184 = tpu.memref_squeeze %dma_wait3A_183 : memref<1x4096xf32, #tpu.memory_space<hbm>> -> memref<4096xf32, #tpu.memory_space<hbm>>
      %dma_wait3A_185 = arith.constant 0 : i32
      %dma_wait3A_186 = tpu.memref_slice %arg2[%add3A_181, %dma_wait3A_185] : memref<4096x4096xf32, #tpu.memory_space<hbm>> -> memref<1x4096xf32, #tpu.memory_space<hbm>>
      %dma_wait3A_187 = tpu.memref_squeeze %dma_wait3A_186 : memref<1x4096xf32, #tpu.memory_space<hbm>> -> memref<4096xf32, #tpu.memory_space<hbm>>
      tpu.wait_dma2 semaphore(%arg26 : memref<!tpu.dma_semaphore, #tpu.memory_space<semaphore_mem>>) src(%dma_wait3A_187 : memref<4096xf32, #tpu.memory_space<hbm>>) dst(%arg12 : memref<4096xf32, #tpu.memory_space<vmem>>)
      %add3A_188 = arith.constant 3 : i32
      %add3A_189 = arith.addi %add3A_163, %add3A_188 : i32
      %dma_wait3A_190 = arith.constant 0 : i32
      %dma_wait3A_191 = tpu.memref_slice %arg2[%add3A_189, %dma_wait3A_190] : memref<4096x4096xf32, #tpu.memory_space<hbm>> -> memref<1x4096xf32, #tpu.memory_space<hbm>>
      %dma_wait3A_192 = tpu.memref_squeeze %dma_wait3A_191 : memref<1x4096xf32, #tpu.memory_space<hbm>> -> memref<4096xf32, #tpu.memory_space<hbm>>
      %dma_wait3A_193 = arith.constant 0 : i32
      %dma_wait3A_194 = tpu.memref_slice %arg2[%add3A_189, %dma_wait3A_193] : memref<4096x4096xf32, #tpu.memory_space<hbm>> -> memref<1x4096xf32, #tpu.memory_space<hbm>>
      %dma_wait3A_195 = tpu.memref_squeeze %dma_wait3A_194 : memref<1x4096xf32, #tpu.memory_space<hbm>> -> memref<4096xf32, #tpu.memory_space<hbm>>
      tpu.wait_dma2 semaphore(%arg26 : memref<!tpu.dma_semaphore, #tpu.memory_space<semaphore_mem>>) src(%dma_wait3A_195 : memref<4096xf32, #tpu.memory_space<hbm>>) dst(%arg13 : memref<4096xf32, #tpu.memory_space<vmem>>)
      %add3A_196 = arith.constant 4 : i32
      %add3A_197 = arith.addi %add3A_163, %add3A_196 : i32
      %dma_wait3A_198 = arith.constant 0 : i32
      %dma_wait3A_199 = tpu.memref_slice %arg2[%add3A_197, %dma_wait3A_198] : memref<4096x4096xf32, #tpu.memory_space<hbm>> -> memref<1x4096xf32, #tpu.memory_space<hbm>>
      %dma_wait3A_200 = tpu.memref_squeeze %dma_wait3A_199 : memref<1x4096xf32, #tpu.memory_space<hbm>> -> memref<4096xf32, #tpu.memory_space<hbm>>
      %dma_wait3A_201 = arith.constant 0 : i32
      %dma_wait3A_202 = tpu.memref_slice %arg2[%add3A_197, %dma_wait3A_201] : memref<4096x4096xf32, #tpu.memory_space<hbm>> -> memref<1x4096xf32, #tpu.memory_space<hbm>>
      %dma_wait3A_203 = tpu.memref_squeeze %dma_wait3A_202 : memref<1x4096xf32, #tpu.memory_space<hbm>> -> memref<4096xf32, #tpu.memory_space<hbm>>
      tpu.wait_dma2 semaphore(%arg26 : memref<!tpu.dma_semaphore, #tpu.memory_space<semaphore_mem>>) src(%dma_wait3A_203 : memref<4096xf32, #tpu.memory_space<hbm>>) dst(%arg14 : memref<4096xf32, #tpu.memory_space<vmem>>)
      %add3A_204 = arith.constant 5 : i32
      %add3A_205 = arith.addi %add3A_163, %add3A_204 : i32
      %dma_wait3A_206 = arith.constant 0 : i32
      %dma_wait3A_207 = tpu.memref_slice %arg2[%add3A_205, %dma_wait3A_206] : memref<4096x4096xf32, #tpu.memory_space<hbm>> -> memref<1x4096xf32, #tpu.memory_space<hbm>>
      %dma_wait3A_208 = tpu.memref_squeeze %dma_wait3A_207 : memref<1x4096xf32, #tpu.memory_space<hbm>> -> memref<4096xf32, #tpu.memory_space<hbm>>
      %dma_wait3A_209 = arith.constant 0 : i32
      %dma_wait3A_210 = tpu.memref_slice %arg2[%add3A_205, %dma_wait3A_209] : memref<4096x4096xf32, #tpu.memory_space<hbm>> -> memref<1x4096xf32, #tpu.memory_space<hbm>>
      %dma_wait3A_211 = tpu.memref_squeeze %dma_wait3A_210 : memref<1x4096xf32, #tpu.memory_space<hbm>> -> memref<4096xf32, #tpu.memory_space<hbm>>
      tpu.wait_dma2 semaphore(%arg26 : memref<!tpu.dma_semaphore, #tpu.memory_space<semaphore_mem>>) src(%dma_wait3A_211 : memref<4096xf32, #tpu.memory_space<hbm>>) dst(%arg15 : memref<4096xf32, #tpu.memory_space<vmem>>)
      %add3A_212 = arith.constant 6 : i32
      %add3A_213 = arith.addi %add3A_163, %add3A_212 : i32
      %dma_wait3A_214 = arith.constant 0 : i32
      %dma_wait3A_215 = tpu.memref_slice %arg2[%add3A_213, %dma_wait3A_214] : memref<4096x4096xf32, #tpu.memory_space<hbm>> -> memref<1x4096xf32, #tpu.memory_space<hbm>>
      %dma_wait3A_216 = tpu.memref_squeeze %dma_wait3A_215 : memref<1x4096xf32, #tpu.memory_space<hbm>> -> memref<4096xf32, #tpu.memory_space<hbm>>
      %dma_wait3A_217 = arith.constant 0 : i32
      %dma_wait3A_218 = tpu.memref_slice %arg2[%add3A_213, %dma_wait3A_217] : memref<4096x4096xf32, #tpu.memory_space<hbm>> -> memref<1x4096xf32, #tpu.memory_space<hbm>>
      %dma_wait3A_219 = tpu.memref_squeeze %dma_wait3A_218 : memref<1x4096xf32, #tpu.memory_space<hbm>> -> memref<4096xf32, #tpu.memory_space<hbm>>
      tpu.wait_dma2 semaphore(%arg26 : memref<!tpu.dma_semaphore, #tpu.memory_space<semaphore_mem>>) src(%dma_wait3A_219 : memref<4096xf32, #tpu.memory_space<hbm>>) dst(%arg16 : memref<4096xf32, #tpu.memory_space<vmem>>)
      %add3A_220 = arith.constant 7 : i32
      %add3A_221 = arith.addi %add3A_163, %add3A_220 : i32
      %dma_wait3A_222 = arith.constant 0 : i32
      %dma_wait3A_223 = tpu.memref_slice %arg2[%add3A_221, %dma_wait3A_222] : memref<4096x4096xf32, #tpu.memory_space<hbm>> -> memref<1x4096xf32, #tpu.memory_space<hbm>>
      %dma_wait3A_224 = tpu.memref_squeeze %dma_wait3A_223 : memref<1x4096xf32, #tpu.memory_space<hbm>> -> memref<4096xf32, #tpu.memory_space<hbm>>
      %dma_wait3A_225 = arith.constant 0 : i32
      %dma_wait3A_226 = tpu.memref_slice %arg2[%add3A_221, %dma_wait3A_225] : memref<4096x4096xf32, #tpu.memory_space<hbm>> -> memref<1x4096xf32, #tpu.memory_space<hbm>>
      %dma_wait3A_227 = tpu.memref_squeeze %dma_wait3A_226 : memref<1x4096xf32, #tpu.memory_space<hbm>> -> memref<4096xf32, #tpu.memory_space<hbm>>
      tpu.wait_dma2 semaphore(%arg26 : memref<!tpu.dma_semaphore, #tpu.memory_space<semaphore_mem>>) src(%dma_wait3A_227 : memref<4096xf32, #tpu.memory_space<hbm>>) dst(%arg17 : memref<4096xf32, #tpu.memory_space<vmem>>)
      %ge3A = arith.constant 1 : i32
      %ge3A_228 = arith.cmpi sge, %add3A_157, %ge3A : i32
      %convert_element_type3A = arith.extui %ge3A_228 : i1 to i32
      %cond3A = arith.constant 0 : i32
      %cond3A_229 = arith.cmpi ne, %convert_element_type3A, %cond3A : i32
      scf.if %cond3A_229 {
        %dma_wait3A_355 = arith.constant 0 : i32
        %dma_wait3A_356 = tpu.memref_slice %arg5[%add3A_160, %dma_wait3A_355] : memref<4096x4096xf32, #tpu.memory_space<hbm>> -> memref<8x2048xf32, #tpu.memory_space<hbm>>
        %dma_wait3A_357 = arith.constant 0 : i32
        %dma_wait3A_358 = tpu.memref_slice %arg5[%add3A_160, %dma_wait3A_357] : memref<4096x4096xf32, #tpu.memory_space<hbm>> -> memref<8x2048xf32, #tpu.memory_space<hbm>>
        tpu.wait_dma2 semaphore(%arg28 : memref<!tpu.dma_semaphore, #tpu.memory_space<semaphore_mem>>) src(%arg8 : memref<8x2048xf32, #tpu.memory_space<vmem>>) dst(%dma_wait3A_358 : memref<8x2048xf32, #tpu.memory_space<hbm>>)
      } else {
      }
      %parallel_loop3A = arith.constant 0 : i32
      %parallel_loop3A_230 = arith.constant 128 : i32
      %parallel_loop3A_231 = arith.constant 1 : i32
      scf.for %parallel_loop3A_355 = %parallel_loop3A to %parallel_loop3A_230 step %parallel_loop3A_231  : i32 {
        %parallel_loop3A_356 = arith.constant 16 : i32
        %parallel_loop3A_357 = arith.muli %parallel_loop3A_355, %parallel_loop3A_356 : i32
        %parallel_loop3A_358 = arith.constant 0 : i32
        %parallel_loop3A_359 = arith.addi %parallel_loop3A_358, %parallel_loop3A_357 : i32
        %parallel_loop3A_360 = arith.index_cast %parallel_loop3A_359 : i32 to index
        %parallel_loop3A_361 = tpu.vector_load %arg6[%parallel_loop3A_360] {strides = array<i32>} : memref<4096xi32, #tpu.memory_space<vmem>>, vector<16xi32>,
        %parallel_loop3A_362 = arith.andi %parallel_loop3A_361, %broadcast_in_dim3A_134 : vector<16xi32>
        %parallel_loop3A_363 = arith.constant 16 : i32
        %parallel_loop3A_364 = vector.broadcast %parallel_loop3A_363 : i32 to vector<16xi32>
        %parallel_loop3A_365 = arith.shrui %parallel_loop3A_361, %parallel_loop3A_364 : vector<16xi32>
        %parallel_loop3A_366 = arith.constant 0 : i32
        %parallel_loop3A_367 = arith.index_cast %parallel_loop3A_366 : i32 to index
        %parallel_loop3A_368 = arith.index_cast %parallel_loop3A_359 : i32 to index
        %parallel_loop3A_369 = tpu.vector_load %arg7[%parallel_loop3A_367, %parallel_loop3A_368] {strides = array<i32>} : memref<2x4096xi32, #tpu.memory_space<vmem>>, vector<16xi32>,
        %parallel_loop3A_370 = arith.constant 1 : i32
        %parallel_loop3A_371 = arith.index_cast %parallel_loop3A_370 : i32 to index
        %parallel_loop3A_372 = arith.index_cast %parallel_loop3A_359 : i32 to index
        %parallel_loop3A_373 = tpu.vector_load %arg7[%parallel_loop3A_371, %parallel_loop3A_372] {strides = array<i32>} : memref<2x4096xi32, #tpu.memory_space<vmem>>, vector<16xi32>,
        %parallel_loop3A_374 = arith.andi %parallel_loop3A_369, %broadcast_in_dim3A_136 : vector<16xi32>
        %parallel_loop3A_375 = vector.bitcast %parallel_loop3A_374 : vector<16xi32> to vector<16xf32>
        %parallel_loop3A_376 = arith.constant 16 : i32
        %parallel_loop3A_377 = vector.broadcast %parallel_loop3A_376 : i32 to vector<16xi32>
        %parallel_loop3A_378 = arith.shli %parallel_loop3A_369, %parallel_loop3A_377 : vector<16xi32>
        %parallel_loop3A_379 = vector.bitcast %parallel_loop3A_378 : vector<16xi32> to vector<16xf32>
        %parallel_loop3A_380 = arith.andi %parallel_loop3A_373, %broadcast_in_dim3A_136 : vector<16xi32>
        %parallel_loop3A_381 = vector.bitcast %parallel_loop3A_380 : vector<16xi32> to vector<16xf32>
        %parallel_loop3A_382 = arith.constant 16 : i32
        %parallel_loop3A_383 = vector.broadcast %parallel_loop3A_382 : i32 to vector<16xi32>
        %parallel_loop3A_384 = arith.shli %parallel_loop3A_373, %parallel_loop3A_383 : vector<16xi32>
        %parallel_loop3A_385 = vector.bitcast %parallel_loop3A_384 : vector<16xi32> to vector<16xf32>
        %parallel_loop3A_386 = tpu.vector_load_idx %arg10[%parallel_loop3A_362] : memref<4096xf32, #tpu.memory_space<vmem>>[vector<16xi32>], vector<16xf32>,
        %parallel_loop3A_387 = tpu.vector_load_idx %arg10[%parallel_loop3A_365] : memref<4096xf32, #tpu.memory_space<vmem>>[vector<16xi32>], vector<16xf32>,
        %parallel_loop3A_388 = tpu.vector_load_idx %arg11[%parallel_loop3A_362] : memref<4096xf32, #tpu.memory_space<vmem>>[vector<16xi32>], vector<16xf32>,
        %parallel_loop3A_389 = tpu.vector_load_idx %arg11[%parallel_loop3A_365] : memref<4096xf32, #tpu.memory_space<vmem>>[vector<16xi32>], vector<16xf32>,
        %parallel_loop3A_390 = tpu.vector_load_idx %arg12[%parallel_loop3A_362] : memref<4096xf32, #tpu.memory_space<vmem>>[vector<16xi32>], vector<16xf32>,
        %parallel_loop3A_391 = tpu.vector_load_idx %arg12[%parallel_loop3A_365] : memref<4096xf32, #tpu.memory_space<vmem>>[vector<16xi32>], vector<16xf32>,
        %parallel_loop3A_392 = tpu.vector_load_idx %arg13[%parallel_loop3A_362] : memref<4096xf32, #tpu.memory_space<vmem>>[vector<16xi32>], vector<16xf32>,
        %parallel_loop3A_393 = tpu.vector_load_idx %arg13[%parallel_loop3A_365] : memref<4096xf32, #tpu.memory_space<vmem>>[vector<16xi32>], vector<16xf32>,
        %parallel_loop3A_394 = tpu.vector_load_idx %arg14[%parallel_loop3A_362] : memref<4096xf32, #tpu.memory_space<vmem>>[vector<16xi32>], vector<16xf32>,
        %parallel_loop3A_395 = tpu.vector_load_idx %arg14[%parallel_loop3A_365] : memref<4096xf32, #tpu.memory_space<vmem>>[vector<16xi32>], vector<16xf32>,
        %parallel_loop3A_396 = tpu.vector_load_idx %arg15[%parallel_loop3A_362] : memref<4096xf32, #tpu.memory_space<vmem>>[vector<16xi32>], vector<16xf32>,
        %parallel_loop3A_397 = tpu.vector_load_idx %arg15[%parallel_loop3A_365] : memref<4096xf32, #tpu.memory_space<vmem>>[vector<16xi32>], vector<16xf32>,
        %parallel_loop3A_398 = tpu.vector_load_idx %arg16[%parallel_loop3A_362] : memref<4096xf32, #tpu.memory_space<vmem>>[vector<16xi32>], vector<16xf32>,
        %parallel_loop3A_399 = tpu.vector_load_idx %arg16[%parallel_loop3A_365] : memref<4096xf32, #tpu.memory_space<vmem>>[vector<16xi32>], vector<16xf32>,
        %parallel_loop3A_400 = tpu.vector_load_idx %arg17[%parallel_loop3A_362] : memref<4096xf32, #tpu.memory_space<vmem>>[vector<16xi32>], vector<16xf32>,
        %parallel_loop3A_401 = tpu.vector_load_idx %arg17[%parallel_loop3A_365] : memref<4096xf32, #tpu.memory_space<vmem>>[vector<16xi32>], vector<16xf32>,
        %parallel_loop3A_402 = arith.mulf %parallel_loop3A_379, %parallel_loop3A_386 : vector<16xf32>
        %parallel_loop3A_403 = arith.addf %parallel_loop3A_375, %parallel_loop3A_402 : vector<16xf32>
        %parallel_loop3A_404 = arith.mulf %parallel_loop3A_385, %parallel_loop3A_386 : vector<16xf32>
        %parallel_loop3A_405 = arith.addf %parallel_loop3A_381, %parallel_loop3A_404 : vector<16xf32>
        %parallel_loop3A_406 = arith.mulf %parallel_loop3A_387, %parallel_loop3A_405 : vector<16xf32>
        %parallel_loop3A_407 = arith.addf %parallel_loop3A_403, %parallel_loop3A_406 : vector<16xf32>
        %parallel_loop3A_408 = arith.constant 16 : i32
        %parallel_loop3A_409 = arith.muli %parallel_loop3A_355, %parallel_loop3A_408 : i32
        %parallel_loop3A_410 = arith.constant 0 : i32
        %parallel_loop3A_411 = arith.index_cast %parallel_loop3A_410 : i32 to index
        %parallel_loop3A_412 = arith.index_cast %parallel_loop3A_409 : i32 to index
        %parallel_loop3A_413 = tpu.vector_load %arg8[%parallel_loop3A_411, %parallel_loop3A_412] {strides = array<i32>} : memref<8x2048xf32, #tpu.memory_space<vmem>>, vector<16xf32>,
        tpu.vector_store %arg8[%parallel_loop3A_411, %parallel_loop3A_412], %parallel_loop3A_407 {strides = array<i32>} : memref<8x2048xf32, #tpu.memory_space<vmem>>, vector<16xf32>,
        %parallel_loop3A_414 = arith.mulf %parallel_loop3A_379, %parallel_loop3A_388 : vector<16xf32>
        %parallel_loop3A_415 = arith.addf %parallel_loop3A_375, %parallel_loop3A_414 : vector<16xf32>
        %parallel_loop3A_416 = arith.mulf %parallel_loop3A_385, %parallel_loop3A_388 : vector<16xf32>
        %parallel_loop3A_417 = arith.addf %parallel_loop3A_381, %parallel_loop3A_416 : vector<16xf32>
        %parallel_loop3A_418 = arith.mulf %parallel_loop3A_389, %parallel_loop3A_417 : vector<16xf32>
        %parallel_loop3A_419 = arith.addf %parallel_loop3A_415, %parallel_loop3A_418 : vector<16xf32>
        %parallel_loop3A_420 = arith.constant 16 : i32
        %parallel_loop3A_421 = arith.muli %parallel_loop3A_355, %parallel_loop3A_420 : i32
        %parallel_loop3A_422 = arith.constant 1 : i32
        %parallel_loop3A_423 = arith.index_cast %parallel_loop3A_422 : i32 to index
        %parallel_loop3A_424 = arith.index_cast %parallel_loop3A_421 : i32 to index
        %parallel_loop3A_425 = tpu.vector_load %arg8[%parallel_loop3A_423, %parallel_loop3A_424] {strides = array<i32>} : memref<8x2048xf32, #tpu.memory_space<vmem>>, vector<16xf32>,
        tpu.vector_store %arg8[%parallel_loop3A_423, %parallel_loop3A_424], %parallel_loop3A_419 {strides = array<i32>} : memref<8x2048xf32, #tpu.memory_space<vmem>>, vector<16xf32>,
        %parallel_loop3A_426 = arith.mulf %parallel_loop3A_379, %parallel_loop3A_390 : vector<16xf32>
        %parallel_loop3A_427 = arith.addf %parallel_loop3A_375, %parallel_loop3A_426 : vector<16xf32>
        %parallel_loop3A_428 = arith.mulf %parallel_loop3A_385, %parallel_loop3A_390 : vector<16xf32>
        %parallel_loop3A_429 = arith.addf %parallel_loop3A_381, %parallel_loop3A_428 : vector<16xf32>
        %parallel_loop3A_430 = arith.mulf %parallel_loop3A_391, %parallel_loop3A_429 : vector<16xf32>
        %parallel_loop3A_431 = arith.addf %parallel_loop3A_427, %parallel_loop3A_430 : vector<16xf32>
        %parallel_loop3A_432 = arith.constant 16 : i32
        %parallel_loop3A_433 = arith.muli %parallel_loop3A_355, %parallel_loop3A_432 : i32
        %parallel_loop3A_434 = arith.constant 2 : i32
        %parallel_loop3A_435 = arith.index_cast %parallel_loop3A_434 : i32 to index
        %parallel_loop3A_436 = arith.index_cast %parallel_loop3A_433 : i32 to index
        %parallel_loop3A_437 = tpu.vector_load %arg8[%parallel_loop3A_435, %parallel_loop3A_436] {strides = array<i32>} : memref<8x2048xf32, #tpu.memory_space<vmem>>, vector<16xf32>,
        tpu.vector_store %arg8[%parallel_loop3A_435, %parallel_loop3A_436], %parallel_loop3A_431 {strides = array<i32>} : memref<8x2048xf32, #tpu.memory_space<vmem>>, vector<16xf32>,
        %parallel_loop3A_438 = arith.mulf %parallel_loop3A_379, %parallel_loop3A_392 : vector<16xf32>
        %parallel_loop3A_439 = arith.addf %parallel_loop3A_375, %parallel_loop3A_438 : vector<16xf32>
        %parallel_loop3A_440 = arith.mulf %parallel_loop3A_385, %parallel_loop3A_392 : vector<16xf32>
        %parallel_loop3A_441 = arith.addf %parallel_loop3A_381, %parallel_loop3A_440 : vector<16xf32>
        %parallel_loop3A_442 = arith.mulf %parallel_loop3A_393, %parallel_loop3A_441 : vector<16xf32>
        %parallel_loop3A_443 = arith.addf %parallel_loop3A_439, %parallel_loop3A_442 : vector<16xf32>
        %parallel_loop3A_444 = arith.constant 16 : i32
        %parallel_loop3A_445 = arith.muli %parallel_loop3A_355, %parallel_loop3A_444 : i32
        %parallel_loop3A_446 = arith.constant 3 : i32
        %parallel_loop3A_447 = arith.index_cast %parallel_loop3A_446 : i32 to index
        %parallel_loop3A_448 = arith.index_cast %parallel_loop3A_445 : i32 to index
        %parallel_loop3A_449 = tpu.vector_load %arg8[%parallel_loop3A_447, %parallel_loop3A_448] {strides = array<i32>} : memref<8x2048xf32, #tpu.memory_space<vmem>>, vector<16xf32>,
        tpu.vector_store %arg8[%parallel_loop3A_447, %parallel_loop3A_448], %parallel_loop3A_443 {strides = array<i32>} : memref<8x2048xf32, #tpu.memory_space<vmem>>, vector<16xf32>,
        %parallel_loop3A_450 = arith.mulf %parallel_loop3A_379, %parallel_loop3A_394 : vector<16xf32>
        %parallel_loop3A_451 = arith.addf %parallel_loop3A_375, %parallel_loop3A_450 : vector<16xf32>
        %parallel_loop3A_452 = arith.mulf %parallel_loop3A_385, %parallel_loop3A_394 : vector<16xf32>
        %parallel_loop3A_453 = arith.addf %parallel_loop3A_381, %parallel_loop3A_452 : vector<16xf32>
        %parallel_loop3A_454 = arith.mulf %parallel_loop3A_395, %parallel_loop3A_453 : vector<16xf32>
        %parallel_loop3A_455 = arith.addf %parallel_loop3A_451, %parallel_loop3A_454 : vector<16xf32>
        %parallel_loop3A_456 = arith.constant 16 : i32
        %parallel_loop3A_457 = arith.muli %parallel_loop3A_355, %parallel_loop3A_456 : i32
        %parallel_loop3A_458 = arith.constant 4 : i32
        %parallel_loop3A_459 = arith.index_cast %parallel_loop3A_458 : i32 to index
        %parallel_loop3A_460 = arith.index_cast %parallel_loop3A_457 : i32 to index
        %parallel_loop3A_461 = tpu.vector_load %arg8[%parallel_loop3A_459, %parallel_loop3A_460] {strides = array<i32>} : memref<8x2048xf32, #tpu.memory_space<vmem>>, vector<16xf32>,
        tpu.vector_store %arg8[%parallel_loop3A_459, %parallel_loop3A_460], %parallel_loop3A_455 {strides = array<i32>} : memref<8x2048xf32, #tpu.memory_space<vmem>>, vector<16xf32>,
        %parallel_loop3A_462 = arith.mulf %parallel_loop3A_379, %parallel_loop3A_396 : vector<16xf32>
        %parallel_loop3A_463 = arith.addf %parallel_loop3A_375, %parallel_loop3A_462 : vector<16xf32>
        %parallel_loop3A_464 = arith.mulf %parallel_loop3A_385, %parallel_loop3A_396 : vector<16xf32>
        %parallel_loop3A_465 = arith.addf %parallel_loop3A_381, %parallel_loop3A_464 : vector<16xf32>
        %parallel_loop3A_466 = arith.mulf %parallel_loop3A_397, %parallel_loop3A_465 : vector<16xf32>
        %parallel_loop3A_467 = arith.addf %parallel_loop3A_463, %parallel_loop3A_466 : vector<16xf32>
        %parallel_loop3A_468 = arith.constant 16 : i32
        %parallel_loop3A_469 = arith.muli %parallel_loop3A_355, %parallel_loop3A_468 : i32
        %parallel_loop3A_470 = arith.constant 5 : i32
        %parallel_loop3A_471 = arith.index_cast %parallel_loop3A_470 : i32 to index
        %parallel_loop3A_472 = arith.index_cast %parallel_loop3A_469 : i32 to index
        %parallel_loop3A_473 = tpu.vector_load %arg8[%parallel_loop3A_471, %parallel_loop3A_472] {strides = array<i32>} : memref<8x2048xf32, #tpu.memory_space<vmem>>, vector<16xf32>,
        tpu.vector_store %arg8[%parallel_loop3A_471, %parallel_loop3A_472], %parallel_loop3A_467 {strides = array<i32>} : memref<8x2048xf32, #tpu.memory_space<vmem>>, vector<16xf32>,
        %parallel_loop3A_474 = arith.mulf %parallel_loop3A_379, %parallel_loop3A_398 : vector<16xf32>
        %parallel_loop3A_475 = arith.addf %parallel_loop3A_375, %parallel_loop3A_474 : vector<16xf32>
        %parallel_loop3A_476 = arith.mulf %parallel_loop3A_385, %parallel_loop3A_398 : vector<16xf32>
        %parallel_loop3A_477 = arith.addf %parallel_loop3A_381, %parallel_loop3A_476 : vector<16xf32>
        %parallel_loop3A_478 = arith.mulf %parallel_loop3A_399, %parallel_loop3A_477 : vector<16xf32>
        %parallel_loop3A_479 = arith.addf %parallel_loop3A_475, %parallel_loop3A_478 : vector<16xf32>
        %parallel_loop3A_480 = arith.constant 16 : i32
        %parallel_loop3A_481 = arith.muli %parallel_loop3A_355, %parallel_loop3A_480 : i32
        %parallel_loop3A_482 = arith.constant 6 : i32
        %parallel_loop3A_483 = arith.index_cast %parallel_loop3A_482 : i32 to index
        %parallel_loop3A_484 = arith.index_cast %parallel_loop3A_481 : i32 to index
        %parallel_loop3A_485 = tpu.vector_load %arg8[%parallel_loop3A_483, %parallel_loop3A_484] {strides = array<i32>} : memref<8x2048xf32, #tpu.memory_space<vmem>>, vector<16xf32>,
        tpu.vector_store %arg8[%parallel_loop3A_483, %parallel_loop3A_484], %parallel_loop3A_479 {strides = array<i32>} : memref<8x2048xf32, #tpu.memory_space<vmem>>, vector<16xf32>,
        %parallel_loop3A_486 = arith.mulf %parallel_loop3A_379, %parallel_loop3A_400 : vector<16xf32>
        %parallel_loop3A_487 = arith.addf %parallel_loop3A_375, %parallel_loop3A_486 : vector<16xf32>
        %parallel_loop3A_488 = arith.mulf %parallel_loop3A_385, %parallel_loop3A_400 : vector<16xf32>
        %parallel_loop3A_489 = arith.addf %parallel_loop3A_381, %parallel_loop3A_488 : vector<16xf32>
        %parallel_loop3A_490 = arith.mulf %parallel_loop3A_401, %parallel_loop3A_489 : vector<16xf32>
        %parallel_loop3A_491 = arith.addf %parallel_loop3A_487, %parallel_loop3A_490 : vector<16xf32>
        %parallel_loop3A_492 = arith.constant 16 : i32
        %parallel_loop3A_493 = arith.muli %parallel_loop3A_355, %parallel_loop3A_492 : i32
        %parallel_loop3A_494 = arith.constant 7 : i32
        %parallel_loop3A_495 = arith.index_cast %parallel_loop3A_494 : i32 to index
        %parallel_loop3A_496 = arith.index_cast %parallel_loop3A_493 : i32 to index
        %parallel_loop3A_497 = tpu.vector_load %arg8[%parallel_loop3A_495, %parallel_loop3A_496] {strides = array<i32>} : memref<8x2048xf32, #tpu.memory_space<vmem>>, vector<16xf32>,
        tpu.vector_store %arg8[%parallel_loop3A_495, %parallel_loop3A_496], %parallel_loop3A_491 {strides = array<i32>} : memref<8x2048xf32, #tpu.memory_space<vmem>>, vector<16xf32>,
      } {sc.loop_unroll_factor = 2 : i64, sc.parallel_access}
      %dma_start3A_232 = arith.constant 0 : i32
      %dma_start3A_233 = tpu.memref_slice %arg5[%add3A_160, %dma_start3A_232] : memref<4096x4096xf32, #tpu.memory_space<hbm>> -> memref<8x2048xf32, #tpu.memory_space<hbm>>
      %dma_start3A_234 = arith.constant 0 : i32
      %dma_start3A_235 = tpu.memref_slice %arg5[%add3A_160, %dma_start3A_234] : memref<4096x4096xf32, #tpu.memory_space<hbm>> -> memref<8x2048xf32, #tpu.memory_space<hbm>>
      tpu.enqueue_dma source(%arg8 : memref<8x2048xf32, #tpu.memory_space<vmem>>) target(%dma_start3A_235 : memref<8x2048xf32, #tpu.memory_space<hbm>>) target_semaphore(%arg28 : memref<!tpu.dma_semaphore, #tpu.memory_space<semaphore_mem>>)
      %ge3A_236 = arith.constant 1 : i32
      %ge3A_237 = arith.cmpi sge, %add3A_157, %ge3A_236 : i32
      %convert_element_type3A_238 = arith.extui %ge3A_237 : i1 to i32
      %cond3A_239 = arith.constant 0 : i32
      %cond3A_240 = arith.cmpi ne, %convert_element_type3A_238, %cond3A_239 : i32
      scf.if %cond3A_240 {
        %dma_wait3A_355 = arith.constant 2048 : i32
        %dma_wait3A_356 = tpu.memref_slice %arg5[%add3A_160, %dma_wait3A_355] : memref<4096x4096xf32, #tpu.memory_space<hbm>> -> memref<8x2048xf32, #tpu.memory_space<hbm>>
        %dma_wait3A_357 = arith.constant 2048 : i32
        %dma_wait3A_358 = tpu.memref_slice %arg5[%add3A_160, %dma_wait3A_357] : memref<4096x4096xf32, #tpu.memory_space<hbm>> -> memref<8x2048xf32, #tpu.memory_space<hbm>>
        tpu.wait_dma2 semaphore(%arg29 : memref<!tpu.dma_semaphore, #tpu.memory_space<semaphore_mem>>) src(%arg9 : memref<8x2048xf32, #tpu.memory_space<vmem>>) dst(%dma_wait3A_358 : memref<8x2048xf32, #tpu.memory_space<hbm>>)
      } else {
      }
      %parallel_loop3A_241 = arith.constant 0 : i32
      %parallel_loop3A_242 = arith.constant 128 : i32
      %parallel_loop3A_243 = arith.constant 1 : i32
      scf.for %parallel_loop3A_355 = %parallel_loop3A_241 to %parallel_loop3A_242 step %parallel_loop3A_243  : i32 {
        %parallel_loop3A_356 = arith.constant 16 : i32
        %parallel_loop3A_357 = arith.muli %parallel_loop3A_355, %parallel_loop3A_356 : i32
        %parallel_loop3A_358 = arith.constant 2048 : i32
        %parallel_loop3A_359 = arith.addi %parallel_loop3A_358, %parallel_loop3A_357 : i32
        %parallel_loop3A_360 = arith.index_cast %parallel_loop3A_359 : i32 to index
        %parallel_loop3A_361 = tpu.vector_load %arg6[%parallel_loop3A_360] {strides = array<i32>} : memref<4096xi32, #tpu.memory_space<vmem>>, vector<16xi32>,
        %parallel_loop3A_362 = arith.andi %parallel_loop3A_361, %broadcast_in_dim3A_134 : vector<16xi32>
        %parallel_loop3A_363 = arith.constant 16 : i32
        %parallel_loop3A_364 = vector.broadcast %parallel_loop3A_363 : i32 to vector<16xi32>
        %parallel_loop3A_365 = arith.shrui %parallel_loop3A_361, %parallel_loop3A_364 : vector<16xi32>
        %parallel_loop3A_366 = arith.constant 0 : i32
        %parallel_loop3A_367 = arith.index_cast %parallel_loop3A_366 : i32 to index
        %parallel_loop3A_368 = arith.index_cast %parallel_loop3A_359 : i32 to index
        %parallel_loop3A_369 = tpu.vector_load %arg7[%parallel_loop3A_367, %parallel_loop3A_368] {strides = array<i32>} : memref<2x4096xi32, #tpu.memory_space<vmem>>, vector<16xi32>,
        %parallel_loop3A_370 = arith.constant 1 : i32
        %parallel_loop3A_371 = arith.index_cast %parallel_loop3A_370 : i32 to index
        %parallel_loop3A_372 = arith.index_cast %parallel_loop3A_359 : i32 to index
        %parallel_loop3A_373 = tpu.vector_load %arg7[%parallel_loop3A_371, %parallel_loop3A_372] {strides = array<i32>} : memref<2x4096xi32, #tpu.memory_space<vmem>>, vector<16xi32>,
        %parallel_loop3A_374 = arith.andi %parallel_loop3A_369, %broadcast_in_dim3A_136 : vector<16xi32>
        %parallel_loop3A_375 = vector.bitcast %parallel_loop3A_374 : vector<16xi32> to vector<16xf32>
        %parallel_loop3A_376 = arith.constant 16 : i32
        %parallel_loop3A_377 = vector.broadcast %parallel_loop3A_376 : i32 to vector<16xi32>
        %parallel_loop3A_378 = arith.shli %parallel_loop3A_369, %parallel_loop3A_377 : vector<16xi32>
        %parallel_loop3A_379 = vector.bitcast %parallel_loop3A_378 : vector<16xi32> to vector<16xf32>
        %parallel_loop3A_380 = arith.andi %parallel_loop3A_373, %broadcast_in_dim3A_136 : vector<16xi32>
        %parallel_loop3A_381 = vector.bitcast %parallel_loop3A_380 : vector<16xi32> to vector<16xf32>
        %parallel_loop3A_382 = arith.constant 16 : i32
        %parallel_loop3A_383 = vector.broadcast %parallel_loop3A_382 : i32 to vector<16xi32>
        %parallel_loop3A_384 = arith.shli %parallel_loop3A_373, %parallel_loop3A_383 : vector<16xi32>
        %parallel_loop3A_385 = vector.bitcast %parallel_loop3A_384 : vector<16xi32> to vector<16xf32>
        %parallel_loop3A_386 = tpu.vector_load_idx %arg10[%parallel_loop3A_362] : memref<4096xf32, #tpu.memory_space<vmem>>[vector<16xi32>], vector<16xf32>,
        %parallel_loop3A_387 = tpu.vector_load_idx %arg10[%parallel_loop3A_365] : memref<4096xf32, #tpu.memory_space<vmem>>[vector<16xi32>], vector<16xf32>,
        %parallel_loop3A_388 = tpu.vector_load_idx %arg11[%parallel_loop3A_362] : memref<4096xf32, #tpu.memory_space<vmem>>[vector<16xi32>], vector<16xf32>,
        %parallel_loop3A_389 = tpu.vector_load_idx %arg11[%parallel_loop3A_365] : memref<4096xf32, #tpu.memory_space<vmem>>[vector<16xi32>], vector<16xf32>,
        %parallel_loop3A_390 = tpu.vector_load_idx %arg12[%parallel_loop3A_362] : memref<4096xf32, #tpu.memory_space<vmem>>[vector<16xi32>], vector<16xf32>,
        %parallel_loop3A_391 = tpu.vector_load_idx %arg12[%parallel_loop3A_365] : memref<4096xf32, #tpu.memory_space<vmem>>[vector<16xi32>], vector<16xf32>,
        %parallel_loop3A_392 = tpu.vector_load_idx %arg13[%parallel_loop3A_362] : memref<4096xf32, #tpu.memory_space<vmem>>[vector<16xi32>], vector<16xf32>,
        %parallel_loop3A_393 = tpu.vector_load_idx %arg13[%parallel_loop3A_365] : memref<4096xf32, #tpu.memory_space<vmem>>[vector<16xi32>], vector<16xf32>,
        %parallel_loop3A_394 = tpu.vector_load_idx %arg14[%parallel_loop3A_362] : memref<4096xf32, #tpu.memory_space<vmem>>[vector<16xi32>], vector<16xf32>,
        %parallel_loop3A_395 = tpu.vector_load_idx %arg14[%parallel_loop3A_365] : memref<4096xf32, #tpu.memory_space<vmem>>[vector<16xi32>], vector<16xf32>,
        %parallel_loop3A_396 = tpu.vector_load_idx %arg15[%parallel_loop3A_362] : memref<4096xf32, #tpu.memory_space<vmem>>[vector<16xi32>], vector<16xf32>,
        %parallel_loop3A_397 = tpu.vector_load_idx %arg15[%parallel_loop3A_365] : memref<4096xf32, #tpu.memory_space<vmem>>[vector<16xi32>], vector<16xf32>,
        %parallel_loop3A_398 = tpu.vector_load_idx %arg16[%parallel_loop3A_362] : memref<4096xf32, #tpu.memory_space<vmem>>[vector<16xi32>], vector<16xf32>,
        %parallel_loop3A_399 = tpu.vector_load_idx %arg16[%parallel_loop3A_365] : memref<4096xf32, #tpu.memory_space<vmem>>[vector<16xi32>], vector<16xf32>,
        %parallel_loop3A_400 = tpu.vector_load_idx %arg17[%parallel_loop3A_362] : memref<4096xf32, #tpu.memory_space<vmem>>[vector<16xi32>], vector<16xf32>,
        %parallel_loop3A_401 = tpu.vector_load_idx %arg17[%parallel_loop3A_365] : memref<4096xf32, #tpu.memory_space<vmem>>[vector<16xi32>], vector<16xf32>,
        %parallel_loop3A_402 = arith.mulf %parallel_loop3A_379, %parallel_loop3A_386 : vector<16xf32>
        %parallel_loop3A_403 = arith.addf %parallel_loop3A_375, %parallel_loop3A_402 : vector<16xf32>
        %parallel_loop3A_404 = arith.mulf %parallel_loop3A_385, %parallel_loop3A_386 : vector<16xf32>
        %parallel_loop3A_405 = arith.addf %parallel_loop3A_381, %parallel_loop3A_404 : vector<16xf32>
        %parallel_loop3A_406 = arith.mulf %parallel_loop3A_387, %parallel_loop3A_405 : vector<16xf32>
        %parallel_loop3A_407 = arith.addf %parallel_loop3A_403, %parallel_loop3A_406 : vector<16xf32>
        %parallel_loop3A_408 = arith.constant 16 : i32
        %parallel_loop3A_409 = arith.muli %parallel_loop3A_355, %parallel_loop3A_408 : i32
        %parallel_loop3A_410 = arith.constant 0 : i32
        %parallel_loop3A_411 = arith.index_cast %parallel_loop3A_410 : i32 to index
        %parallel_loop3A_412 = arith.index_cast %parallel_loop3A_409 : i32 to index
        %parallel_loop3A_413 = tpu.vector_load %arg9[%parallel_loop3A_411, %parallel_loop3A_412] {strides = array<i32>} : memref<8x2048xf32, #tpu.memory_space<vmem>>, vector<16xf32>,
        tpu.vector_store %arg9[%parallel_loop3A_411, %parallel_loop3A_412], %parallel_loop3A_407 {strides = array<i32>} : memref<8x2048xf32, #tpu.memory_space<vmem>>, vector<16xf32>,
        %parallel_loop3A_414 = arith.mulf %parallel_loop3A_379, %parallel_loop3A_388 : vector<16xf32>
        %parallel_loop3A_415 = arith.addf %parallel_loop3A_375, %parallel_loop3A_414 : vector<16xf32>
        %parallel_loop3A_416 = arith.mulf %parallel_loop3A_385, %parallel_loop3A_388 : vector<16xf32>
        %parallel_loop3A_417 = arith.addf %parallel_loop3A_381, %parallel_loop3A_416 : vector<16xf32>
        %parallel_loop3A_418 = arith.mulf %parallel_loop3A_389, %parallel_loop3A_417 : vector<16xf32>
        %parallel_loop3A_419 = arith.addf %parallel_loop3A_415, %parallel_loop3A_418 : vector<16xf32>
        %parallel_loop3A_420 = arith.constant 16 : i32
        %parallel_loop3A_421 = arith.muli %parallel_loop3A_355, %parallel_loop3A_420 : i32
        %parallel_loop3A_422 = arith.constant 1 : i32
        %parallel_loop3A_423 = arith.index_cast %parallel_loop3A_422 : i32 to index
        %parallel_loop3A_424 = arith.index_cast %parallel_loop3A_421 : i32 to index
        %parallel_loop3A_425 = tpu.vector_load %arg9[%parallel_loop3A_423, %parallel_loop3A_424] {strides = array<i32>} : memref<8x2048xf32, #tpu.memory_space<vmem>>, vector<16xf32>,
        tpu.vector_store %arg9[%parallel_loop3A_423, %parallel_loop3A_424], %parallel_loop3A_419 {strides = array<i32>} : memref<8x2048xf32, #tpu.memory_space<vmem>>, vector<16xf32>,
        %parallel_loop3A_426 = arith.mulf %parallel_loop3A_379, %parallel_loop3A_390 : vector<16xf32>
        %parallel_loop3A_427 = arith.addf %parallel_loop3A_375, %parallel_loop3A_426 : vector<16xf32>
        %parallel_loop3A_428 = arith.mulf %parallel_loop3A_385, %parallel_loop3A_390 : vector<16xf32>
        %parallel_loop3A_429 = arith.addf %parallel_loop3A_381, %parallel_loop3A_428 : vector<16xf32>
        %parallel_loop3A_430 = arith.mulf %parallel_loop3A_391, %parallel_loop3A_429 : vector<16xf32>
        %parallel_loop3A_431 = arith.addf %parallel_loop3A_427, %parallel_loop3A_430 : vector<16xf32>
        %parallel_loop3A_432 = arith.constant 16 : i32
        %parallel_loop3A_433 = arith.muli %parallel_loop3A_355, %parallel_loop3A_432 : i32
        %parallel_loop3A_434 = arith.constant 2 : i32
        %parallel_loop3A_435 = arith.index_cast %parallel_loop3A_434 : i32 to index
        %parallel_loop3A_436 = arith.index_cast %parallel_loop3A_433 : i32 to index
        %parallel_loop3A_437 = tpu.vector_load %arg9[%parallel_loop3A_435, %parallel_loop3A_436] {strides = array<i32>} : memref<8x2048xf32, #tpu.memory_space<vmem>>, vector<16xf32>,
        tpu.vector_store %arg9[%parallel_loop3A_435, %parallel_loop3A_436], %parallel_loop3A_431 {strides = array<i32>} : memref<8x2048xf32, #tpu.memory_space<vmem>>, vector<16xf32>,
        %parallel_loop3A_438 = arith.mulf %parallel_loop3A_379, %parallel_loop3A_392 : vector<16xf32>
        %parallel_loop3A_439 = arith.addf %parallel_loop3A_375, %parallel_loop3A_438 : vector<16xf32>
        %parallel_loop3A_440 = arith.mulf %parallel_loop3A_385, %parallel_loop3A_392 : vector<16xf32>
        %parallel_loop3A_441 = arith.addf %parallel_loop3A_381, %parallel_loop3A_440 : vector<16xf32>
        %parallel_loop3A_442 = arith.mulf %parallel_loop3A_393, %parallel_loop3A_441 : vector<16xf32>
        %parallel_loop3A_443 = arith.addf %parallel_loop3A_439, %parallel_loop3A_442 : vector<16xf32>
        %parallel_loop3A_444 = arith.constant 16 : i32
        %parallel_loop3A_445 = arith.muli %parallel_loop3A_355, %parallel_loop3A_444 : i32
        %parallel_loop3A_446 = arith.constant 3 : i32
        %parallel_loop3A_447 = arith.index_cast %parallel_loop3A_446 : i32 to index
        %parallel_loop3A_448 = arith.index_cast %parallel_loop3A_445 : i32 to index
        %parallel_loop3A_449 = tpu.vector_load %arg9[%parallel_loop3A_447, %parallel_loop3A_448] {strides = array<i32>} : memref<8x2048xf32, #tpu.memory_space<vmem>>, vector<16xf32>,
        tpu.vector_store %arg9[%parallel_loop3A_447, %parallel_loop3A_448], %parallel_loop3A_443 {strides = array<i32>} : memref<8x2048xf32, #tpu.memory_space<vmem>>, vector<16xf32>,
        %parallel_loop3A_450 = arith.mulf %parallel_loop3A_379, %parallel_loop3A_394 : vector<16xf32>
        %parallel_loop3A_451 = arith.addf %parallel_loop3A_375, %parallel_loop3A_450 : vector<16xf32>
        %parallel_loop3A_452 = arith.mulf %parallel_loop3A_385, %parallel_loop3A_394 : vector<16xf32>
        %parallel_loop3A_453 = arith.addf %parallel_loop3A_381, %parallel_loop3A_452 : vector<16xf32>
        %parallel_loop3A_454 = arith.mulf %parallel_loop3A_395, %parallel_loop3A_453 : vector<16xf32>
        %parallel_loop3A_455 = arith.addf %parallel_loop3A_451, %parallel_loop3A_454 : vector<16xf32>
        %parallel_loop3A_456 = arith.constant 16 : i32
        %parallel_loop3A_457 = arith.muli %parallel_loop3A_355, %parallel_loop3A_456 : i32
        %parallel_loop3A_458 = arith.constant 4 : i32
        %parallel_loop3A_459 = arith.index_cast %parallel_loop3A_458 : i32 to index
        %parallel_loop3A_460 = arith.index_cast %parallel_loop3A_457 : i32 to index
        %parallel_loop3A_461 = tpu.vector_load %arg9[%parallel_loop3A_459, %parallel_loop3A_460] {strides = array<i32>} : memref<8x2048xf32, #tpu.memory_space<vmem>>, vector<16xf32>,
        tpu.vector_store %arg9[%parallel_loop3A_459, %parallel_loop3A_460], %parallel_loop3A_455 {strides = array<i32>} : memref<8x2048xf32, #tpu.memory_space<vmem>>, vector<16xf32>,
        %parallel_loop3A_462 = arith.mulf %parallel_loop3A_379, %parallel_loop3A_396 : vector<16xf32>
        %parallel_loop3A_463 = arith.addf %parallel_loop3A_375, %parallel_loop3A_462 : vector<16xf32>
        %parallel_loop3A_464 = arith.mulf %parallel_loop3A_385, %parallel_loop3A_396 : vector<16xf32>
        %parallel_loop3A_465 = arith.addf %parallel_loop3A_381, %parallel_loop3A_464 : vector<16xf32>
        %parallel_loop3A_466 = arith.mulf %parallel_loop3A_397, %parallel_loop3A_465 : vector<16xf32>
        %parallel_loop3A_467 = arith.addf %parallel_loop3A_463, %parallel_loop3A_466 : vector<16xf32>
        %parallel_loop3A_468 = arith.constant 16 : i32
        %parallel_loop3A_469 = arith.muli %parallel_loop3A_355, %parallel_loop3A_468 : i32
        %parallel_loop3A_470 = arith.constant 5 : i32
        %parallel_loop3A_471 = arith.index_cast %parallel_loop3A_470 : i32 to index
        %parallel_loop3A_472 = arith.index_cast %parallel_loop3A_469 : i32 to index
        %parallel_loop3A_473 = tpu.vector_load %arg9[%parallel_loop3A_471, %parallel_loop3A_472] {strides = array<i32>} : memref<8x2048xf32, #tpu.memory_space<vmem>>, vector<16xf32>,
        tpu.vector_store %arg9[%parallel_loop3A_471, %parallel_loop3A_472], %parallel_loop3A_467 {strides = array<i32>} : memref<8x2048xf32, #tpu.memory_space<vmem>>, vector<16xf32>,
        %parallel_loop3A_474 = arith.mulf %parallel_loop3A_379, %parallel_loop3A_398 : vector<16xf32>
        %parallel_loop3A_475 = arith.addf %parallel_loop3A_375, %parallel_loop3A_474 : vector<16xf32>
        %parallel_loop3A_476 = arith.mulf %parallel_loop3A_385, %parallel_loop3A_398 : vector<16xf32>
        %parallel_loop3A_477 = arith.addf %parallel_loop3A_381, %parallel_loop3A_476 : vector<16xf32>
        %parallel_loop3A_478 = arith.mulf %parallel_loop3A_399, %parallel_loop3A_477 : vector<16xf32>
        %parallel_loop3A_479 = arith.addf %parallel_loop3A_475, %parallel_loop3A_478 : vector<16xf32>
        %parallel_loop3A_480 = arith.constant 16 : i32
        %parallel_loop3A_481 = arith.muli %parallel_loop3A_355, %parallel_loop3A_480 : i32
        %parallel_loop3A_482 = arith.constant 6 : i32
        %parallel_loop3A_483 = arith.index_cast %parallel_loop3A_482 : i32 to index
        %parallel_loop3A_484 = arith.index_cast %parallel_loop3A_481 : i32 to index
        %parallel_loop3A_485 = tpu.vector_load %arg9[%parallel_loop3A_483, %parallel_loop3A_484] {strides = array<i32>} : memref<8x2048xf32, #tpu.memory_space<vmem>>, vector<16xf32>,
        tpu.vector_store %arg9[%parallel_loop3A_483, %parallel_loop3A_484], %parallel_loop3A_479 {strides = array<i32>} : memref<8x2048xf32, #tpu.memory_space<vmem>>, vector<16xf32>,
        %parallel_loop3A_486 = arith.mulf %parallel_loop3A_379, %parallel_loop3A_400 : vector<16xf32>
        %parallel_loop3A_487 = arith.addf %parallel_loop3A_375, %parallel_loop3A_486 : vector<16xf32>
        %parallel_loop3A_488 = arith.mulf %parallel_loop3A_385, %parallel_loop3A_400 : vector<16xf32>
        %parallel_loop3A_489 = arith.addf %parallel_loop3A_381, %parallel_loop3A_488 : vector<16xf32>
        %parallel_loop3A_490 = arith.mulf %parallel_loop3A_401, %parallel_loop3A_489 : vector<16xf32>
        %parallel_loop3A_491 = arith.addf %parallel_loop3A_487, %parallel_loop3A_490 : vector<16xf32>
        %parallel_loop3A_492 = arith.constant 16 : i32
        %parallel_loop3A_493 = arith.muli %parallel_loop3A_355, %parallel_loop3A_492 : i32
        %parallel_loop3A_494 = arith.constant 7 : i32
        %parallel_loop3A_495 = arith.index_cast %parallel_loop3A_494 : i32 to index
        %parallel_loop3A_496 = arith.index_cast %parallel_loop3A_493 : i32 to index
        %parallel_loop3A_497 = tpu.vector_load %arg9[%parallel_loop3A_495, %parallel_loop3A_496] {strides = array<i32>} : memref<8x2048xf32, #tpu.memory_space<vmem>>, vector<16xf32>,
        tpu.vector_store %arg9[%parallel_loop3A_495, %parallel_loop3A_496], %parallel_loop3A_491 {strides = array<i32>} : memref<8x2048xf32, #tpu.memory_space<vmem>>, vector<16xf32>,
      } {sc.loop_unroll_factor = 2 : i64, sc.parallel_access}
      %dma_start3A_244 = arith.constant 2048 : i32
      %dma_start3A_245 = tpu.memref_slice %arg5[%add3A_160, %dma_start3A_244] : memref<4096x4096xf32, #tpu.memory_space<hbm>> -> memref<8x2048xf32, #tpu.memory_space<hbm>>
      %dma_start3A_246 = arith.constant 2048 : i32
      %dma_start3A_247 = tpu.memref_slice %arg5[%add3A_160, %dma_start3A_246] : memref<4096x4096xf32, #tpu.memory_space<hbm>> -> memref<8x2048xf32, #tpu.memory_space<hbm>>
      tpu.enqueue_dma source(%arg9 : memref<8x2048xf32, #tpu.memory_space<vmem>>) target(%dma_start3A_247 : memref<8x2048xf32, #tpu.memory_space<hbm>>) target_semaphore(%arg29 : memref<!tpu.dma_semaphore, #tpu.memory_space<semaphore_mem>>)
      %lt3A = arith.constant 14 : i32
      %lt3A_248 = arith.cmpi slt, %add3A_157, %lt3A : i32
      %convert_element_type3A_249 = arith.extui %lt3A_248 : i1 to i32
      %cond3A_250 = arith.constant 0 : i32
      %cond3A_251 = arith.cmpi ne, %convert_element_type3A_249, %cond3A_250 : i32
      scf.if %cond3A_251 {
        %add3A_355 = arith.constant 2 : i32
        %add3A_356 = arith.addi %add3A_157, %add3A_355 : i32
        %mul3A_357 = arith.constant 8 : i32
        %mul3A_358 = arith.muli %add3A_356, %mul3A_357 : i32
        %add3A_359 = arith.addi %mul3A_2, %mul3A_358 : i32
        %add3A_360 = arith.constant 0 : i32
        %add3A_361 = arith.addi %add3A_359, %add3A_360 : i32
        %dma_start3A_362 = arith.constant 0 : i32
        %dma_start3A_363 = tpu.memref_slice %arg2[%add3A_361, %dma_start3A_362] : memref<4096x4096xf32, #tpu.memory_space<hbm>> -> memref<1x4096xf32, #tpu.memory_space<hbm>>
        %dma_start3A_364 = tpu.memref_squeeze %dma_start3A_363 : memref<1x4096xf32, #tpu.memory_space<hbm>> -> memref<4096xf32, #tpu.memory_space<hbm>>
        %dma_start3A_365 = arith.constant 0 : i32
        %dma_start3A_366 = tpu.memref_slice %arg2[%add3A_361, %dma_start3A_365] : memref<4096x4096xf32, #tpu.memory_space<hbm>> -> memref<1x4096xf32, #tpu.memory_space<hbm>>
        %dma_start3A_367 = tpu.memref_squeeze %dma_start3A_366 : memref<1x4096xf32, #tpu.memory_space<hbm>> -> memref<4096xf32, #tpu.memory_space<hbm>>
        tpu.enqueue_dma source(%dma_start3A_367 : memref<4096xf32, #tpu.memory_space<hbm>>) target(%arg10 : memref<4096xf32, #tpu.memory_space<vmem>>) target_semaphore(%arg26 : memref<!tpu.dma_semaphore, #tpu.memory_space<semaphore_mem>>)
        %add3A_368 = arith.constant 1 : i32
        %add3A_369 = arith.addi %add3A_359, %add3A_368 : i32
        %dma_start3A_370 = arith.constant 0 : i32
        %dma_start3A_371 = tpu.memref_slice %arg2[%add3A_369, %dma_start3A_370] : memref<4096x4096xf32, #tpu.memory_space<hbm>> -> memref<1x4096xf32, #tpu.memory_space<hbm>>
        %dma_start3A_372 = tpu.memref_squeeze %dma_start3A_371 : memref<1x4096xf32, #tpu.memory_space<hbm>> -> memref<4096xf32, #tpu.memory_space<hbm>>
        %dma_start3A_373 = arith.constant 0 : i32
        %dma_start3A_374 = tpu.memref_slice %arg2[%add3A_369, %dma_start3A_373] : memref<4096x4096xf32, #tpu.memory_space<hbm>> -> memref<1x4096xf32, #tpu.memory_space<hbm>>
        %dma_start3A_375 = tpu.memref_squeeze %dma_start3A_374 : memref<1x4096xf32, #tpu.memory_space<hbm>> -> memref<4096xf32, #tpu.memory_space<hbm>>
        tpu.enqueue_dma source(%dma_start3A_375 : memref<4096xf32, #tpu.memory_space<hbm>>) target(%arg11 : memref<4096xf32, #tpu.memory_space<vmem>>) target_semaphore(%arg26 : memref<!tpu.dma_semaphore, #tpu.memory_space<semaphore_mem>>)
        %add3A_376 = arith.constant 2 : i32
        %add3A_377 = arith.addi %add3A_359, %add3A_376 : i32
        %dma_start3A_378 = arith.constant 0 : i32
        %dma_start3A_379 = tpu.memref_slice %arg2[%add3A_377, %dma_start3A_378] : memref<4096x4096xf32, #tpu.memory_space<hbm>> -> memref<1x4096xf32, #tpu.memory_space<hbm>>
        %dma_start3A_380 = tpu.memref_squeeze %dma_start3A_379 : memref<1x4096xf32, #tpu.memory_space<hbm>> -> memref<4096xf32, #tpu.memory_space<hbm>>
        %dma_start3A_381 = arith.constant 0 : i32
        %dma_start3A_382 = tpu.memref_slice %arg2[%add3A_377, %dma_start3A_381] : memref<4096x4096xf32, #tpu.memory_space<hbm>> -> memref<1x4096xf32, #tpu.memory_space<hbm>>
        %dma_start3A_383 = tpu.memref_squeeze %dma_start3A_382 : memref<1x4096xf32, #tpu.memory_space<hbm>> -> memref<4096xf32, #tpu.memory_space<hbm>>
        tpu.enqueue_dma source(%dma_start3A_383 : memref<4096xf32, #tpu.memory_space<hbm>>) target(%arg12 : memref<4096xf32, #tpu.memory_space<vmem>>) target_semaphore(%arg26 : memref<!tpu.dma_semaphore, #tpu.memory_space<semaphore_mem>>)
        %add3A_384 = arith.constant 3 : i32
        %add3A_385 = arith.addi %add3A_359, %add3A_384 : i32
        %dma_start3A_386 = arith.constant 0 : i32
        %dma_start3A_387 = tpu.memref_slice %arg2[%add3A_385, %dma_start3A_386] : memref<4096x4096xf32, #tpu.memory_space<hbm>> -> memref<1x4096xf32, #tpu.memory_space<hbm>>
        %dma_start3A_388 = tpu.memref_squeeze %dma_start3A_387 : memref<1x4096xf32, #tpu.memory_space<hbm>> -> memref<4096xf32, #tpu.memory_space<hbm>>
        %dma_start3A_389 = arith.constant 0 : i32
        %dma_start3A_390 = tpu.memref_slice %arg2[%add3A_385, %dma_start3A_389] : memref<4096x4096xf32, #tpu.memory_space<hbm>> -> memref<1x4096xf32, #tpu.memory_space<hbm>>
        %dma_start3A_391 = tpu.memref_squeeze %dma_start3A_390 : memref<1x4096xf32, #tpu.memory_space<hbm>> -> memref<4096xf32, #tpu.memory_space<hbm>>
        tpu.enqueue_dma source(%dma_start3A_391 : memref<4096xf32, #tpu.memory_space<hbm>>) target(%arg13 : memref<4096xf32, #tpu.memory_space<vmem>>) target_semaphore(%arg26 : memref<!tpu.dma_semaphore, #tpu.memory_space<semaphore_mem>>)
        %add3A_392 = arith.constant 4 : i32
        %add3A_393 = arith.addi %add3A_359, %add3A_392 : i32
        %dma_start3A_394 = arith.constant 0 : i32
        %dma_start3A_395 = tpu.memref_slice %arg2[%add3A_393, %dma_start3A_394] : memref<4096x4096xf32, #tpu.memory_space<hbm>> -> memref<1x4096xf32, #tpu.memory_space<hbm>>
        %dma_start3A_396 = tpu.memref_squeeze %dma_start3A_395 : memref<1x4096xf32, #tpu.memory_space<hbm>> -> memref<4096xf32, #tpu.memory_space<hbm>>
        %dma_start3A_397 = arith.constant 0 : i32
        %dma_start3A_398 = tpu.memref_slice %arg2[%add3A_393, %dma_start3A_397] : memref<4096x4096xf32, #tpu.memory_space<hbm>> -> memref<1x4096xf32, #tpu.memory_space<hbm>>
        %dma_start3A_399 = tpu.memref_squeeze %dma_start3A_398 : memref<1x4096xf32, #tpu.memory_space<hbm>> -> memref<4096xf32, #tpu.memory_space<hbm>>
        tpu.enqueue_dma source(%dma_start3A_399 : memref<4096xf32, #tpu.memory_space<hbm>>) target(%arg14 : memref<4096xf32, #tpu.memory_space<vmem>>) target_semaphore(%arg26 : memref<!tpu.dma_semaphore, #tpu.memory_space<semaphore_mem>>)
        %add3A_400 = arith.constant 5 : i32
        %add3A_401 = arith.addi %add3A_359, %add3A_400 : i32
        %dma_start3A_402 = arith.constant 0 : i32
        %dma_start3A_403 = tpu.memref_slice %arg2[%add3A_401, %dma_start3A_402] : memref<4096x4096xf32, #tpu.memory_space<hbm>> -> memref<1x4096xf32, #tpu.memory_space<hbm>>
        %dma_start3A_404 = tpu.memref_squeeze %dma_start3A_403 : memref<1x4096xf32, #tpu.memory_space<hbm>> -> memref<4096xf32, #tpu.memory_space<hbm>>
        %dma_start3A_405 = arith.constant 0 : i32
        %dma_start3A_406 = tpu.memref_slice %arg2[%add3A_401, %dma_start3A_405] : memref<4096x4096xf32, #tpu.memory_space<hbm>> -> memref<1x4096xf32, #tpu.memory_space<hbm>>
        %dma_start3A_407 = tpu.memref_squeeze %dma_start3A_406 : memref<1x4096xf32, #tpu.memory_space<hbm>> -> memref<4096xf32, #tpu.memory_space<hbm>>
        tpu.enqueue_dma source(%dma_start3A_407 : memref<4096xf32, #tpu.memory_space<hbm>>) target(%arg15 : memref<4096xf32, #tpu.memory_space<vmem>>) target_semaphore(%arg26 : memref<!tpu.dma_semaphore, #tpu.memory_space<semaphore_mem>>)
        %add3A_408 = arith.constant 6 : i32
        %add3A_409 = arith.addi %add3A_359, %add3A_408 : i32
        %dma_start3A_410 = arith.constant 0 : i32
        %dma_start3A_411 = tpu.memref_slice %arg2[%add3A_409, %dma_start3A_410] : memref<4096x4096xf32, #tpu.memory_space<hbm>> -> memref<1x4096xf32, #tpu.memory_space<hbm>>
        %dma_start3A_412 = tpu.memref_squeeze %dma_start3A_411 : memref<1x4096xf32, #tpu.memory_space<hbm>> -> memref<4096xf32, #tpu.memory_space<hbm>>
        %dma_start3A_413 = arith.constant 0 : i32
        %dma_start3A_414 = tpu.memref_slice %arg2[%add3A_409, %dma_start3A_413] : memref<4096x4096xf32, #tpu.memory_space<hbm>> -> memref<1x4096xf32, #tpu.memory_space<hbm>>
        %dma_start3A_415 = tpu.memref_squeeze %dma_start3A_414 : memref<1x4096xf32, #tpu.memory_space<hbm>> -> memref<4096xf32, #tpu.memory_space<hbm>>
        tpu.enqueue_dma source(%dma_start3A_415 : memref<4096xf32, #tpu.memory_space<hbm>>) target(%arg16 : memref<4096xf32, #tpu.memory_space<vmem>>) target_semaphore(%arg26 : memref<!tpu.dma_semaphore, #tpu.memory_space<semaphore_mem>>)
        %add3A_416 = arith.constant 7 : i32
        %add3A_417 = arith.addi %add3A_359, %add3A_416 : i32
        %dma_start3A_418 = arith.constant 0 : i32
        %dma_start3A_419 = tpu.memref_slice %arg2[%add3A_417, %dma_start3A_418] : memref<4096x4096xf32, #tpu.memory_space<hbm>> -> memref<1x4096xf32, #tpu.memory_space<hbm>>
        %dma_start3A_420 = tpu.memref_squeeze %dma_start3A_419 : memref<1x4096xf32, #tpu.memory_space<hbm>> -> memref<4096xf32, #tpu.memory_space<hbm>>
        %dma_start3A_421 = arith.constant 0 : i32
        %dma_start3A_422 = tpu.memref_slice %arg2[%add3A_417, %dma_start3A_421] : memref<4096x4096xf32, #tpu.memory_space<hbm>> -> memref<1x4096xf32, #tpu.memory_space<hbm>>
        %dma_start3A_423 = tpu.memref_squeeze %dma_start3A_422 : memref<1x4096xf32, #tpu.memory_space<hbm>> -> memref<4096xf32, #tpu.memory_space<hbm>>
        tpu.enqueue_dma source(%dma_start3A_423 : memref<4096xf32, #tpu.memory_space<hbm>>) target(%arg17 : memref<4096xf32, #tpu.memory_space<vmem>>) target_semaphore(%arg26 : memref<!tpu.dma_semaphore, #tpu.memory_space<semaphore_mem>>)
      } else {
      }
      %mul3A_252 = arith.constant 2 : i32
      %mul3A_253 = arith.muli %scan3A_153, %mul3A_252 : i32
      %add3A_254 = arith.constant 1 : i32
      %add3A_255 = arith.addi %mul3A_253, %add3A_254 : i32
      %mul3A_256 = arith.constant 8 : i32
      %mul3A_257 = arith.muli %add3A_255, %mul3A_256 : i32
      %add3A_258 = arith.addi %mul3A_2, %mul3A_257 : i32
      %mul3A_259 = arith.constant 8 : i32
      %mul3A_260 = arith.muli %add3A_255, %mul3A_259 : i32
      %add3A_261 = arith.addi %mul3A_2, %mul3A_260 : i32
      %add3A_262 = arith.constant 0 : i32
      %add3A_263 = arith.addi %add3A_261, %add3A_262 : i32
      %dma_wait3A_264 = arith.constant 0 : i32
      %dma_wait3A_265 = tpu.memref_slice %arg2[%add3A_263, %dma_wait3A_264] : memref<4096x4096xf32, #tpu.memory_space<hbm>> -> memref<1x4096xf32, #tpu.memory_space<hbm>>
      %dma_wait3A_266 = tpu.memref_squeeze %dma_wait3A_265 : memref<1x4096xf32, #tpu.memory_space<hbm>> -> memref<4096xf32, #tpu.memory_space<hbm>>
      %dma_wait3A_267 = arith.constant 0 : i32
      %dma_wait3A_268 = tpu.memref_slice %arg2[%add3A_263, %dma_wait3A_267] : memref<4096x4096xf32, #tpu.memory_space<hbm>> -> memref<1x4096xf32, #tpu.memory_space<hbm>>
      %dma_wait3A_269 = tpu.memref_squeeze %dma_wait3A_268 : memref<1x4096xf32, #tpu.memory_space<hbm>> -> memref<4096xf32, #tpu.memory_space<hbm>>
      tpu.wait_dma2 semaphore(%arg27 : memref<!tpu.dma_semaphore, #tpu.memory_space<semaphore_mem>>) src(%dma_wait3A_269 : memref<4096xf32, #tpu.memory_space<hbm>>) dst(%arg18 : memref<4096xf32, #tpu.memory_space<vmem>>)
      %add3A_270 = arith.constant 1 : i32
      %add3A_271 = arith.addi %add3A_261, %add3A_270 : i32
      %dma_wait3A_272 = arith.constant 0 : i32
      %dma_wait3A_273 = tpu.memref_slice %arg2[%add3A_271, %dma_wait3A_272] : memref<4096x4096xf32, #tpu.memory_space<hbm>> -> memref<1x4096xf32, #tpu.memory_space<hbm>>
      %dma_wait3A_274 = tpu.memref_squeeze %dma_wait3A_273 : memref<1x4096xf32, #tpu.memory_space<hbm>> -> memref<4096xf32, #tpu.memory_space<hbm>>
      %dma_wait3A_275 = arith.constant 0 : i32
      %dma_wait3A_276 = tpu.memref_slice %arg2[%add3A_271, %dma_wait3A_275] : memref<4096x4096xf32, #tpu.memory_space<hbm>> -> memref<1x4096xf32, #tpu.memory_space<hbm>>
      %dma_wait3A_277 = tpu.memref_squeeze %dma_wait3A_276 : memref<1x4096xf32, #tpu.memory_space<hbm>> -> memref<4096xf32, #tpu.memory_space<hbm>>
      tpu.wait_dma2 semaphore(%arg27 : memref<!tpu.dma_semaphore, #tpu.memory_space<semaphore_mem>>) src(%dma_wait3A_277 : memref<4096xf32, #tpu.memory_space<hbm>>) dst(%arg19 : memref<4096xf32, #tpu.memory_space<vmem>>)
      %add3A_278 = arith.constant 2 : i32
      %add3A_279 = arith.addi %add3A_261, %add3A_278 : i32
      %dma_wait3A_280 = arith.constant 0 : i32
      %dma_wait3A_281 = tpu.memref_slice %arg2[%add3A_279, %dma_wait3A_280] : memref<4096x4096xf32, #tpu.memory_space<hbm>> -> memref<1x4096xf32, #tpu.memory_space<hbm>>
      %dma_wait3A_282 = tpu.memref_squeeze %dma_wait3A_281 : memref<1x4096xf32, #tpu.memory_space<hbm>> -> memref<4096xf32, #tpu.memory_space<hbm>>
      %dma_wait3A_283 = arith.constant 0 : i32
      %dma_wait3A_284 = tpu.memref_slice %arg2[%add3A_279, %dma_wait3A_283] : memref<4096x4096xf32, #tpu.memory_space<hbm>> -> memref<1x4096xf32, #tpu.memory_space<hbm>>
      %dma_wait3A_285 = tpu.memref_squeeze %dma_wait3A_284 : memref<1x4096xf32, #tpu.memory_space<hbm>> -> memref<4096xf32, #tpu.memory_space<hbm>>
      tpu.wait_dma2 semaphore(%arg27 : memref<!tpu.dma_semaphore, #tpu.memory_space<semaphore_mem>>) src(%dma_wait3A_285 : memref<4096xf32, #tpu.memory_space<hbm>>) dst(%arg20 : memref<4096xf32, #tpu.memory_space<vmem>>)
      %add3A_286 = arith.constant 3 : i32
      %add3A_287 = arith.addi %add3A_261, %add3A_286 : i32
      %dma_wait3A_288 = arith.constant 0 : i32
      %dma_wait3A_289 = tpu.memref_slice %arg2[%add3A_287, %dma_wait3A_288] : memref<4096x4096xf32, #tpu.memory_space<hbm>> -> memref<1x4096xf32, #tpu.memory_space<hbm>>
      %dma_wait3A_290 = tpu.memref_squeeze %dma_wait3A_289 : memref<1x4096xf32, #tpu.memory_space<hbm>> -> memref<4096xf32, #tpu.memory_space<hbm>>
      %dma_wait3A_291 = arith.constant 0 : i32
      %dma_wait3A_292 = tpu.memref_slice %arg2[%add3A_287, %dma_wait3A_291] : memref<4096x4096xf32, #tpu.memory_space<hbm>> -> memref<1x4096xf32, #tpu.memory_space<hbm>>
      %dma_wait3A_293 = tpu.memref_squeeze %dma_wait3A_292 : memref<1x4096xf32, #tpu.memory_space<hbm>> -> memref<4096xf32, #tpu.memory_space<hbm>>
      tpu.wait_dma2 semaphore(%arg27 : memref<!tpu.dma_semaphore, #tpu.memory_space<semaphore_mem>>) src(%dma_wait3A_293 : memref<4096xf32, #tpu.memory_space<hbm>>) dst(%arg21 : memref<4096xf32, #tpu.memory_space<vmem>>)
      %add3A_294 = arith.constant 4 : i32
      %add3A_295 = arith.addi %add3A_261, %add3A_294 : i32
      %dma_wait3A_296 = arith.constant 0 : i32
      %dma_wait3A_297 = tpu.memref_slice %arg2[%add3A_295, %dma_wait3A_296] : memref<4096x4096xf32, #tpu.memory_space<hbm>> -> memref<1x4096xf32, #tpu.memory_space<hbm>>
      %dma_wait3A_298 = tpu.memref_squeeze %dma_wait3A_297 : memref<1x4096xf32, #tpu.memory_space<hbm>> -> memref<4096xf32, #tpu.memory_space<hbm>>
      %dma_wait3A_299 = arith.constant 0 : i32
      %dma_wait3A_300 = tpu.memref_slice %arg2[%add3A_295, %dma_wait3A_299] : memref<4096x4096xf32, #tpu.memory_space<hbm>> -> memref<1x4096xf32, #tpu.memory_space<hbm>>
      %dma_wait3A_301 = tpu.memref_squeeze %dma_wait3A_300 : memref<1x4096xf32, #tpu.memory_space<hbm>> -> memref<4096xf32, #tpu.memory_space<hbm>>
      tpu.wait_dma2 semaphore(%arg27 : memref<!tpu.dma_semaphore, #tpu.memory_space<semaphore_mem>>) src(%dma_wait3A_301 : memref<4096xf32, #tpu.memory_space<hbm>>) dst(%arg22 : memref<4096xf32, #tpu.memory_space<vmem>>)
      %add3A_302 = arith.constant 5 : i32
      %add3A_303 = arith.addi %add3A_261, %add3A_302 : i32
      %dma_wait3A_304 = arith.constant 0 : i32
      %dma_wait3A_305 = tpu.memref_slice %arg2[%add3A_303, %dma_wait3A_304] : memref<4096x4096xf32, #tpu.memory_space<hbm>> -> memref<1x4096xf32, #tpu.memory_space<hbm>>
      %dma_wait3A_306 = tpu.memref_squeeze %dma_wait3A_305 : memref<1x4096xf32, #tpu.memory_space<hbm>> -> memref<4096xf32, #tpu.memory_space<hbm>>
      %dma_wait3A_307 = arith.constant 0 : i32
      %dma_wait3A_308 = tpu.memref_slice %arg2[%add3A_303, %dma_wait3A_307] : memref<4096x4096xf32, #tpu.memory_space<hbm>> -> memref<1x4096xf32, #tpu.memory_space<hbm>>
      %dma_wait3A_309 = tpu.memref_squeeze %dma_wait3A_308 : memref<1x4096xf32, #tpu.memory_space<hbm>> -> memref<4096xf32, #tpu.memory_space<hbm>>
      tpu.wait_dma2 semaphore(%arg27 : memref<!tpu.dma_semaphore, #tpu.memory_space<semaphore_mem>>) src(%dma_wait3A_309 : memref<4096xf32, #tpu.memory_space<hbm>>) dst(%arg23 : memref<4096xf32, #tpu.memory_space<vmem>>)
      %add3A_310 = arith.constant 6 : i32
      %add3A_311 = arith.addi %add3A_261, %add3A_310 : i32
      %dma_wait3A_312 = arith.constant 0 : i32
      %dma_wait3A_313 = tpu.memref_slice %arg2[%add3A_311, %dma_wait3A_312] : memref<4096x4096xf32, #tpu.memory_space<hbm>> -> memref<1x4096xf32, #tpu.memory_space<hbm>>
      %dma_wait3A_314 = tpu.memref_squeeze %dma_wait3A_313 : memref<1x4096xf32, #tpu.memory_space<hbm>> -> memref<4096xf32, #tpu.memory_space<hbm>>
      %dma_wait3A_315 = arith.constant 0 : i32
      %dma_wait3A_316 = tpu.memref_slice %arg2[%add3A_311, %dma_wait3A_315] : memref<4096x4096xf32, #tpu.memory_space<hbm>> -> memref<1x4096xf32, #tpu.memory_space<hbm>>
      %dma_wait3A_317 = tpu.memref_squeeze %dma_wait3A_316 : memref<1x4096xf32, #tpu.memory_space<hbm>> -> memref<4096xf32, #tpu.memory_space<hbm>>
      tpu.wait_dma2 semaphore(%arg27 : memref<!tpu.dma_semaphore, #tpu.memory_space<semaphore_mem>>) src(%dma_wait3A_317 : memref<4096xf32, #tpu.memory_space<hbm>>) dst(%arg24 : memref<4096xf32, #tpu.memory_space<vmem>>)
      %add3A_318 = arith.constant 7 : i32
      %add3A_319 = arith.addi %add3A_261, %add3A_318 : i32
      %dma_wait3A_320 = arith.constant 0 : i32
      %dma_wait3A_321 = tpu.memref_slice %arg2[%add3A_319, %dma_wait3A_320] : memref<4096x4096xf32, #tpu.memory_space<hbm>> -> memref<1x4096xf32, #tpu.memory_space<hbm>>
      %dma_wait3A_322 = tpu.memref_squeeze %dma_wait3A_321 : memref<1x4096xf32, #tpu.memory_space<hbm>> -> memref<4096xf32, #tpu.memory_space<hbm>>
      %dma_wait3A_323 = arith.constant 0 : i32
      %dma_wait3A_324 = tpu.memref_slice %arg2[%add3A_319, %dma_wait3A_323] : memref<4096x4096xf32, #tpu.memory_space<hbm>> -> memref<1x4096xf32, #tpu.memory_space<hbm>>
      %dma_wait3A_325 = tpu.memref_squeeze %dma_wait3A_324 : memref<1x4096xf32, #tpu.memory_space<hbm>> -> memref<4096xf32, #tpu.memory_space<hbm>>
      tpu.wait_dma2 semaphore(%arg27 : memref<!tpu.dma_semaphore, #tpu.memory_space<semaphore_mem>>) src(%dma_wait3A_325 : memref<4096xf32, #tpu.memory_space<hbm>>) dst(%arg25 : memref<4096xf32, #tpu.memory_space<vmem>>)
      %ge3A_326 = arith.constant 1 : i32
      %ge3A_327 = arith.cmpi sge, %add3A_255, %ge3A_326 : i32
      %convert_element_type3A_328 = arith.extui %ge3A_327 : i1 to i32
      %cond3A_329 = arith.constant 0 : i32
      %cond3A_330 = arith.cmpi ne, %convert_element_type3A_328, %cond3A_329 : i32
      scf.if %cond3A_330 {
        %dma_wait3A_355 = arith.constant 0 : i32
        %dma_wait3A_356 = tpu.memref_slice %arg5[%add3A_258, %dma_wait3A_355] : memref<4096x4096xf32, #tpu.memory_space<hbm>> -> memref<8x2048xf32, #tpu.memory_space<hbm>>
        %dma_wait3A_357 = arith.constant 0 : i32
        %dma_wait3A_358 = tpu.memref_slice %arg5[%add3A_258, %dma_wait3A_357] : memref<4096x4096xf32, #tpu.memory_space<hbm>> -> memref<8x2048xf32, #tpu.memory_space<hbm>>
        tpu.wait_dma2 semaphore(%arg28 : memref<!tpu.dma_semaphore, #tpu.memory_space<semaphore_mem>>) src(%arg8 : memref<8x2048xf32, #tpu.memory_space<vmem>>) dst(%dma_wait3A_358 : memref<8x2048xf32, #tpu.memory_space<hbm>>)
      } else {
      }
      %parallel_loop3A_331 = arith.constant 0 : i32
      %parallel_loop3A_332 = arith.constant 128 : i32
      %parallel_loop3A_333 = arith.constant 1 : i32
      scf.for %parallel_loop3A_355 = %parallel_loop3A_331 to %parallel_loop3A_332 step %parallel_loop3A_333  : i32 {
        %parallel_loop3A_356 = arith.constant 16 : i32
        %parallel_loop3A_357 = arith.muli %parallel_loop3A_355, %parallel_loop3A_356 : i32
        %parallel_loop3A_358 = arith.constant 0 : i32
        %parallel_loop3A_359 = arith.addi %parallel_loop3A_358, %parallel_loop3A_357 : i32
        %parallel_loop3A_360 = arith.index_cast %parallel_loop3A_359 : i32 to index
        %parallel_loop3A_361 = tpu.vector_load %arg6[%parallel_loop3A_360] {strides = array<i32>} : memref<4096xi32, #tpu.memory_space<vmem>>, vector<16xi32>,
        %parallel_loop3A_362 = arith.andi %parallel_loop3A_361, %broadcast_in_dim3A_134 : vector<16xi32>
        %parallel_loop3A_363 = arith.constant 16 : i32
        %parallel_loop3A_364 = vector.broadcast %parallel_loop3A_363 : i32 to vector<16xi32>
        %parallel_loop3A_365 = arith.shrui %parallel_loop3A_361, %parallel_loop3A_364 : vector<16xi32>
        %parallel_loop3A_366 = arith.constant 0 : i32
        %parallel_loop3A_367 = arith.index_cast %parallel_loop3A_366 : i32 to index
        %parallel_loop3A_368 = arith.index_cast %parallel_loop3A_359 : i32 to index
        %parallel_loop3A_369 = tpu.vector_load %arg7[%parallel_loop3A_367, %parallel_loop3A_368] {strides = array<i32>} : memref<2x4096xi32, #tpu.memory_space<vmem>>, vector<16xi32>,
        %parallel_loop3A_370 = arith.constant 1 : i32
        %parallel_loop3A_371 = arith.index_cast %parallel_loop3A_370 : i32 to index
        %parallel_loop3A_372 = arith.index_cast %parallel_loop3A_359 : i32 to index
        %parallel_loop3A_373 = tpu.vector_load %arg7[%parallel_loop3A_371, %parallel_loop3A_372] {strides = array<i32>} : memref<2x4096xi32, #tpu.memory_space<vmem>>, vector<16xi32>,
        %parallel_loop3A_374 = arith.andi %parallel_loop3A_369, %broadcast_in_dim3A_136 : vector<16xi32>
        %parallel_loop3A_375 = vector.bitcast %parallel_loop3A_374 : vector<16xi32> to vector<16xf32>
        %parallel_loop3A_376 = arith.constant 16 : i32
        %parallel_loop3A_377 = vector.broadcast %parallel_loop3A_376 : i32 to vector<16xi32>
        %parallel_loop3A_378 = arith.shli %parallel_loop3A_369, %parallel_loop3A_377 : vector<16xi32>
        %parallel_loop3A_379 = vector.bitcast %parallel_loop3A_378 : vector<16xi32> to vector<16xf32>
        %parallel_loop3A_380 = arith.andi %parallel_loop3A_373, %broadcast_in_dim3A_136 : vector<16xi32>
        %parallel_loop3A_381 = vector.bitcast %parallel_loop3A_380 : vector<16xi32> to vector<16xf32>
        %parallel_loop3A_382 = arith.constant 16 : i32
        %parallel_loop3A_383 = vector.broadcast %parallel_loop3A_382 : i32 to vector<16xi32>
        %parallel_loop3A_384 = arith.shli %parallel_loop3A_373, %parallel_loop3A_383 : vector<16xi32>
        %parallel_loop3A_385 = vector.bitcast %parallel_loop3A_384 : vector<16xi32> to vector<16xf32>
        %parallel_loop3A_386 = tpu.vector_load_idx %arg18[%parallel_loop3A_362] : memref<4096xf32, #tpu.memory_space<vmem>>[vector<16xi32>], vector<16xf32>,
        %parallel_loop3A_387 = tpu.vector_load_idx %arg18[%parallel_loop3A_365] : memref<4096xf32, #tpu.memory_space<vmem>>[vector<16xi32>], vector<16xf32>,
        %parallel_loop3A_388 = tpu.vector_load_idx %arg19[%parallel_loop3A_362] : memref<4096xf32, #tpu.memory_space<vmem>>[vector<16xi32>], vector<16xf32>,
        %parallel_loop3A_389 = tpu.vector_load_idx %arg19[%parallel_loop3A_365] : memref<4096xf32, #tpu.memory_space<vmem>>[vector<16xi32>], vector<16xf32>,
        %parallel_loop3A_390 = tpu.vector_load_idx %arg20[%parallel_loop3A_362] : memref<4096xf32, #tpu.memory_space<vmem>>[vector<16xi32>], vector<16xf32>,
        %parallel_loop3A_391 = tpu.vector_load_idx %arg20[%parallel_loop3A_365] : memref<4096xf32, #tpu.memory_space<vmem>>[vector<16xi32>], vector<16xf32>,
        %parallel_loop3A_392 = tpu.vector_load_idx %arg21[%parallel_loop3A_362] : memref<4096xf32, #tpu.memory_space<vmem>>[vector<16xi32>], vector<16xf32>,
        %parallel_loop3A_393 = tpu.vector_load_idx %arg21[%parallel_loop3A_365] : memref<4096xf32, #tpu.memory_space<vmem>>[vector<16xi32>], vector<16xf32>,
        %parallel_loop3A_394 = tpu.vector_load_idx %arg22[%parallel_loop3A_362] : memref<4096xf32, #tpu.memory_space<vmem>>[vector<16xi32>], vector<16xf32>,
        %parallel_loop3A_395 = tpu.vector_load_idx %arg22[%parallel_loop3A_365] : memref<4096xf32, #tpu.memory_space<vmem>>[vector<16xi32>], vector<16xf32>,
        %parallel_loop3A_396 = tpu.vector_load_idx %arg23[%parallel_loop3A_362] : memref<4096xf32, #tpu.memory_space<vmem>>[vector<16xi32>], vector<16xf32>,
        %parallel_loop3A_397 = tpu.vector_load_idx %arg23[%parallel_loop3A_365] : memref<4096xf32, #tpu.memory_space<vmem>>[vector<16xi32>], vector<16xf32>,
        %parallel_loop3A_398 = tpu.vector_load_idx %arg24[%parallel_loop3A_362] : memref<4096xf32, #tpu.memory_space<vmem>>[vector<16xi32>], vector<16xf32>,
        %parallel_loop3A_399 = tpu.vector_load_idx %arg24[%parallel_loop3A_365] : memref<4096xf32, #tpu.memory_space<vmem>>[vector<16xi32>], vector<16xf32>,
        %parallel_loop3A_400 = tpu.vector_load_idx %arg25[%parallel_loop3A_362] : memref<4096xf32, #tpu.memory_space<vmem>>[vector<16xi32>], vector<16xf32>,
        %parallel_loop3A_401 = tpu.vector_load_idx %arg25[%parallel_loop3A_365] : memref<4096xf32, #tpu.memory_space<vmem>>[vector<16xi32>], vector<16xf32>,
        %parallel_loop3A_402 = arith.mulf %parallel_loop3A_379, %parallel_loop3A_386 : vector<16xf32>
        %parallel_loop3A_403 = arith.addf %parallel_loop3A_375, %parallel_loop3A_402 : vector<16xf32>
        %parallel_loop3A_404 = arith.mulf %parallel_loop3A_385, %parallel_loop3A_386 : vector<16xf32>
        %parallel_loop3A_405 = arith.addf %parallel_loop3A_381, %parallel_loop3A_404 : vector<16xf32>
        %parallel_loop3A_406 = arith.mulf %parallel_loop3A_387, %parallel_loop3A_405 : vector<16xf32>
        %parallel_loop3A_407 = arith.addf %parallel_loop3A_403, %parallel_loop3A_406 : vector<16xf32>
        %parallel_loop3A_408 = arith.constant 16 : i32
        %parallel_loop3A_409 = arith.muli %parallel_loop3A_355, %parallel_loop3A_408 : i32
        %parallel_loop3A_410 = arith.constant 0 : i32
        %parallel_loop3A_411 = arith.index_cast %parallel_loop3A_410 : i32 to index
        %parallel_loop3A_412 = arith.index_cast %parallel_loop3A_409 : i32 to index
        %parallel_loop3A_413 = tpu.vector_load %arg8[%parallel_loop3A_411, %parallel_loop3A_412] {strides = array<i32>} : memref<8x2048xf32, #tpu.memory_space<vmem>>, vector<16xf32>,
        tpu.vector_store %arg8[%parallel_loop3A_411, %parallel_loop3A_412], %parallel_loop3A_407 {strides = array<i32>} : memref<8x2048xf32, #tpu.memory_space<vmem>>, vector<16xf32>,
        %parallel_loop3A_414 = arith.mulf %parallel_loop3A_379, %parallel_loop3A_388 : vector<16xf32>
        %parallel_loop3A_415 = arith.addf %parallel_loop3A_375, %parallel_loop3A_414 : vector<16xf32>
        %parallel_loop3A_416 = arith.mulf %parallel_loop3A_385, %parallel_loop3A_388 : vector<16xf32>
        %parallel_loop3A_417 = arith.addf %parallel_loop3A_381, %parallel_loop3A_416 : vector<16xf32>
        %parallel_loop3A_418 = arith.mulf %parallel_loop3A_389, %parallel_loop3A_417 : vector<16xf32>
        %parallel_loop3A_419 = arith.addf %parallel_loop3A_415, %parallel_loop3A_418 : vector<16xf32>
        %parallel_loop3A_420 = arith.constant 16 : i32
        %parallel_loop3A_421 = arith.muli %parallel_loop3A_355, %parallel_loop3A_420 : i32
        %parallel_loop3A_422 = arith.constant 1 : i32
        %parallel_loop3A_423 = arith.index_cast %parallel_loop3A_422 : i32 to index
        %parallel_loop3A_424 = arith.index_cast %parallel_loop3A_421 : i32 to index
        %parallel_loop3A_425 = tpu.vector_load %arg8[%parallel_loop3A_423, %parallel_loop3A_424] {strides = array<i32>} : memref<8x2048xf32, #tpu.memory_space<vmem>>, vector<16xf32>,
        tpu.vector_store %arg8[%parallel_loop3A_423, %parallel_loop3A_424], %parallel_loop3A_419 {strides = array<i32>} : memref<8x2048xf32, #tpu.memory_space<vmem>>, vector<16xf32>,
        %parallel_loop3A_426 = arith.mulf %parallel_loop3A_379, %parallel_loop3A_390 : vector<16xf32>
        %parallel_loop3A_427 = arith.addf %parallel_loop3A_375, %parallel_loop3A_426 : vector<16xf32>
        %parallel_loop3A_428 = arith.mulf %parallel_loop3A_385, %parallel_loop3A_390 : vector<16xf32>
        %parallel_loop3A_429 = arith.addf %parallel_loop3A_381, %parallel_loop3A_428 : vector<16xf32>
        %parallel_loop3A_430 = arith.mulf %parallel_loop3A_391, %parallel_loop3A_429 : vector<16xf32>
        %parallel_loop3A_431 = arith.addf %parallel_loop3A_427, %parallel_loop3A_430 : vector<16xf32>
        %parallel_loop3A_432 = arith.constant 16 : i32
        %parallel_loop3A_433 = arith.muli %parallel_loop3A_355, %parallel_loop3A_432 : i32
        %parallel_loop3A_434 = arith.constant 2 : i32
        %parallel_loop3A_435 = arith.index_cast %parallel_loop3A_434 : i32 to index
        %parallel_loop3A_436 = arith.index_cast %parallel_loop3A_433 : i32 to index
        %parallel_loop3A_437 = tpu.vector_load %arg8[%parallel_loop3A_435, %parallel_loop3A_436] {strides = array<i32>} : memref<8x2048xf32, #tpu.memory_space<vmem>>, vector<16xf32>,
        tpu.vector_store %arg8[%parallel_loop3A_435, %parallel_loop3A_436], %parallel_loop3A_431 {strides = array<i32>} : memref<8x2048xf32, #tpu.memory_space<vmem>>, vector<16xf32>,
        %parallel_loop3A_438 = arith.mulf %parallel_loop3A_379, %parallel_loop3A_392 : vector<16xf32>
        %parallel_loop3A_439 = arith.addf %parallel_loop3A_375, %parallel_loop3A_438 : vector<16xf32>
        %parallel_loop3A_440 = arith.mulf %parallel_loop3A_385, %parallel_loop3A_392 : vector<16xf32>
        %parallel_loop3A_441 = arith.addf %parallel_loop3A_381, %parallel_loop3A_440 : vector<16xf32>
        %parallel_loop3A_442 = arith.mulf %parallel_loop3A_393, %parallel_loop3A_441 : vector<16xf32>
        %parallel_loop3A_443 = arith.addf %parallel_loop3A_439, %parallel_loop3A_442 : vector<16xf32>
        %parallel_loop3A_444 = arith.constant 16 : i32
        %parallel_loop3A_445 = arith.muli %parallel_loop3A_355, %parallel_loop3A_444 : i32
        %parallel_loop3A_446 = arith.constant 3 : i32
        %parallel_loop3A_447 = arith.index_cast %parallel_loop3A_446 : i32 to index
        %parallel_loop3A_448 = arith.index_cast %parallel_loop3A_445 : i32 to index
        %parallel_loop3A_449 = tpu.vector_load %arg8[%parallel_loop3A_447, %parallel_loop3A_448] {strides = array<i32>} : memref<8x2048xf32, #tpu.memory_space<vmem>>, vector<16xf32>,
        tpu.vector_store %arg8[%parallel_loop3A_447, %parallel_loop3A_448], %parallel_loop3A_443 {strides = array<i32>} : memref<8x2048xf32, #tpu.memory_space<vmem>>, vector<16xf32>,
        %parallel_loop3A_450 = arith.mulf %parallel_loop3A_379, %parallel_loop3A_394 : vector<16xf32>
        %parallel_loop3A_451 = arith.addf %parallel_loop3A_375, %parallel_loop3A_450 : vector<16xf32>
        %parallel_loop3A_452 = arith.mulf %parallel_loop3A_385, %parallel_loop3A_394 : vector<16xf32>
        %parallel_loop3A_453 = arith.addf %parallel_loop3A_381, %parallel_loop3A_452 : vector<16xf32>
        %parallel_loop3A_454 = arith.mulf %parallel_loop3A_395, %parallel_loop3A_453 : vector<16xf32>
        %parallel_loop3A_455 = arith.addf %parallel_loop3A_451, %parallel_loop3A_454 : vector<16xf32>
        %parallel_loop3A_456 = arith.constant 16 : i32
        %parallel_loop3A_457 = arith.muli %parallel_loop3A_355, %parallel_loop3A_456 : i32
        %parallel_loop3A_458 = arith.constant 4 : i32
        %parallel_loop3A_459 = arith.index_cast %parallel_loop3A_458 : i32 to index
        %parallel_loop3A_460 = arith.index_cast %parallel_loop3A_457 : i32 to index
        %parallel_loop3A_461 = tpu.vector_load %arg8[%parallel_loop3A_459, %parallel_loop3A_460] {strides = array<i32>} : memref<8x2048xf32, #tpu.memory_space<vmem>>, vector<16xf32>,
        tpu.vector_store %arg8[%parallel_loop3A_459, %parallel_loop3A_460], %parallel_loop3A_455 {strides = array<i32>} : memref<8x2048xf32, #tpu.memory_space<vmem>>, vector<16xf32>,
        %parallel_loop3A_462 = arith.mulf %parallel_loop3A_379, %parallel_loop3A_396 : vector<16xf32>
        %parallel_loop3A_463 = arith.addf %parallel_loop3A_375, %parallel_loop3A_462 : vector<16xf32>
        %parallel_loop3A_464 = arith.mulf %parallel_loop3A_385, %parallel_loop3A_396 : vector<16xf32>
        %parallel_loop3A_465 = arith.addf %parallel_loop3A_381, %parallel_loop3A_464 : vector<16xf32>
        %parallel_loop3A_466 = arith.mulf %parallel_loop3A_397, %parallel_loop3A_465 : vector<16xf32>
        %parallel_loop3A_467 = arith.addf %parallel_loop3A_463, %parallel_loop3A_466 : vector<16xf32>
        %parallel_loop3A_468 = arith.constant 16 : i32
        %parallel_loop3A_469 = arith.muli %parallel_loop3A_355, %parallel_loop3A_468 : i32
        %parallel_loop3A_470 = arith.constant 5 : i32
        %parallel_loop3A_471 = arith.index_cast %parallel_loop3A_470 : i32 to index
        %parallel_loop3A_472 = arith.index_cast %parallel_loop3A_469 : i32 to index
        %parallel_loop3A_473 = tpu.vector_load %arg8[%parallel_loop3A_471, %parallel_loop3A_472] {strides = array<i32>} : memref<8x2048xf32, #tpu.memory_space<vmem>>, vector<16xf32>,
        tpu.vector_store %arg8[%parallel_loop3A_471, %parallel_loop3A_472], %parallel_loop3A_467 {strides = array<i32>} : memref<8x2048xf32, #tpu.memory_space<vmem>>, vector<16xf32>,
        %parallel_loop3A_474 = arith.mulf %parallel_loop3A_379, %parallel_loop3A_398 : vector<16xf32>
        %parallel_loop3A_475 = arith.addf %parallel_loop3A_375, %parallel_loop3A_474 : vector<16xf32>
        %parallel_loop3A_476 = arith.mulf %parallel_loop3A_385, %parallel_loop3A_398 : vector<16xf32>
        %parallel_loop3A_477 = arith.addf %parallel_loop3A_381, %parallel_loop3A_476 : vector<16xf32>
        %parallel_loop3A_478 = arith.mulf %parallel_loop3A_399, %parallel_loop3A_477 : vector<16xf32>
        %parallel_loop3A_479 = arith.addf %parallel_loop3A_475, %parallel_loop3A_478 : vector<16xf32>
        %parallel_loop3A_480 = arith.constant 16 : i32
        %parallel_loop3A_481 = arith.muli %parallel_loop3A_355, %parallel_loop3A_480 : i32
        %parallel_loop3A_482 = arith.constant 6 : i32
        %parallel_loop3A_483 = arith.index_cast %parallel_loop3A_482 : i32 to index
        %parallel_loop3A_484 = arith.index_cast %parallel_loop3A_481 : i32 to index
        %parallel_loop3A_485 = tpu.vector_load %arg8[%parallel_loop3A_483, %parallel_loop3A_484] {strides = array<i32>} : memref<8x2048xf32, #tpu.memory_space<vmem>>, vector<16xf32>,
        tpu.vector_store %arg8[%parallel_loop3A_483, %parallel_loop3A_484], %parallel_loop3A_479 {strides = array<i32>} : memref<8x2048xf32, #tpu.memory_space<vmem>>, vector<16xf32>,
        %parallel_loop3A_486 = arith.mulf %parallel_loop3A_379, %parallel_loop3A_400 : vector<16xf32>
        %parallel_loop3A_487 = arith.addf %parallel_loop3A_375, %parallel_loop3A_486 : vector<16xf32>
        %parallel_loop3A_488 = arith.mulf %parallel_loop3A_385, %parallel_loop3A_400 : vector<16xf32>
        %parallel_loop3A_489 = arith.addf %parallel_loop3A_381, %parallel_loop3A_488 : vector<16xf32>
        %parallel_loop3A_490 = arith.mulf %parallel_loop3A_401, %parallel_loop3A_489 : vector<16xf32>
        %parallel_loop3A_491 = arith.addf %parallel_loop3A_487, %parallel_loop3A_490 : vector<16xf32>
        %parallel_loop3A_492 = arith.constant 16 : i32
        %parallel_loop3A_493 = arith.muli %parallel_loop3A_355, %parallel_loop3A_492 : i32
        %parallel_loop3A_494 = arith.constant 7 : i32
        %parallel_loop3A_495 = arith.index_cast %parallel_loop3A_494 : i32 to index
        %parallel_loop3A_496 = arith.index_cast %parallel_loop3A_493 : i32 to index
        %parallel_loop3A_497 = tpu.vector_load %arg8[%parallel_loop3A_495, %parallel_loop3A_496] {strides = array<i32>} : memref<8x2048xf32, #tpu.memory_space<vmem>>, vector<16xf32>,
        tpu.vector_store %arg8[%parallel_loop3A_495, %parallel_loop3A_496], %parallel_loop3A_491 {strides = array<i32>} : memref<8x2048xf32, #tpu.memory_space<vmem>>, vector<16xf32>,
      } {sc.loop_unroll_factor = 2 : i64, sc.parallel_access}
      %dma_start3A_334 = arith.constant 0 : i32
      %dma_start3A_335 = tpu.memref_slice %arg5[%add3A_258, %dma_start3A_334] : memref<4096x4096xf32, #tpu.memory_space<hbm>> -> memref<8x2048xf32, #tpu.memory_space<hbm>>
      %dma_start3A_336 = arith.constant 0 : i32
      %dma_start3A_337 = tpu.memref_slice %arg5[%add3A_258, %dma_start3A_336] : memref<4096x4096xf32, #tpu.memory_space<hbm>> -> memref<8x2048xf32, #tpu.memory_space<hbm>>
      tpu.enqueue_dma source(%arg8 : memref<8x2048xf32, #tpu.memory_space<vmem>>) target(%dma_start3A_337 : memref<8x2048xf32, #tpu.memory_space<hbm>>) target_semaphore(%arg28 : memref<!tpu.dma_semaphore, #tpu.memory_space<semaphore_mem>>)
      %ge3A_338 = arith.constant 1 : i32
      %ge3A_339 = arith.cmpi sge, %add3A_255, %ge3A_338 : i32
      %convert_element_type3A_340 = arith.extui %ge3A_339 : i1 to i32
      %cond3A_341 = arith.constant 0 : i32
      %cond3A_342 = arith.cmpi ne, %convert_element_type3A_340, %cond3A_341 : i32
      scf.if %cond3A_342 {
        %dma_wait3A_355 = arith.constant 2048 : i32
        %dma_wait3A_356 = tpu.memref_slice %arg5[%add3A_258, %dma_wait3A_355] : memref<4096x4096xf32, #tpu.memory_space<hbm>> -> memref<8x2048xf32, #tpu.memory_space<hbm>>
        %dma_wait3A_357 = arith.constant 2048 : i32
        %dma_wait3A_358 = tpu.memref_slice %arg5[%add3A_258, %dma_wait3A_357] : memref<4096x4096xf32, #tpu.memory_space<hbm>> -> memref<8x2048xf32, #tpu.memory_space<hbm>>
        tpu.wait_dma2 semaphore(%arg29 : memref<!tpu.dma_semaphore, #tpu.memory_space<semaphore_mem>>) src(%arg9 : memref<8x2048xf32, #tpu.memory_space<vmem>>) dst(%dma_wait3A_358 : memref<8x2048xf32, #tpu.memory_space<hbm>>)
      } else {
      }
      %parallel_loop3A_343 = arith.constant 0 : i32
      %parallel_loop3A_344 = arith.constant 128 : i32
      %parallel_loop3A_345 = arith.constant 1 : i32
      scf.for %parallel_loop3A_355 = %parallel_loop3A_343 to %parallel_loop3A_344 step %parallel_loop3A_345  : i32 {
        %parallel_loop3A_356 = arith.constant 16 : i32
        %parallel_loop3A_357 = arith.muli %parallel_loop3A_355, %parallel_loop3A_356 : i32
        %parallel_loop3A_358 = arith.constant 2048 : i32
        %parallel_loop3A_359 = arith.addi %parallel_loop3A_358, %parallel_loop3A_357 : i32
        %parallel_loop3A_360 = arith.index_cast %parallel_loop3A_359 : i32 to index
        %parallel_loop3A_361 = tpu.vector_load %arg6[%parallel_loop3A_360] {strides = array<i32>} : memref<4096xi32, #tpu.memory_space<vmem>>, vector<16xi32>,
        %parallel_loop3A_362 = arith.andi %parallel_loop3A_361, %broadcast_in_dim3A_134 : vector<16xi32>
        %parallel_loop3A_363 = arith.constant 16 : i32
        %parallel_loop3A_364 = vector.broadcast %parallel_loop3A_363 : i32 to vector<16xi32>
        %parallel_loop3A_365 = arith.shrui %parallel_loop3A_361, %parallel_loop3A_364 : vector<16xi32>
        %parallel_loop3A_366 = arith.constant 0 : i32
        %parallel_loop3A_367 = arith.index_cast %parallel_loop3A_366 : i32 to index
        %parallel_loop3A_368 = arith.index_cast %parallel_loop3A_359 : i32 to index
        %parallel_loop3A_369 = tpu.vector_load %arg7[%parallel_loop3A_367, %parallel_loop3A_368] {strides = array<i32>} : memref<2x4096xi32, #tpu.memory_space<vmem>>, vector<16xi32>,
        %parallel_loop3A_370 = arith.constant 1 : i32
        %parallel_loop3A_371 = arith.index_cast %parallel_loop3A_370 : i32 to index
        %parallel_loop3A_372 = arith.index_cast %parallel_loop3A_359 : i32 to index
        %parallel_loop3A_373 = tpu.vector_load %arg7[%parallel_loop3A_371, %parallel_loop3A_372] {strides = array<i32>} : memref<2x4096xi32, #tpu.memory_space<vmem>>, vector<16xi32>,
        %parallel_loop3A_374 = arith.andi %parallel_loop3A_369, %broadcast_in_dim3A_136 : vector<16xi32>
        %parallel_loop3A_375 = vector.bitcast %parallel_loop3A_374 : vector<16xi32> to vector<16xf32>
        %parallel_loop3A_376 = arith.constant 16 : i32
        %parallel_loop3A_377 = vector.broadcast %parallel_loop3A_376 : i32 to vector<16xi32>
        %parallel_loop3A_378 = arith.shli %parallel_loop3A_369, %parallel_loop3A_377 : vector<16xi32>
        %parallel_loop3A_379 = vector.bitcast %parallel_loop3A_378 : vector<16xi32> to vector<16xf32>
        %parallel_loop3A_380 = arith.andi %parallel_loop3A_373, %broadcast_in_dim3A_136 : vector<16xi32>
        %parallel_loop3A_381 = vector.bitcast %parallel_loop3A_380 : vector<16xi32> to vector<16xf32>
        %parallel_loop3A_382 = arith.constant 16 : i32
        %parallel_loop3A_383 = vector.broadcast %parallel_loop3A_382 : i32 to vector<16xi32>
        %parallel_loop3A_384 = arith.shli %parallel_loop3A_373, %parallel_loop3A_383 : vector<16xi32>
        %parallel_loop3A_385 = vector.bitcast %parallel_loop3A_384 : vector<16xi32> to vector<16xf32>
        %parallel_loop3A_386 = tpu.vector_load_idx %arg18[%parallel_loop3A_362] : memref<4096xf32, #tpu.memory_space<vmem>>[vector<16xi32>], vector<16xf32>,
        %parallel_loop3A_387 = tpu.vector_load_idx %arg18[%parallel_loop3A_365] : memref<4096xf32, #tpu.memory_space<vmem>>[vector<16xi32>], vector<16xf32>,
        %parallel_loop3A_388 = tpu.vector_load_idx %arg19[%parallel_loop3A_362] : memref<4096xf32, #tpu.memory_space<vmem>>[vector<16xi32>], vector<16xf32>,
        %parallel_loop3A_389 = tpu.vector_load_idx %arg19[%parallel_loop3A_365] : memref<4096xf32, #tpu.memory_space<vmem>>[vector<16xi32>], vector<16xf32>,
        %parallel_loop3A_390 = tpu.vector_load_idx %arg20[%parallel_loop3A_362] : memref<4096xf32, #tpu.memory_space<vmem>>[vector<16xi32>], vector<16xf32>,
        %parallel_loop3A_391 = tpu.vector_load_idx %arg20[%parallel_loop3A_365] : memref<4096xf32, #tpu.memory_space<vmem>>[vector<16xi32>], vector<16xf32>,
        %parallel_loop3A_392 = tpu.vector_load_idx %arg21[%parallel_loop3A_362] : memref<4096xf32, #tpu.memory_space<vmem>>[vector<16xi32>], vector<16xf32>,
        %parallel_loop3A_393 = tpu.vector_load_idx %arg21[%parallel_loop3A_365] : memref<4096xf32, #tpu.memory_space<vmem>>[vector<16xi32>], vector<16xf32>,
        %parallel_loop3A_394 = tpu.vector_load_idx %arg22[%parallel_loop3A_362] : memref<4096xf32, #tpu.memory_space<vmem>>[vector<16xi32>], vector<16xf32>,
        %parallel_loop3A_395 = tpu.vector_load_idx %arg22[%parallel_loop3A_365] : memref<4096xf32, #tpu.memory_space<vmem>>[vector<16xi32>], vector<16xf32>,
        %parallel_loop3A_396 = tpu.vector_load_idx %arg23[%parallel_loop3A_362] : memref<4096xf32, #tpu.memory_space<vmem>>[vector<16xi32>], vector<16xf32>,
        %parallel_loop3A_397 = tpu.vector_load_idx %arg23[%parallel_loop3A_365] : memref<4096xf32, #tpu.memory_space<vmem>>[vector<16xi32>], vector<16xf32>,
        %parallel_loop3A_398 = tpu.vector_load_idx %arg24[%parallel_loop3A_362] : memref<4096xf32, #tpu.memory_space<vmem>>[vector<16xi32>], vector<16xf32>,
        %parallel_loop3A_399 = tpu.vector_load_idx %arg24[%parallel_loop3A_365] : memref<4096xf32, #tpu.memory_space<vmem>>[vector<16xi32>], vector<16xf32>,
        %parallel_loop3A_400 = tpu.vector_load_idx %arg25[%parallel_loop3A_362] : memref<4096xf32, #tpu.memory_space<vmem>>[vector<16xi32>], vector<16xf32>,
        %parallel_loop3A_401 = tpu.vector_load_idx %arg25[%parallel_loop3A_365] : memref<4096xf32, #tpu.memory_space<vmem>>[vector<16xi32>], vector<16xf32>,
        %parallel_loop3A_402 = arith.mulf %parallel_loop3A_379, %parallel_loop3A_386 : vector<16xf32>
        %parallel_loop3A_403 = arith.addf %parallel_loop3A_375, %parallel_loop3A_402 : vector<16xf32>
        %parallel_loop3A_404 = arith.mulf %parallel_loop3A_385, %parallel_loop3A_386 : vector<16xf32>
        %parallel_loop3A_405 = arith.addf %parallel_loop3A_381, %parallel_loop3A_404 : vector<16xf32>
        %parallel_loop3A_406 = arith.mulf %parallel_loop3A_387, %parallel_loop3A_405 : vector<16xf32>
        %parallel_loop3A_407 = arith.addf %parallel_loop3A_403, %parallel_loop3A_406 : vector<16xf32>
        %parallel_loop3A_408 = arith.constant 16 : i32
        %parallel_loop3A_409 = arith.muli %parallel_loop3A_355, %parallel_loop3A_408 : i32
        %parallel_loop3A_410 = arith.constant 0 : i32
        %parallel_loop3A_411 = arith.index_cast %parallel_loop3A_410 : i32 to index
        %parallel_loop3A_412 = arith.index_cast %parallel_loop3A_409 : i32 to index
        %parallel_loop3A_413 = tpu.vector_load %arg9[%parallel_loop3A_411, %parallel_loop3A_412] {strides = array<i32>} : memref<8x2048xf32, #tpu.memory_space<vmem>>, vector<16xf32>,
        tpu.vector_store %arg9[%parallel_loop3A_411, %parallel_loop3A_412], %parallel_loop3A_407 {strides = array<i32>} : memref<8x2048xf32, #tpu.memory_space<vmem>>, vector<16xf32>,
        %parallel_loop3A_414 = arith.mulf %parallel_loop3A_379, %parallel_loop3A_388 : vector<16xf32>
        %parallel_loop3A_415 = arith.addf %parallel_loop3A_375, %parallel_loop3A_414 : vector<16xf32>
        %parallel_loop3A_416 = arith.mulf %parallel_loop3A_385, %parallel_loop3A_388 : vector<16xf32>
        %parallel_loop3A_417 = arith.addf %parallel_loop3A_381, %parallel_loop3A_416 : vector<16xf32>
        %parallel_loop3A_418 = arith.mulf %parallel_loop3A_389, %parallel_loop3A_417 : vector<16xf32>
        %parallel_loop3A_419 = arith.addf %parallel_loop3A_415, %parallel_loop3A_418 : vector<16xf32>
        %parallel_loop3A_420 = arith.constant 16 : i32
        %parallel_loop3A_421 = arith.muli %parallel_loop3A_355, %parallel_loop3A_420 : i32
        %parallel_loop3A_422 = arith.constant 1 : i32
        %parallel_loop3A_423 = arith.index_cast %parallel_loop3A_422 : i32 to index
        %parallel_loop3A_424 = arith.index_cast %parallel_loop3A_421 : i32 to index
        %parallel_loop3A_425 = tpu.vector_load %arg9[%parallel_loop3A_423, %parallel_loop3A_424] {strides = array<i32>} : memref<8x2048xf32, #tpu.memory_space<vmem>>, vector<16xf32>,
        tpu.vector_store %arg9[%parallel_loop3A_423, %parallel_loop3A_424], %parallel_loop3A_419 {strides = array<i32>} : memref<8x2048xf32, #tpu.memory_space<vmem>>, vector<16xf32>,
        %parallel_loop3A_426 = arith.mulf %parallel_loop3A_379, %parallel_loop3A_390 : vector<16xf32>
        %parallel_loop3A_427 = arith.addf %parallel_loop3A_375, %parallel_loop3A_426 : vector<16xf32>
        %parallel_loop3A_428 = arith.mulf %parallel_loop3A_385, %parallel_loop3A_390 : vector<16xf32>
        %parallel_loop3A_429 = arith.addf %parallel_loop3A_381, %parallel_loop3A_428 : vector<16xf32>
        %parallel_loop3A_430 = arith.mulf %parallel_loop3A_391, %parallel_loop3A_429 : vector<16xf32>
        %parallel_loop3A_431 = arith.addf %parallel_loop3A_427, %parallel_loop3A_430 : vector<16xf32>
        %parallel_loop3A_432 = arith.constant 16 : i32
        %parallel_loop3A_433 = arith.muli %parallel_loop3A_355, %parallel_loop3A_432 : i32
        %parallel_loop3A_434 = arith.constant 2 : i32
        %parallel_loop3A_435 = arith.index_cast %parallel_loop3A_434 : i32 to index
        %parallel_loop3A_436 = arith.index_cast %parallel_loop3A_433 : i32 to index
        %parallel_loop3A_437 = tpu.vector_load %arg9[%parallel_loop3A_435, %parallel_loop3A_436] {strides = array<i32>} : memref<8x2048xf32, #tpu.memory_space<vmem>>, vector<16xf32>,
        tpu.vector_store %arg9[%parallel_loop3A_435, %parallel_loop3A_436], %parallel_loop3A_431 {strides = array<i32>} : memref<8x2048xf32, #tpu.memory_space<vmem>>, vector<16xf32>,
        %parallel_loop3A_438 = arith.mulf %parallel_loop3A_379, %parallel_loop3A_392 : vector<16xf32>
        %parallel_loop3A_439 = arith.addf %parallel_loop3A_375, %parallel_loop3A_438 : vector<16xf32>
        %parallel_loop3A_440 = arith.mulf %parallel_loop3A_385, %parallel_loop3A_392 : vector<16xf32>
        %parallel_loop3A_441 = arith.addf %parallel_loop3A_381, %parallel_loop3A_440 : vector<16xf32>
        %parallel_loop3A_442 = arith.mulf %parallel_loop3A_393, %parallel_loop3A_441 : vector<16xf32>
        %parallel_loop3A_443 = arith.addf %parallel_loop3A_439, %parallel_loop3A_442 : vector<16xf32>
        %parallel_loop3A_444 = arith.constant 16 : i32
        %parallel_loop3A_445 = arith.muli %parallel_loop3A_355, %parallel_loop3A_444 : i32
        %parallel_loop3A_446 = arith.constant 3 : i32
        %parallel_loop3A_447 = arith.index_cast %parallel_loop3A_446 : i32 to index
        %parallel_loop3A_448 = arith.index_cast %parallel_loop3A_445 : i32 to index
        %parallel_loop3A_449 = tpu.vector_load %arg9[%parallel_loop3A_447, %parallel_loop3A_448] {strides = array<i32>} : memref<8x2048xf32, #tpu.memory_space<vmem>>, vector<16xf32>,
        tpu.vector_store %arg9[%parallel_loop3A_447, %parallel_loop3A_448], %parallel_loop3A_443 {strides = array<i32>} : memref<8x2048xf32, #tpu.memory_space<vmem>>, vector<16xf32>,
        %parallel_loop3A_450 = arith.mulf %parallel_loop3A_379, %parallel_loop3A_394 : vector<16xf32>
        %parallel_loop3A_451 = arith.addf %parallel_loop3A_375, %parallel_loop3A_450 : vector<16xf32>
        %parallel_loop3A_452 = arith.mulf %parallel_loop3A_385, %parallel_loop3A_394 : vector<16xf32>
        %parallel_loop3A_453 = arith.addf %parallel_loop3A_381, %parallel_loop3A_452 : vector<16xf32>
        %parallel_loop3A_454 = arith.mulf %parallel_loop3A_395, %parallel_loop3A_453 : vector<16xf32>
        %parallel_loop3A_455 = arith.addf %parallel_loop3A_451, %parallel_loop3A_454 : vector<16xf32>
        %parallel_loop3A_456 = arith.constant 16 : i32
        %parallel_loop3A_457 = arith.muli %parallel_loop3A_355, %parallel_loop3A_456 : i32
        %parallel_loop3A_458 = arith.constant 4 : i32
        %parallel_loop3A_459 = arith.index_cast %parallel_loop3A_458 : i32 to index
        %parallel_loop3A_460 = arith.index_cast %parallel_loop3A_457 : i32 to index
        %parallel_loop3A_461 = tpu.vector_load %arg9[%parallel_loop3A_459, %parallel_loop3A_460] {strides = array<i32>} : memref<8x2048xf32, #tpu.memory_space<vmem>>, vector<16xf32>,
        tpu.vector_store %arg9[%parallel_loop3A_459, %parallel_loop3A_460], %parallel_loop3A_455 {strides = array<i32>} : memref<8x2048xf32, #tpu.memory_space<vmem>>, vector<16xf32>,
        %parallel_loop3A_462 = arith.mulf %parallel_loop3A_379, %parallel_loop3A_396 : vector<16xf32>
        %parallel_loop3A_463 = arith.addf %parallel_loop3A_375, %parallel_loop3A_462 : vector<16xf32>
        %parallel_loop3A_464 = arith.mulf %parallel_loop3A_385, %parallel_loop3A_396 : vector<16xf32>
        %parallel_loop3A_465 = arith.addf %parallel_loop3A_381, %parallel_loop3A_464 : vector<16xf32>
        %parallel_loop3A_466 = arith.mulf %parallel_loop3A_397, %parallel_loop3A_465 : vector<16xf32>
        %parallel_loop3A_467 = arith.addf %parallel_loop3A_463, %parallel_loop3A_466 : vector<16xf32>
        %parallel_loop3A_468 = arith.constant 16 : i32
        %parallel_loop3A_469 = arith.muli %parallel_loop3A_355, %parallel_loop3A_468 : i32
        %parallel_loop3A_470 = arith.constant 5 : i32
        %parallel_loop3A_471 = arith.index_cast %parallel_loop3A_470 : i32 to index
        %parallel_loop3A_472 = arith.index_cast %parallel_loop3A_469 : i32 to index
        %parallel_loop3A_473 = tpu.vector_load %arg9[%parallel_loop3A_471, %parallel_loop3A_472] {strides = array<i32>} : memref<8x2048xf32, #tpu.memory_space<vmem>>, vector<16xf32>,
        tpu.vector_store %arg9[%parallel_loop3A_471, %parallel_loop3A_472], %parallel_loop3A_467 {strides = array<i32>} : memref<8x2048xf32, #tpu.memory_space<vmem>>, vector<16xf32>,
        %parallel_loop3A_474 = arith.mulf %parallel_loop3A_379, %parallel_loop3A_398 : vector<16xf32>
        %parallel_loop3A_475 = arith.addf %parallel_loop3A_375, %parallel_loop3A_474 : vector<16xf32>
        %parallel_loop3A_476 = arith.mulf %parallel_loop3A_385, %parallel_loop3A_398 : vector<16xf32>
        %parallel_loop3A_477 = arith.addf %parallel_loop3A_381, %parallel_loop3A_476 : vector<16xf32>
        %parallel_loop3A_478 = arith.mulf %parallel_loop3A_399, %parallel_loop3A_477 : vector<16xf32>
        %parallel_loop3A_479 = arith.addf %parallel_loop3A_475, %parallel_loop3A_478 : vector<16xf32>
        %parallel_loop3A_480 = arith.constant 16 : i32
        %parallel_loop3A_481 = arith.muli %parallel_loop3A_355, %parallel_loop3A_480 : i32
        %parallel_loop3A_482 = arith.constant 6 : i32
        %parallel_loop3A_483 = arith.index_cast %parallel_loop3A_482 : i32 to index
        %parallel_loop3A_484 = arith.index_cast %parallel_loop3A_481 : i32 to index
        %parallel_loop3A_485 = tpu.vector_load %arg9[%parallel_loop3A_483, %parallel_loop3A_484] {strides = array<i32>} : memref<8x2048xf32, #tpu.memory_space<vmem>>, vector<16xf32>,
        tpu.vector_store %arg9[%parallel_loop3A_483, %parallel_loop3A_484], %parallel_loop3A_479 {strides = array<i32>} : memref<8x2048xf32, #tpu.memory_space<vmem>>, vector<16xf32>,
        %parallel_loop3A_486 = arith.mulf %parallel_loop3A_379, %parallel_loop3A_400 : vector<16xf32>
        %parallel_loop3A_487 = arith.addf %parallel_loop3A_375, %parallel_loop3A_486 : vector<16xf32>
        %parallel_loop3A_488 = arith.mulf %parallel_loop3A_385, %parallel_loop3A_400 : vector<16xf32>
        %parallel_loop3A_489 = arith.addf %parallel_loop3A_381, %parallel_loop3A_488 : vector<16xf32>
        %parallel_loop3A_490 = arith.mulf %parallel_loop3A_401, %parallel_loop3A_489 : vector<16xf32>
        %parallel_loop3A_491 = arith.addf %parallel_loop3A_487, %parallel_loop3A_490 : vector<16xf32>
        %parallel_loop3A_492 = arith.constant 16 : i32
        %parallel_loop3A_493 = arith.muli %parallel_loop3A_355, %parallel_loop3A_492 : i32
        %parallel_loop3A_494 = arith.constant 7 : i32
        %parallel_loop3A_495 = arith.index_cast %parallel_loop3A_494 : i32 to index
        %parallel_loop3A_496 = arith.index_cast %parallel_loop3A_493 : i32 to index
        %parallel_loop3A_497 = tpu.vector_load %arg9[%parallel_loop3A_495, %parallel_loop3A_496] {strides = array<i32>} : memref<8x2048xf32, #tpu.memory_space<vmem>>, vector<16xf32>,
        tpu.vector_store %arg9[%parallel_loop3A_495, %parallel_loop3A_496], %parallel_loop3A_491 {strides = array<i32>} : memref<8x2048xf32, #tpu.memory_space<vmem>>, vector<16xf32>,
      } {sc.loop_unroll_factor = 2 : i64, sc.parallel_access}
      %dma_start3A_346 = arith.constant 2048 : i32
      %dma_start3A_347 = tpu.memref_slice %arg5[%add3A_258, %dma_start3A_346] : memref<4096x4096xf32, #tpu.memory_space<hbm>> -> memref<8x2048xf32, #tpu.memory_space<hbm>>
      %dma_start3A_348 = arith.constant 2048 : i32
      %dma_start3A_349 = tpu.memref_slice %arg5[%add3A_258, %dma_start3A_348] : memref<4096x4096xf32, #tpu.memory_space<hbm>> -> memref<8x2048xf32, #tpu.memory_space<hbm>>
      tpu.enqueue_dma source(%arg9 : memref<8x2048xf32, #tpu.memory_space<vmem>>) target(%dma_start3A_349 : memref<8x2048xf32, #tpu.memory_space<hbm>>) target_semaphore(%arg29 : memref<!tpu.dma_semaphore, #tpu.memory_space<semaphore_mem>>)
      %lt3A_350 = arith.constant 14 : i32
      %lt3A_351 = arith.cmpi slt, %add3A_255, %lt3A_350 : i32
      %convert_element_type3A_352 = arith.extui %lt3A_351 : i1 to i32
      %cond3A_353 = arith.constant 0 : i32
      %cond3A_354 = arith.cmpi ne, %convert_element_type3A_352, %cond3A_353 : i32
      scf.if %cond3A_354 {
        %add3A_355 = arith.constant 2 : i32
        %add3A_356 = arith.addi %add3A_255, %add3A_355 : i32
        %mul3A_357 = arith.constant 8 : i32
        %mul3A_358 = arith.muli %add3A_356, %mul3A_357 : i32
        %add3A_359 = arith.addi %mul3A_2, %mul3A_358 : i32
        %add3A_360 = arith.constant 0 : i32
        %add3A_361 = arith.addi %add3A_359, %add3A_360 : i32
        %dma_start3A_362 = arith.constant 0 : i32
        %dma_start3A_363 = tpu.memref_slice %arg2[%add3A_361, %dma_start3A_362] : memref<4096x4096xf32, #tpu.memory_space<hbm>> -> memref<1x4096xf32, #tpu.memory_space<hbm>>
        %dma_start3A_364 = tpu.memref_squeeze %dma_start3A_363 : memref<1x4096xf32, #tpu.memory_space<hbm>> -> memref<4096xf32, #tpu.memory_space<hbm>>
        %dma_start3A_365 = arith.constant 0 : i32
        %dma_start3A_366 = tpu.memref_slice %arg2[%add3A_361, %dma_start3A_365] : memref<4096x4096xf32, #tpu.memory_space<hbm>> -> memref<1x4096xf32, #tpu.memory_space<hbm>>
        %dma_start3A_367 = tpu.memref_squeeze %dma_start3A_366 : memref<1x4096xf32, #tpu.memory_space<hbm>> -> memref<4096xf32, #tpu.memory_space<hbm>>
        tpu.enqueue_dma source(%dma_start3A_367 : memref<4096xf32, #tpu.memory_space<hbm>>) target(%arg18 : memref<4096xf32, #tpu.memory_space<vmem>>) target_semaphore(%arg27 : memref<!tpu.dma_semaphore, #tpu.memory_space<semaphore_mem>>)
        %add3A_368 = arith.constant 1 : i32
        %add3A_369 = arith.addi %add3A_359, %add3A_368 : i32
        %dma_start3A_370 = arith.constant 0 : i32
        %dma_start3A_371 = tpu.memref_slice %arg2[%add3A_369, %dma_start3A_370] : memref<4096x4096xf32, #tpu.memory_space<hbm>> -> memref<1x4096xf32, #tpu.memory_space<hbm>>
        %dma_start3A_372 = tpu.memref_squeeze %dma_start3A_371 : memref<1x4096xf32, #tpu.memory_space<hbm>> -> memref<4096xf32, #tpu.memory_space<hbm>>
        %dma_start3A_373 = arith.constant 0 : i32
        %dma_start3A_374 = tpu.memref_slice %arg2[%add3A_369, %dma_start3A_373] : memref<4096x4096xf32, #tpu.memory_space<hbm>> -> memref<1x4096xf32, #tpu.memory_space<hbm>>
        %dma_start3A_375 = tpu.memref_squeeze %dma_start3A_374 : memref<1x4096xf32, #tpu.memory_space<hbm>> -> memref<4096xf32, #tpu.memory_space<hbm>>
        tpu.enqueue_dma source(%dma_start3A_375 : memref<4096xf32, #tpu.memory_space<hbm>>) target(%arg19 : memref<4096xf32, #tpu.memory_space<vmem>>) target_semaphore(%arg27 : memref<!tpu.dma_semaphore, #tpu.memory_space<semaphore_mem>>)
        %add3A_376 = arith.constant 2 : i32
        %add3A_377 = arith.addi %add3A_359, %add3A_376 : i32
        %dma_start3A_378 = arith.constant 0 : i32
        %dma_start3A_379 = tpu.memref_slice %arg2[%add3A_377, %dma_start3A_378] : memref<4096x4096xf32, #tpu.memory_space<hbm>> -> memref<1x4096xf32, #tpu.memory_space<hbm>>
        %dma_start3A_380 = tpu.memref_squeeze %dma_start3A_379 : memref<1x4096xf32, #tpu.memory_space<hbm>> -> memref<4096xf32, #tpu.memory_space<hbm>>
        %dma_start3A_381 = arith.constant 0 : i32
        %dma_start3A_382 = tpu.memref_slice %arg2[%add3A_377, %dma_start3A_381] : memref<4096x4096xf32, #tpu.memory_space<hbm>> -> memref<1x4096xf32, #tpu.memory_space<hbm>>
        %dma_start3A_383 = tpu.memref_squeeze %dma_start3A_382 : memref<1x4096xf32, #tpu.memory_space<hbm>> -> memref<4096xf32, #tpu.memory_space<hbm>>
        tpu.enqueue_dma source(%dma_start3A_383 : memref<4096xf32, #tpu.memory_space<hbm>>) target(%arg20 : memref<4096xf32, #tpu.memory_space<vmem>>) target_semaphore(%arg27 : memref<!tpu.dma_semaphore, #tpu.memory_space<semaphore_mem>>)
        %add3A_384 = arith.constant 3 : i32
        %add3A_385 = arith.addi %add3A_359, %add3A_384 : i32
        %dma_start3A_386 = arith.constant 0 : i32
        %dma_start3A_387 = tpu.memref_slice %arg2[%add3A_385, %dma_start3A_386] : memref<4096x4096xf32, #tpu.memory_space<hbm>> -> memref<1x4096xf32, #tpu.memory_space<hbm>>
        %dma_start3A_388 = tpu.memref_squeeze %dma_start3A_387 : memref<1x4096xf32, #tpu.memory_space<hbm>> -> memref<4096xf32, #tpu.memory_space<hbm>>
        %dma_start3A_389 = arith.constant 0 : i32
        %dma_start3A_390 = tpu.memref_slice %arg2[%add3A_385, %dma_start3A_389] : memref<4096x4096xf32, #tpu.memory_space<hbm>> -> memref<1x4096xf32, #tpu.memory_space<hbm>>
        %dma_start3A_391 = tpu.memref_squeeze %dma_start3A_390 : memref<1x4096xf32, #tpu.memory_space<hbm>> -> memref<4096xf32, #tpu.memory_space<hbm>>
        tpu.enqueue_dma source(%dma_start3A_391 : memref<4096xf32, #tpu.memory_space<hbm>>) target(%arg21 : memref<4096xf32, #tpu.memory_space<vmem>>) target_semaphore(%arg27 : memref<!tpu.dma_semaphore, #tpu.memory_space<semaphore_mem>>)
        %add3A_392 = arith.constant 4 : i32
        %add3A_393 = arith.addi %add3A_359, %add3A_392 : i32
        %dma_start3A_394 = arith.constant 0 : i32
        %dma_start3A_395 = tpu.memref_slice %arg2[%add3A_393, %dma_start3A_394] : memref<4096x4096xf32, #tpu.memory_space<hbm>> -> memref<1x4096xf32, #tpu.memory_space<hbm>>
        %dma_start3A_396 = tpu.memref_squeeze %dma_start3A_395 : memref<1x4096xf32, #tpu.memory_space<hbm>> -> memref<4096xf32, #tpu.memory_space<hbm>>
        %dma_start3A_397 = arith.constant 0 : i32
        %dma_start3A_398 = tpu.memref_slice %arg2[%add3A_393, %dma_start3A_397] : memref<4096x4096xf32, #tpu.memory_space<hbm>> -> memref<1x4096xf32, #tpu.memory_space<hbm>>
        %dma_start3A_399 = tpu.memref_squeeze %dma_start3A_398 : memref<1x4096xf32, #tpu.memory_space<hbm>> -> memref<4096xf32, #tpu.memory_space<hbm>>
        tpu.enqueue_dma source(%dma_start3A_399 : memref<4096xf32, #tpu.memory_space<hbm>>) target(%arg22 : memref<4096xf32, #tpu.memory_space<vmem>>) target_semaphore(%arg27 : memref<!tpu.dma_semaphore, #tpu.memory_space<semaphore_mem>>)
        %add3A_400 = arith.constant 5 : i32
        %add3A_401 = arith.addi %add3A_359, %add3A_400 : i32
        %dma_start3A_402 = arith.constant 0 : i32
        %dma_start3A_403 = tpu.memref_slice %arg2[%add3A_401, %dma_start3A_402] : memref<4096x4096xf32, #tpu.memory_space<hbm>> -> memref<1x4096xf32, #tpu.memory_space<hbm>>
        %dma_start3A_404 = tpu.memref_squeeze %dma_start3A_403 : memref<1x4096xf32, #tpu.memory_space<hbm>> -> memref<4096xf32, #tpu.memory_space<hbm>>
        %dma_start3A_405 = arith.constant 0 : i32
        %dma_start3A_406 = tpu.memref_slice %arg2[%add3A_401, %dma_start3A_405] : memref<4096x4096xf32, #tpu.memory_space<hbm>> -> memref<1x4096xf32, #tpu.memory_space<hbm>>
        %dma_start3A_407 = tpu.memref_squeeze %dma_start3A_406 : memref<1x4096xf32, #tpu.memory_space<hbm>> -> memref<4096xf32, #tpu.memory_space<hbm>>
        tpu.enqueue_dma source(%dma_start3A_407 : memref<4096xf32, #tpu.memory_space<hbm>>) target(%arg23 : memref<4096xf32, #tpu.memory_space<vmem>>) target_semaphore(%arg27 : memref<!tpu.dma_semaphore, #tpu.memory_space<semaphore_mem>>)
        %add3A_408 = arith.constant 6 : i32
        %add3A_409 = arith.addi %add3A_359, %add3A_408 : i32
        %dma_start3A_410 = arith.constant 0 : i32
        %dma_start3A_411 = tpu.memref_slice %arg2[%add3A_409, %dma_start3A_410] : memref<4096x4096xf32, #tpu.memory_space<hbm>> -> memref<1x4096xf32, #tpu.memory_space<hbm>>
        %dma_start3A_412 = tpu.memref_squeeze %dma_start3A_411 : memref<1x4096xf32, #tpu.memory_space<hbm>> -> memref<4096xf32, #tpu.memory_space<hbm>>
        %dma_start3A_413 = arith.constant 0 : i32
        %dma_start3A_414 = tpu.memref_slice %arg2[%add3A_409, %dma_start3A_413] : memref<4096x4096xf32, #tpu.memory_space<hbm>> -> memref<1x4096xf32, #tpu.memory_space<hbm>>
        %dma_start3A_415 = tpu.memref_squeeze %dma_start3A_414 : memref<1x4096xf32, #tpu.memory_space<hbm>> -> memref<4096xf32, #tpu.memory_space<hbm>>
        tpu.enqueue_dma source(%dma_start3A_415 : memref<4096xf32, #tpu.memory_space<hbm>>) target(%arg24 : memref<4096xf32, #tpu.memory_space<vmem>>) target_semaphore(%arg27 : memref<!tpu.dma_semaphore, #tpu.memory_space<semaphore_mem>>)
        %add3A_416 = arith.constant 7 : i32
        %add3A_417 = arith.addi %add3A_359, %add3A_416 : i32
        %dma_start3A_418 = arith.constant 0 : i32
        %dma_start3A_419 = tpu.memref_slice %arg2[%add3A_417, %dma_start3A_418] : memref<4096x4096xf32, #tpu.memory_space<hbm>> -> memref<1x4096xf32, #tpu.memory_space<hbm>>
        %dma_start3A_420 = tpu.memref_squeeze %dma_start3A_419 : memref<1x4096xf32, #tpu.memory_space<hbm>> -> memref<4096xf32, #tpu.memory_space<hbm>>
        %dma_start3A_421 = arith.constant 0 : i32
        %dma_start3A_422 = tpu.memref_slice %arg2[%add3A_417, %dma_start3A_421] : memref<4096x4096xf32, #tpu.memory_space<hbm>> -> memref<1x4096xf32, #tpu.memory_space<hbm>>
        %dma_start3A_423 = tpu.memref_squeeze %dma_start3A_422 : memref<1x4096xf32, #tpu.memory_space<hbm>> -> memref<4096xf32, #tpu.memory_space<hbm>>
        tpu.enqueue_dma source(%dma_start3A_423 : memref<4096xf32, #tpu.memory_space<hbm>>) target(%arg25 : memref<4096xf32, #tpu.memory_space<vmem>>) target_semaphore(%arg27 : memref<!tpu.dma_semaphore, #tpu.memory_space<semaphore_mem>>)
      } else {
      }
    }
    %scan3A_141 = arith.constant 8 : i32
    %add3A_142 = arith.constant 120 : i32
    %add3A_143 = arith.addi %mul3A_2, %add3A_142 : i32
    %dma_wait3A = arith.constant 0 : i32
    %dma_wait3A_144 = tpu.memref_slice %arg5[%add3A_143, %dma_wait3A] : memref<4096x4096xf32, #tpu.memory_space<hbm>> -> memref<8x2048xf32, #tpu.memory_space<hbm>>
    %dma_wait3A_145 = arith.constant 0 : i32
    %dma_wait3A_146 = tpu.memref_slice %arg5[%add3A_143, %dma_wait3A_145] : memref<4096x4096xf32, #tpu.memory_space<hbm>> -> memref<8x2048xf32, #tpu.memory_space<hbm>>
    tpu.wait_dma2 semaphore(%arg28 : memref<!tpu.dma_semaphore, #tpu.memory_space<semaphore_mem>>) src(%arg8 : memref<8x2048xf32, #tpu.memory_space<vmem>>) dst(%dma_wait3A_146 : memref<8x2048xf32, #tpu.memory_space<hbm>>)
    %add3A_147 = arith.constant 120 : i32
    %add3A_148 = arith.addi %mul3A_2, %add3A_147 : i32
    %dma_wait3A_149 = arith.constant 2048 : i32
    %dma_wait3A_150 = tpu.memref_slice %arg5[%add3A_148, %dma_wait3A_149] : memref<4096x4096xf32, #tpu.memory_space<hbm>> -> memref<8x2048xf32, #tpu.memory_space<hbm>>
    %dma_wait3A_151 = arith.constant 2048 : i32
    %dma_wait3A_152 = tpu.memref_slice %arg5[%add3A_148, %dma_wait3A_151] : memref<4096x4096xf32, #tpu.memory_space<hbm>> -> memref<8x2048xf32, #tpu.memory_space<hbm>>
    tpu.wait_dma2 semaphore(%arg29 : memref<!tpu.dma_semaphore, #tpu.memory_space<semaphore_mem>>) src(%arg9 : memref<8x2048xf32, #tpu.memory_space<vmem>>) dst(%dma_wait3A_152 : memref<8x2048xf32, #tpu.memory_space<hbm>>)
    return
  }
}

module attributes {stable_mosaic.version = 14 : i64} {
  func.func @_coef_body(%arg0: memref<4x16xf32, #tpu.memory_space<vmem>>, %arg1: memref<16x4096xf32, #tpu.memory_space<vmem>>, %arg2: memref<4096xi32, #tpu.memory_space<vmem>>, %arg3: memref<4096xi32, #tpu.memory_space<vmem>>, %arg4: memref<2x4096xi32, #tpu.memory_space<vmem>>, %arg5: memref<4096xi32, #tpu.memory_space<vmem>>) attributes {dimension_semantics = [], scalar_prefetch = 0 : i64, scratch_operands = 0 : i64, tpu.core_type = #tpu.core_type<tc>} {
    %get3A = arith.constant 0 : index
    %get3A_0 = arith.constant 0 : index
    %get3A_1 = vector.load %arg1[%get3A, %get3A_0] : memref<16x4096xf32, #tpu.memory_space<vmem>>, vector<16x4096xf32>
    %reduce_max3A = arith.constant dense<0xFF800000> : vector<4096xf32>
    %reduce_max3A_2 = vector.multi_reduction <maximumf>, %get3A_1, %reduce_max3A [0] : vector<16x4096xf32> to vector<4096xf32>
    %broadcast_in_dim3A = vector.shape_cast %reduce_max3A_2 : vector<4096xf32> to vector<1x4096xf32>
    %sub3A = vector.broadcast %broadcast_in_dim3A : vector<1x4096xf32> to vector<16x4096xf32>
    %sub3A_3 = arith.subf %get3A_1, %sub3A : vector<16x4096xf32>
    %exp3A = math.exp %sub3A_3 : vector<16x4096xf32>
    %reduce_sum3A = arith.constant dense<0.000000e+00> : vector<4096xf32>
    %reduce_sum3A_4 = vector.multi_reduction <add>, %exp3A, %reduce_sum3A [0] : vector<16x4096xf32> to vector<4096xf32>
    %broadcast_in_dim3A_5 = vector.shape_cast %reduce_sum3A_4 : vector<4096xf32> to vector<1x4096xf32>
    %div3A = vector.broadcast %broadcast_in_dim3A_5 : vector<1x4096xf32> to vector<16x4096xf32>
    %div3A_6 = arith.divf %exp3A, %div3A : vector<16x4096xf32>
    %get3A_7 = arith.constant 0 : index
    %get3A_8 = arith.constant 0 : index
    %get3A_9 = vector.load %arg0[%get3A_7, %get3A_8] : memref<4x16xf32, #tpu.memory_space<vmem>>, vector<4x16xf32>
    %dot_general3A = arith.constant dense<0.000000e+00> : vector<4x4096xf32>
    %dot_general3A_10 = tpu.matmul %get3A_9, %div3A_6, %dot_general3A {dimension_numbers = #tpu.dot_dimension_numbers<[1], [0], [0], [1], [0, 0, 1, 1], [], []>, transpose_lhs_hint = false} : vector<4x16xf32>, vector<16x4096xf32>, vector<4x4096xf32> -> vector<4x4096xf32>
    %slice3A = vector.extract_strided_slice %dot_general3A_10 {offsets = [0, 0], sizes = [1, 4096], strides = [1, 1]} : vector<4x4096xf32> to vector<1x4096xf32>
    %slice3A_11 = vector.extract_strided_slice %dot_general3A_10 {offsets = [2, 0], sizes = [1, 4096], strides = [1, 1]} : vector<4x4096xf32> to vector<1x4096xf32>
    %concatenate3A = tpu.concatenate %slice3A, %slice3A_11 in 0 : vector<1x4096xf32>, vector<1x4096xf32> -> vector<2x4096xf32>
    %slice3A_12 = vector.extract_strided_slice %dot_general3A_10 {offsets = [1, 0], sizes = [1, 4096], strides = [1, 1]} : vector<4x4096xf32> to vector<1x4096xf32>
    %slice3A_13 = vector.extract_strided_slice %dot_general3A_10 {offsets = [3, 0], sizes = [1, 4096], strides = [1, 1]} : vector<4x4096xf32> to vector<1x4096xf32>
    %concatenate3A_14 = tpu.concatenate %slice3A_12, %slice3A_13 in 0 : vector<1x4096xf32>, vector<1x4096xf32> -> vector<2x4096xf32>
    %bitcast_convert_type3A = tpu.bitcast %concatenate3A : vector<2x4096xf32> -> vector<2x4096xi32>
    %add3A = arith.constant 32767 : i32
    %add3A_15 = vector.broadcast %add3A : i32 to vector<2x4096xi32>
    %add3A_16 = arith.addi %bitcast_convert_type3A, %add3A_15 : vector<2x4096xi32>
    %shift_right_logical3A = arith.constant 16 : i32
    %shift_right_logical3A_17 = vector.broadcast %shift_right_logical3A : i32 to vector<2x4096xi32>
    %shift_right_logical3A_18 = arith.shrui %bitcast_convert_type3A, %shift_right_logical3A_17 : vector<2x4096xi32>
    %and3A = arith.constant 1 : i32
    %and3A_19 = vector.broadcast %and3A : i32 to vector<2x4096xi32>
    %and3A_20 = arith.andi %shift_right_logical3A_18, %and3A_19 : vector<2x4096xi32>
    %add3A_21 = arith.addi %add3A_16, %and3A_20 : vector<2x4096xi32>
    %and3A_22 = arith.constant -65536 : i32
    %and3A_23 = vector.broadcast %and3A_22 : i32 to vector<2x4096xi32>
    %and3A_24 = arith.andi %add3A_21, %and3A_23 : vector<2x4096xi32>
    %bitcast_convert_type3A_25 = tpu.bitcast %concatenate3A_14 : vector<2x4096xf32> -> vector<2x4096xi32>
    %add3A_26 = arith.constant 32767 : i32
    %add3A_27 = vector.broadcast %add3A_26 : i32 to vector<2x4096xi32>
    %add3A_28 = arith.addi %bitcast_convert_type3A_25, %add3A_27 : vector<2x4096xi32>
    %shift_right_logical3A_29 = arith.constant 16 : i32
    %shift_right_logical3A_30 = vector.broadcast %shift_right_logical3A_29 : i32 to vector<2x4096xi32>
    %shift_right_logical3A_31 = arith.shrui %bitcast_convert_type3A_25, %shift_right_logical3A_30 : vector<2x4096xi32>
    %and3A_32 = arith.constant 1 : i32
    %and3A_33 = vector.broadcast %and3A_32 : i32 to vector<2x4096xi32>
    %and3A_34 = arith.andi %shift_right_logical3A_31, %and3A_33 : vector<2x4096xi32>
    %add3A_35 = arith.addi %add3A_28, %and3A_34 : vector<2x4096xi32>
    %and3A_36 = arith.constant -65536 : i32
    %and3A_37 = vector.broadcast %and3A_36 : i32 to vector<2x4096xi32>
    %and3A_38 = arith.andi %add3A_35, %and3A_37 : vector<2x4096xi32>
    %shift_right_logical3A_39 = arith.constant 16 : i32
    %shift_right_logical3A_40 = vector.broadcast %shift_right_logical3A_39 : i32 to vector<2x4096xi32>
    %shift_right_logical3A_41 = arith.shrui %and3A_38, %shift_right_logical3A_40 : vector<2x4096xi32>
    %or3A = arith.ori %and3A_24, %shift_right_logical3A_41 : vector<2x4096xi32>
    %swap3A = arith.constant 0 : index
    %swap3A_42 = arith.constant 0 : index
    %swap3A_43 = vector.load %arg4[%swap3A, %swap3A_42] : memref<2x4096xi32, #tpu.memory_space<vmem>>, vector<2x4096xi32>
    tpu.vector_store %arg4[%swap3A, %swap3A_42], %or3A {strides = array<i32>} : memref<2x4096xi32, #tpu.memory_space<vmem>>, vector<2x4096xi32>,
    %get3A_44 = arith.constant 0 : index
    %get3A_45 = vector.load %arg2[%get3A_44] : memref<4096xi32, #tpu.memory_space<vmem>>, vector<4096xi32>
    %get3A_46 = arith.constant 0 : index
    %get3A_47 = vector.load %arg3[%get3A_46] : memref<4096xi32, #tpu.memory_space<vmem>>, vector<4096xi32>
    %shift_left3A = arith.constant 16 : i32
    %shift_left3A_48 = vector.broadcast %shift_left3A : i32 to vector<4096xi32>
    %shift_left3A_49 = arith.shli %get3A_47, %shift_left3A_48 : vector<4096xi32>
    %or3A_50 = arith.ori %get3A_45, %shift_left3A_49 : vector<4096xi32>
    %swap3A_51 = arith.constant 0 : index
    %swap3A_52 = vector.load %arg5[%swap3A_51] : memref<4096xi32, #tpu.memory_space<vmem>>, vector<4096xi32>
    tpu.vector_store %arg5[%swap3A_51], %or3A_50 {strides = array<i32>} : memref<4096xi32, #tpu.memory_space<vmem>>, vector<4096xi32>,
    return
  }
}

</mosaic_0001>

<sc_bundles>
// kernel: kernel.4.cloned.1.call-start
scs
__scs_entry_jumppad:
0x0: {  	(pc) =	sbr.rel $0x88, $3  }
0x1: {  	(tag) =	ssettag $0x0;
	lr =	simm.s32 $0x1  }
0x2: {  	[smem:$0x3F9D] =	sst lr;
	_ =	strace $0xD0000000  }
0x3: {  	_ = 	snop  }
0x4: {  	_ = 	snop  }
0x5: {  	_ = 	snop  }
0x6: {  	_ = 	snop  }
0x7: {  	_ = 	snop  }
__scs_overlays_trampoline_lowered:
0x8: {  	[smem:$0x3FAC] =	sst s0  }
0x9: {  	[smem:$0x3FAD] =	sst s1  }
0xa: {  	[smem:$0x3FAE] =	sst s2  }
0xb: {  	[smem:$0x3FAF] =	sst s3  }
0xc: {  	[smem:$0x3FB0] =	sst s4  }
0xd: {  	[smem:$0x3FB1] =	sst s5  }
0xe: {  	[smem:$0x3FB2] =	sst s6  }
0xf: {  	[smem:$0x3FB3] =	sst s7  }
0x10: {  	[smem:$0x3FB4] =	sst s8  }
0x11: {  	[smem:$0x3FB5] =	sst s9;
	s0 =	simm.s32 @!p0 $0x0  }
0x12: {  	s1 =	sld [smem:$0x3F9B];
	s0 =	simm.s32 @p0 $0x1  }
0x13: {  	[smem:$0x3FB6] =	sst s0;
	s0 =	simm.s32 @!p1 $0x0  }
0x14: {  	s2 =	sld [smem:$0x3F9A];
	s0 =	simm.s32 @p1 $0x1  }
0x15: {  	[smem:$0x3FB7] =	sst s0;
	s0 =	simm.s32 @!p2 $0x0  }
0x16: {  	s3 =	sld [smem:$0x3FDB];
	s0 =	simm.s32 @p2 $0x1  }
0x17: {  	s4 =	simm.s32 $0x1BF5;
	[smem:$0x3FB9] =	sst s0  }
0x18: {  	s0 =	sld [smem:$0x3F9C];
	_ =	swait.ge [sflag:s4], $0x0  }
0x19: {  	s7 =	sld [smem:$0x3F9D]  }
0x1a: {  	s8 =	sadd.s32 $0xFFFFE003, lr  }
0x1b: {  	s9 =	sadd.s32 $0xFFFFFEF7, lr;
	s5 =	simm.s32 $0xFFFFFFFF;
	p2 =	slt.u32 s8, $0xFFFFF086  }
0x1c: {  	p1 =	slt.u32 s9, $0xF7A;
	s5 =	simm.s32 @!p2 $0x0  }
0x1d: {  	s5 =	simm.s32 @p1 $0x1;
	p0 =	seq.s32 s7, s2  }
0x1e: {  	s7 =	smul.u32 @!p0 $0xF7A, s2;
	p2 =	seq.s32 @!p0 s5, $0x0  }
0x1f: {  	s9 =	smul.u32 $0xF7A, s1;
	s8 =	simm.s32 @!p0 $0x1BF5;
	p2 =	por !p2, p0  }
0x20: {  	[sflag:s8] =	ssyncset.s32 @!p0 $0xFFFFF086;
	s6 =	sadd.s32 @!p0 s3, s7;
	s7 =	simm.s32 @!p0 $0x108  }
0x21: {  	s3 =	sadd.s32 s3, s9;
	s6 =	sadd.s32 @!p0 $0x88, s6;
	s7 =	simm.s32 @p2 $0x1082  }
0x22: {  	[simem:s7], [sflag:s8] =	dma.local @!p0 [hbm:s6], $0xF7A  }
0x23: {  	s9 =	sor.u32 $0xD0000000, s2;
	s6 =	simm.s32 $0x108;
	_ =	swait.ge @!p0 [sflag:s8], $0x0  }
0x24: {  	s3 =	sadd.s32 $0x88, s3;
	s6 =	simm.s32 @!p1 $0x1082;
	[sflag:s4] =	ssyncset.s32 $0xFFFFF086  }
0x25: {  	[simem:s6], [sflag:s4] =	dma.local [hbm:s3], $0xF7A  }
0x26: {  	[smem:$0x3F9D] =	sst s1;
	(tag) =	ssettag s2;
	_ =	strace s9  }
0x27: {  	s1 =	sld [smem:$0x3FAD]  }
0x28: {  	s2 =	sld [smem:$0x3FAE]  }
0x29: {  	s4 =	sld [smem:$0x3FB0]  }
0x2a: {  	p0 =	seq.s32 s5, $0x0;
	s5 =	sld [smem:$0x3FB1]  }
0x2b: {  	s6 =	sld [smem:$0x3FB2]  }
0x2c: {  	s7 =	sld [smem:$0x3FB3]  }
0x2d: {  	s3 =	simm.s32 $0x108;
	s8 =	sld [smem:$0x3FB4]  }
0x2e: {  	s3 =	simm.s32 @!p0 $0x1082;
	s9 =	sld [smem:$0x3FB5]  }
0x2f: {  	lr =	sadd.s32 s0, s3;
	s0 =	sld [smem:$0x3FAC]  }
0x30: {  	s3 =	sld [smem:$0x3FAF]  }
0x31: {  	[smem:$0x3FB8] =	sst s10  }
0x32: {  	s10 =	sld [smem:$0x3FB6];
	_ =	sdelay $0x3  }
0x33: {  	p0 =	seq.s32 s10, $0x1;
	s10 =	sld [smem:$0x3FB8];
	_ =	sdelay $0x3  }
0x34: {  	[smem:$0x3FB8] =	sst s10  }
0x35: {  	s10 =	sld [smem:$0x3FB7];
	_ =	sdelay $0x3  }
0x36: {  	p1 =	seq.s32 s10, $0x1;
	s10 =	sld [smem:$0x3FB8];
	_ =	sdelay $0x3  }
0x37: {  	[smem:$0x3FB8] =	sst s10  }
0x38: {  	s10 =	sld [smem:$0x3FB9]  }
0x39: {  	_ = 	snop;
	(pc) =	sbr.ind lr, $3  }
0x3a: {  	_ = 	snop  }
0x3b: {  	_ = 	snop  }
0x3c: {  	p2 =	seq.s32 s10, $0x1;
	s10 =	sld [smem:$0x3FB8]  }
0x3d: {  	_ =	shalt  }
0x3e: {  	_ =	shalt  }
0x3f: {  	_ =	shalt  }
0x40: {  	_ =	shalt  }
0x41: {  	_ =	shalt  }
0x42: {  	_ =	shalt  }
0x43: {  	_ =	shalt  }
0x44: {  	_ =	shalt  }
0x45: {  	_ =	shalt  }
0x46: {  	_ =	shalt  }
0x47: {  	_ =	shalt  }
0x48: {  	_ =	shalt  }
0x49: {  	_ =	shalt  }
0x4a: {  	_ =	shalt  }
0x4b: {  	_ =	shalt  }
0x4c: {  	_ =	shalt  }
0x4d: {  	_ =	shalt  }
0x4e: {  	_ =	shalt  }
0x4f: {  	_ =	shalt  }
0x50: {  	_ =	shalt  }
0x51: {  	_ =	shalt  }
0x52: {  	_ =	shalt  }
0x53: {  	_ =	shalt  }
0x54: {  	_ =	shalt  }
0x55: {  	_ =	shalt  }
0x56: {  	_ =	shalt  }
0x57: {  	_ =	shalt  }
0x58: {  	_ =	shalt  }
0x59: {  	_ =	shalt  }
0x5a: {  	_ =	shalt  }
0x5b: {  	_ =	shalt  }
0x5c: {  	_ =	shalt  }
0x5d: {  	_ =	shalt  }
0x5e: {  	_ =	shalt  }
0x5f: {  	_ =	shalt  }
0x60: {  	_ =	shalt  }
0x61: {  	_ =	shalt  }
0x62: {  	_ =	shalt  }
0x63: {  	_ =	shalt  }
0x64: {  	_ =	shalt  }
0x65: {  	_ =	shalt  }
0x66: {  	_ =	shalt  }
0x67: {  	_ =	shalt  }
0x68: {  	_ =	shalt  }
0x69: {  	_ =	shalt  }
0x6a: {  	_ =	shalt  }
0x6b: {  	_ =	shalt  }
0x6c: {  	_ =	shalt  }
0x6d: {  	_ =	shalt  }
0x6e: {  	_ =	shalt  }
0x6f: {  	_ =	shalt  }
0x70: {  	_ =	shalt  }
0x71: {  	_ =	shalt  }
0x72: {  	_ =	shalt  }
0x73: {  	_ =	shalt  }
0x74: {  	_ =	shalt  }
0x75: {  	_ =	shalt  }
0x76: {  	_ =	shalt  }
0x77: {  	_ =	shalt  }
0x78: {  	_ =	shalt  }
0x79: {  	_ =	shalt  }
0x7a: {  	_ =	shalt  }
0x7b: {  	_ =	shalt  }
0x7c: {  	_ =	shalt  }
0x7d: {  	_ =	shalt  }
0x7e: {  	_ =	shalt  }
0x7f: {  	_ =	shalt  }
0x80: {  	_ =	shalt  }
0x81: {  	_ =	shalt  }
0x82: {  	_ =	shalt  }
0x83: {  	_ =	shalt  }
0x84: {  	_ =	shalt  }
0x85: {  	_ =	shalt  }
0x86: {  	_ =	shalt  }
0x87: {  	_ =	shalt  }
.Lfunc_end0:
.L_simem_size_0:
called_computation_lowered:
.L_overlay_start_0:
0x88: {  	s2 =	sld [smem:$0x3FD9]  }
0x89: {  	s3 =	sld [smem:$0x3FFE];
	_ =	sdelay $0x1  }
0x8a: {  	s1 =	srdreg.scid  }
0x8b: {  	s0 =	sand.u32 $0x1, s1  }
0x8c: {  	s17 =	sshll.u32 s0, $0xA;
	s2 =	sadd.s32 s3, s2  }
0x8d: {  	s2 =	sadd.s32 s2, s17  }
0x8e: {  	[smem:$0x3FC4] =	sst s2  }
0x8f: {  	_ = 	snop  }
0x90: {  	s2 =	sld [smem:$0x3FC9]  }
0x91: {  	s18 =	sld [smem:$0x3FD0];
	(tm) =	ssettm $0x1  }
0x92: {  	s4 =	sld [smem:$0x3FFB];
	_ =	sdelay $0x3  }
0x93: {  	_ =	strace s4  }
0x94: {  	s4 =	sld [smem:$0x3FFC];
	_ =	sdelay $0x3  }
0x95: {  	_ =	strace s4  }
0x96: {  	s4 =	sld [smem:$0x3FFD];
	_ =	sdelay $0x3  }
0x97: {  	_ =	strace s4  }
0x98: {  	_ =	strace $0x8FFFFFFF  }
0x99: {  	s19 =	sld [smem:$0x3FDB];
	_ =	sdelay $0x1  }
0x9a: {  	s5 =	simm.s32 $_scs_section_size  }
0x9b: {  	s6 =	simm.s32 $_size__tile_overlayer_lowered;
	s7 =	simm.s32 $_tile_overlayer_lowered  }
0x9c: {  	s22 =	simm.s32 $0x1BFF;
	s21 =	sshll.u32 s7, $0x1;
	s4 =	sadd.s32 s5, s19  }
0x9d: {  	s8 =	simm.s32 $0x0;
	s20 =	sshll.u32 s6, $0x1;
	s6 =	sadd.s32 s21, s4  }
0x9e: {  	[timem:s8], [sflag:s22] =	dma.local [hbm:s6], s20  }
0x9f: {  	_ =	swait.ge [sflag:s22], s20  }
0xa0: {  	s5 =	ssub.s32 $0x0, s20;
	[sflag:s22] =	ssyncset.done $0x0  }
0xa1: {  	[sflag:s22] =	ssyncadd.s32 s5;
	_ =	sdelay $0x1  }
0xa2: {  	s23 =	simm.s32 $0x1B8B  }
0xa3: {  	_ =	swait.ge [sflag:s23], $0x1  }
0xa4: {  	[sflag:s23] =	ssyncset.done $0x0  }
0xa5: {  	s25 =	simm.s32 $0x1B8E;
	s24 =	sld [smem:$0x3FFE];
	[sflag:s23] =	ssyncadd.s32 $0xFFFFFFFF  }
0xa6: {  	s26 =	simm.s32 $execute0_lowered;
	[smem:$0x3FD2] =	sst s25  }
0xa7: {  	s6 =	sshll.u32 s26, $0x1;
	_ =	strace $0x80000046;
	[dreg:$0x1] =	wrdreg $0xFFFFFFFF  }
0xa8: {  	s28 =	simm.s32 $_size_execute0_lowered;
	s4 =	sadd.s32 s4, s6;
	[dreg:$0x0] =	wrdreg $0x0  }
0xa9: {  	s6 =	sshll.u32 s28, $0x1;
	[dreg:$0x2] =	wrdreg s4  }
0xaa: {  	[dreg:$0x3] =	wrdreg s6  }
0xab: {  	[dreg:$0x4] =	wrdreg $0xC0  }
0xac: {  	_ =	task [dreg:s8], $0x5FFFF  }
0xad: {  	[dreg:$0x1] =	wrdreg $0xFFFFFFFF  }
0xae: {  	[dreg:$0x0] =	wrdreg $0x60  }
0xaf: {  	[dreg:$0x2] =	wrdreg s2  }
0xb0: {  	[dreg:$0x3] =	wrdreg s24  }
0xb1: {  	[dreg:$0x4] =	wrdreg s18  }
0xb2: {  	[dreg:$0x5] =	wrdreg $0x9  }
0xb3: {  	_ =	task.clear_ibuf [dreg:s8], $0x6FFFF;
	_ =	strace $0x90000046  }
0xb4: {  	s29 =	simm.s32 $0x9;
	_ =	strace $0x80000048  }
0xb5: {  	_ =	swait.ge [sflag:s29], $0x1  }
0xb6: {  	[sflag:s29] =	ssyncadd.s32 $0xFFFFFFFF  }
0xb7: {  	_ =	strace $0x90000048  }
0xb8: {  	_ =	sfence  }
0xb9: {  	s30 =	sld [smem:$0x0];
	_ =	sdelay $0x2  }
0xba: {  	s31 =	sshll.u32 s1, $0xD;
	s1 =	sshrl.u32 s1, $0x2  }
0xbb: {  	s3 =	sand.u32 $0x4000, s31;
	s1 =	sadd.s32 s1, s30  }
0xbc: {  	s0 =	sor.u32 s3, s0;
	s1 =	sshll.u32 s1, $0x11  }
0xbd: {  	s0 =	sor.u32 s1, s0  }
0xbe: {  	s0 =	sadd.s32 $0x8F2B, s0  }
0xbf: {  	[sflag:s0] =	ssyncadd.remote.s32 $0x1  }
0xc0: {  	_ =	sfence.sel $0xFFFF  }
0xc1: {  	[dreg:$0x0] =	wrdreg $0xFFFFFFFF;
	(pc) =	sbr.abs _section_cstart, $3  }
0xc2: {  	[dreg:$0x1] =	wrdreg $0xFFFFFFFF  }
0xc3: {  	_ =	task.clear_ibuf [dreg:s8], $0x2FFFF;
	_ =	strace $0x9FFFFFFF  }
0xc4: {  	(tm) =	ssettm $0x7FFFFFFF  }
0xc5: {  	_ =	shalt  }
tec
execute0_lowered:
.L_overlay_start_1:
0x0: {  	(tag) =	ssettag $0x1  }
0x1: {  	s4 =	rddreg [dreg:$0x0]  }
0x2: {  	s0 =	rddreg [dreg:$0x1]  }
0x3: {  	s5 =	rddreg [dreg:$0x2];
	s1 =	simm.s32 $0x0  }
0x4: {  	[smem:$0x7FF] =	sst s1;
	s2 =	sadd.s32 $0x1600, s0  }
0x5: {  	s0 =	sadd.s32 $0x1200, s0;
	_ =	strace $0x80000047;
	[dreg:$0x4] =	wrdreg s2  }
0x6: {  	s3 =	srdreg.scid;
	s8 =	sadd.s32 $0x10, s4;
	[dreg:$0x5] =	wrdreg s0  }
0x7: {  	s1 =	sand.u32 $0x1, s3;
	s9 =	sadd.s32 $0x20, s4;
	[dreg:$0x7] =	wrdreg s8  }
0x8: {  	s3 =	stileid.u32;
	s10 =	sadd.s32 $0x30, s4;
	[dreg:$0xa] =	wrdreg s9  }
0x9: {  	s12 =	sadd.s32 $0x50, s4;
	s13 =	sadd.s32 $0x60, s4;
	[dreg:$0xc] =	wrdreg s10  }
0xa: {  	s23 =	sadd.s32 $0x800, s5;
	s6 =	ssub.s32 $0x2, s1;
	[dreg:$0x10] =	wrdreg s12  }
0xb: {  	s3 =	sshll.u32 s3, $0x11;
	s1 =	sshll.u32 s1, $0x10;
	[dreg:$0x12] =	wrdreg s13  }
0xc: {  	[dreg:$0x1f] =	wrdreg s23;
	s1 =	sor.u32 s1, s3  }
0xd: {  	s7 =	sshrl.u32 s6, $0x1;
	s2 =	sadd.s32 s1, s8;
	[dreg:$0x6] =	wrdreg s1  }
0xe: {  	s0 =	ssub.s32 s6, s7;
	s6 =	sadd.s32 $0x40, s4;
	[dreg:$0x9] =	wrdreg s2  }
0xf: {  	s3 =	sadd.s32 s4, s1;
	s4 =	sadd.s32 $0x70, s4;
	[dreg:$0xd] =	wrdreg s6  }
0x10: {  	[dreg:$0x13] =	wrdreg s4  }
0x11: {  	s24 =	sor.u32 $0x2000, s1;
	[dreg:$0x8] =	wrdreg s3  }
0x12: {  	s25 =	sor.u32 $0x1000, s1;
	[smem:$0x7FB] =	sst s24  }
0x13: {  	s26 =	sor.u32 $0x3000, s1;
	[smem:$0x7FC] =	sst s25  }
0x14: {  	s2 =	sadd.s32 s1, s9;
	[smem:$0x7FD] =	sst s26  }
0x15: {  	s11 =	sadd.s32 s1, s6;
	[dreg:$0xb] =	wrdreg s2  }
0x16: {  	s28 =	simm.s32 $0x13000;
	s14 =	sadd.s32 s1, s4;
	[dreg:$0xf] =	wrdreg s11  }
0x17: {  	s29 =	simm.s32 $0x14000;
	s15 =	sadd.s32 $0x1000, s3;
	[dreg:$0x15] =	wrdreg s14  }
0x18: {  	s30 =	simm.s32 $0x15000;
	s16 =	sadd.s32 $0x1010, s3;
	[dreg:$0x16] =	wrdreg s15  }
0x19: {  	s31 =	simm.s32 $0x16000;
	s0 =	smax.u32 s0, $0x1;
	[dreg:$0x17] =	wrdreg s16  }
0x1a: {  	s23 =	simm.s32 $0xF000;
	s17 =	sadd.s32 $0x1020, s3;
	[dreg:$0x18] =	wrdreg s0  }
0x1b: {  	s18 =	sadd.s32 $0x1030, s3;
	s19 =	sadd.s32 $0x1040, s3;
	[dreg:$0x19] =	wrdreg s17  }
0x1c: {  	s20 =	sadd.s32 $0x1050, s3;
	s21 =	sadd.s32 $0x1060, s3;
	[dreg:$0x1a] =	wrdreg s18  }
0x1d: {  	s22 =	sadd.s32 $0x1070, s3;
	s24 =	simm.s32 $0x10000;
	[dreg:$0x1b] =	wrdreg s19  }
0x1e: {  	s25 =	simm.s32 $0x11000;
	s26 =	simm.s32 $0x12000;
	[dreg:$0x1c] =	wrdreg s20  }
0x1f: {  	s9 =	simm.s32 $0x18000;
	s4 =	simm.s32 $0x0;
	[dreg:$0x1d] =	wrdreg s21  }
.Ltmp0:
0x20: {  	s2 =	sadd.s32 s1, s10;
	[dreg:$0x1e] =	wrdreg s22;
	(pc) =	sbr.rel .LBB2_1-.Ltmp0, $4  }
0x21: {  	s16 =	simm.s32 $0xB000;
	s18 =	simm.s32 $0xC000;
	s21 =	simm.s32 $0xD000  }
0x22: {  	s22 =	simm.s32 $0xE000;
	[dreg:$0xe] =	wrdreg s2;
	s2 =	sadd.s32 s1, s12  }
0x23: {  	s0 =	simm.s32 $0x17000;
	[dreg:$0x11] =	wrdreg s2;
	s2 =	sadd.s32 s1, s13  }
0x24: {  	s10 =	simm.s32 $0x1A000;
	s1 =	simm.s32 $0x19000;
	[dreg:$0x14] =	wrdreg s2  }
.LBB2_12:
0x25: {  	s2 =	simm.s32 $0x3  }
0x26: {  	_ =	swait.ge [sflag:s2], $0x4000  }
0x27: {  	[sflag:s2] =	ssyncset.done $0x0  }
0x28: {  	s3 =	simm.s32 $0x4;
	[sflag:s2] =	ssyncadd.s32 $0xFFFFC000  }
0x29: {  	_ =	swait.ge [sflag:s3], $0x4000  }
0x2a: {  	s4 =	sld [smem:$0x7FA];
	_ =	sdelay $0x2  }
0x2b: {  	s20 =	rddreg [dreg:$0x18];
	s4 =	sadd.s32 $0x1, s4  }
0x2c: {  	p0 =	sne.s32 s4, s20  }
.Ltmp1:
0x2d: {  	_ = 	snop;
	(pc) =	sbr.rel @!p0 .LBB2_13-.Ltmp1, $3  }
0x2e: {  	_ =	sdelay $0x1  }
0x2f: {  	[sflag:s3] =	ssyncset.done $0x0  }
0x30: {  	[sflag:s3] =	ssyncadd.s32 $0xFFFFC000  }
.LBB2_1:
0x31: {  	[smem:$0x7FA] =	sst s4  }
0x32: {  	s2 =	rddreg [dreg:$0x8];
	s3 =	simm.s32 $0x80;
	s4 =	simm.s32 $0x400  }
0x33: {  	[tilespmem:s16], [sflag:$0x1] =	stream.strided.gather [hbm4b:s2+s3], $0x1000, s4, s3, $0x38;
	[tilespmem:$0x1B000] =	vst v63  }
0x34: {  	s12 =	rddreg [dreg:$0x9]  }
0x35: {  	[tilespmem:s18], [sflag:$0x1] =	stream.strided.gather [hbm4b:s12+s3], $0x1000, s4, s3, $0x38;
	[tilespmem:$0x1B000] =	vst v63  }
0x36: {  	s13 =	rddreg [dreg:$0xb]  }
0x37: {  	[tilespmem:s21], [sflag:$0x1] =	stream.strided.gather [hbm4b:s13+s3], $0x1000, s4, s3, $0x38;
	[tilespmem:$0x1B000] =	vst v63  }
0x38: {  	s14 =	rddreg [dreg:$0xe]  }
0x39: {  	[tilespmem:s22], [sflag:$0x1] =	stream.strided.gather [hbm4b:s14+s3], $0x1000, s4, s3, $0x38;
	[tilespmem:$0x1B000] =	vst v63  }
0x3a: {  	s15 =	rddreg [dreg:$0xf]  }
0x3b: {  	[tilespmem:s23], [sflag:$0x1] =	stream.strided.gather [hbm4b:s15+s3], $0x1000, s4, s3, $0x38;
	[tilespmem:$0x1B000] =	vst v63  }
0x3c: {  	s17 =	rddreg [dreg:$0x11]  }
0x3d: {  	[tilespmem:s24], [sflag:$0x1] =	stream.strided.gather [hbm4b:s17+s3], $0x1000, s4, s3, $0x38;
	[tilespmem:$0x1B000] =	vst v63  }
0x3e: {  	s19 =	rddreg [dreg:$0x14]  }
0x3f: {  	[tilespmem:s25], [sflag:$0x1] =	stream.strided.gather [hbm4b:s19+s3], $0x1000, s4, s3, $0x38;
	[tilespmem:$0x1B000] =	vst v63  }
0x40: {  	s20 =	rddreg [dreg:$0x15]  }
0x41: {  	[tilespmem:s26], [sflag:$0x1] =	stream.strided.gather [hbm4b:s20+s3], $0x1000, s4, s3, $0x38;
	[tilespmem:$0x1B000] =	vst v63  }
0x42: {  	s5 =	rddreg [dreg:$0x16]  }
0x43: {  	[tilespmem:s28], [sflag:$0x2] =	stream.strided.gather [hbm4b:s5+s3], $0x1000, s4, s3, $0x38;
	[tilespmem:$0x1B000] =	vst v63  }
0x44: {  	s6 =	rddreg [dreg:$0x17]  }
0x45: {  	[tilespmem:s29], [sflag:$0x2] =	stream.strided.gather [hbm4b:s6+s3], $0x1000, s4, s3, $0x38;
	[tilespmem:$0x1B000] =	vst v63  }
0x46: {  	s7 =	rddreg [dreg:$0x19]  }
0x47: {  	[tilespmem:s30], [sflag:$0x2] =	stream.strided.gather [hbm4b:s7+s3], $0x1000, s4, s3, $0x38;
	[tilespmem:$0x1B000] =	vst v63  }
0x48: {  	s8 =	rddreg [dreg:$0x1a]  }
0x49: {  	[tilespmem:s31], [sflag:$0x2] =	stream.strided.gather [hbm4b:s8+s3], $0x1000, s4, s3, $0x38;
	[tilespmem:$0x1B000] =	vst v63  }
0x4a: {  	s11 =	rddreg [dreg:$0x1b]  }
0x4b: {  	[tilespmem:s0], [sflag:$0x2] =	stream.strided.gather [hbm4b:s11+s3], $0x1000, s4, s3, $0x38;
	[tilespmem:$0x1B000] =	vst v63  }
0x4c: {  	s12 =	rddreg [dreg:$0x1c]  }
0x4d: {  	[tilespmem:s9], [sflag:$0x2] =	stream.strided.gather [hbm4b:s12+s3], $0x1000, s4, s3, $0x38;
	[tilespmem:$0x1B000] =	vst v63  }
0x4e: {  	s13 =	rddreg [dreg:$0x1d]  }
0x4f: {  	[tilespmem:s1], [sflag:$0x2] =	stream.strided.gather [hbm4b:s13+s3], $0x1000, s4, s3, $0x38;
	[tilespmem:$0x1B000] =	vst v63  }
0x50: {  	s14 =	rddreg [dreg:$0x1e]  }
0x51: {  	[tilespmem:s10], [sflag:$0x2] =	stream.strided.gather [hbm4b:s14+s3], $0x1000, s4, s3, $0x38;
	[tilespmem:$0x1B000] =	vst v63  }
0x52: {  	s15 =	simm.s32 $0x0;
	s17 =	rddreg [dreg:$0x4];
	s19 =	simm.s32 $0x5  }
0x53: {  	[tilespmem:s15], [sflag:$0x5] =	stream.linear.gather [hbm4b:s17+s15], $0x1000, $0x38;
	[tilespmem:$0x1B000] =	vst v63  }
0x54: {  	_ =	swait.ge [sflag:s19], $0x1000  }
0x55: {  	[sflag:s19] =	ssyncset.done $0x0  }
0x56: {  	s5 =	simm.s32 $0x1000;
	s20 =	rddreg [dreg:$0x5];
	[sflag:s19] =	ssyncadd.s32 $0xFFFFF000  }
0x57: {  	[tilespmem:s5], [sflag:$0x5] =	stream.linear.gather [hbm4b:s20+s15], $0x2000, $0x38;
	[tilespmem:$0x1B000] =	vst v63  }
0x58: {  	_ =	swait.ge [sflag:s19], $0x2000  }
0x59: {  	[sflag:s19] =	ssyncset.done $0x0  }
0x5a: {  	s3 =	simm.s32 $0x0;
	[sflag:s19] =	ssyncadd.s32 $0xFFFFE000  }
.LBB2_2:
0x5b: {  	s2 =	simm.s32 $0x1  }
0x5c: {  	_ =	swait.ge [sflag:s2], $0x1000  }
0x5d: {  	[sflag:s2] =	ssyncset.done $0x0  }
0x5e: {  	[sflag:s2] =	ssyncadd.s32 $0xFFFFF000  }
0x5f: {  	_ =	swait.ge [sflag:s2], $0x1000  }
0x60: {  	[sflag:s2] =	ssyncset.done $0x0  }
0x61: {  	[sflag:s2] =	ssyncadd.s32 $0xFFFFF000  }
0x62: {  	_ =	swait.ge [sflag:s2], $0x1000  }
0x63: {  	[sflag:s2] =	ssyncset.done $0x0  }
0x64: {  	[sflag:s2] =	ssyncadd.s32 $0xFFFFF000  }
0x65: {  	_ =	swait.ge [sflag:s2], $0x1000  }
0x66: {  	[sflag:s2] =	ssyncset.done $0x0  }
0x67: {  	[sflag:s2] =	ssyncadd.s32 $0xFFFFF000  }
0x68: {  	_ =	swait.ge [sflag:s2], $0x1000  }
0x69: {  	[sflag:s2] =	ssyncset.done $0x0  }
0x6a: {  	[sflag:s2] =	ssyncadd.s32 $0xFFFFF000  }
0x6b: {  	_ =	swait.ge [sflag:s2], $0x1000  }
0x6c: {  	[sflag:s2] =	ssyncset.done $0x0  }
0x6d: {  	[sflag:s2] =	ssyncadd.s32 $0xFFFFF000  }
0x6e: {  	_ =	swait.ge [sflag:s2], $0x1000  }
0x6f: {  	[sflag:s2] =	ssyncset.done $0x0  }
0x70: {  	[sflag:s2] =	ssyncadd.s32 $0xFFFFF000  }
0x71: {  	_ =	swait.ge [sflag:s2], $0x1000  }
0x72: {  	p0 =	seq.s32 s3, $0x0;
	[sflag:s2] =	ssyncset.done $0x0  }
0x73: {  	s7 =	simm.s32 $0x0;
	s5 =	simm.s32 @!p0 $0x3;
	[sflag:s2] =	ssyncadd.s32 $0xFFFFF000  }
0x74: {  	s4 =	sand.u32 $0x60, s7;
	_ =	swait.ge @!p0 [sflag:s5], $0x4000  }
0x75: {  	s8 =	sand.u32 $0x780, s7;
	s11 =	sor.u32 $0x10, s4;
	[sflag:s5] =	ssyncset.done @!p0 $0x0  }
0x76: {  	s13 =	sor.u32 s11, s8;
	[sflag:s5] =	ssyncadd.s32 @!p0 $0xFFFFC000  }
0x77: {  	v0 =	vld [tilespmem:s13+$0x0];
	_ =	sdelay $0x1  }
0x78: {  	s14 =	simm.s32 $0x0  }
0x79: {  	s5 =	sand.u32 $0xFFFFFF00, s14  }
0x7a: {  	s8 =	simm.s32 $0x20;
	s5 =	sadd.s32 $0x1000, s5;
	v4 =	vld [tilespmem:s7+$0x0]  }
0x7b: {  	v63 =	vld [tilespmem:s8+$0x0];
	s15 =	sor.u32 s11, s5;
	v2 =	vshrl.u32 v0, $0x10  }
0x7c: {  	s5 =	sor.u32 s4, s5;
	v1 =	vld [tilespmem:s15+$0x80]  }
0x7d: {  	v3 =	vld [tilespmem:s5+$0x0];
	v0 =	vand.u32 $0xFFFF, v0  }
0x7e: {  	v6 =	vld [tilespmem:s5+$0x80]  }
0x7f: {  	v8 =	vld [tilespmem:s15+$0x0]  }
0x80: {  	v9 =	vld.idx.msk [tilespmem:v2+s16+$0x0], $0xffff  }
0x81: {  	v11 =	vld.idx.msk [tilespmem:v2+s22+$0x0], $0xffff  }
0x82: {  	v13 =	vld.idx.msk [tilespmem:v0+s26+$0x0], $0xffff  }
0x83: {  	v14 =	vld.idx.msk [tilespmem:v2+s24+$0x0], $0xffff  }
0x84: {  	v15 =	vld.idx.msk [tilespmem:v2+s25+$0x0], $0xffff  }
0x85: {  	v16 =	vld.idx.msk [tilespmem:v0+s25+$0x0], $0xffff  }
0x86: {  	v17 =	vld.idx.msk [tilespmem:v2+s18+$0x0], $0xffff  }
0x87: {  	v19 =	vand.u32 $0xFFFF, v4;
	v18 =	vld.idx.msk [tilespmem:v0+s24+$0x0], $0xffff  }
0x88: {  	v20 =	vld.idx.msk [tilespmem:v0+s21+$0x0], $0xffff  }
0x89: {  	v21 =	vld.idx.msk [tilespmem:v0+s22+$0x0], $0xffff  }
0x8a: {  	v22 =	vld.idx.msk [tilespmem:v2+s26+$0x0], $0xffff  }
0x8b: {  	v23 =	vld.idx.msk [tilespmem:v0+s18+$0x0], $0xffff  }
0x8c: {  	v24 =	vshrl.u32 v4, $0x10;
	v7 =	vshll.u32 v1, $0x10;
	v10 =	vshll.u32 v8, $0x10;
	v30 =	vld.idx.msk [tilespmem:v19+s25+$0x0], $0xffff  }
0x8d: {  	v5 =	vand.u32 $0xFFFF0000, v1;
	v4 =	vand.u32 $0xFFFF0000, v8;
	v33 =	vld.idx.msk [tilespmem:v19+s24+$0x0], $0xffff;
	v1 =	vmul.f32 v7, v16  }
0x8e: {  	v26 =	vshll.u32 v3, $0x10;
	v12 =	vld.idx.msk [tilespmem:v0+s16+$0x0], $0xffff;
	v27 =	vmul.f32 v7, v13;
	v16 =	vmul.f32 v10, v16  }
0x8f: {  	v3 =	vand.u32 $0xFFFF0000, v3;
	v28 =	vld.idx.msk [tilespmem:v19+s26+$0x0], $0xffff;
	v31 =	vmul.f32 v7, v18;
	v32 =	vmul.f32 v7, v21  }
0x90: {  	v29 =	vshll.u32 v6, $0x10;
	v25 =	vld.idx.msk [tilespmem:v19+s18+$0x0], $0xffff;
	v34 =	vmul.f32 v10, v20;
	v20 =	vmul.f32 v7, v20  }
0x91: {  	v6 =	vand.u32 $0xFFFF0000, v6;
	v8 =	vld.idx.msk [tilespmem:v19+s16+$0x0], $0xffff;
	v35 =	vmul.f32 v7, v23;
	v18 =	vmul.f32 v10, v18  }
0x92: {  	v57 =	vld.idx.msk [tilespmem:v24+s24+$0x0], $0xffff;
	v37 =	vmul.f32 v29, v30;
	v39 =	vmul.f32 v29, v33;
	v1 =	vadd.f32 v5, v1  }
0x93: {  	v38 =	vld.idx.msk [tilespmem:v24+s23+$0x0], $0xffff;
	v30 =	vmul.f32 v26, v30;
	v27 =	vadd.f32 v5, v27;
	v16 =	vadd.f32 v4, v16  }
0x94: {  	v40 =	vld.idx.msk [tilespmem:v24+s21+$0x0], $0xffff;
	v46 =	vmul.f32 v29, v28;
	v32 =	vadd.f32 v5, v32;
	v31 =	vadd.f32 v5, v31  }
0x95: {  	v41 =	vld.idx.msk [tilespmem:v24+s18+$0x0], $0xffff;
	v28 =	vmul.f32 v26, v28;
	v35 =	vadd.f32 v5, v35;
	v20 =	vadd.f32 v5, v20  }
0x96: {  	v47 =	vld.idx.msk [tilespmem:v2+s21+$0x0], $0xffff;
	v21 =	vmul.f32 v10, v21;
	v34 =	vadd.f32 v4, v34;
	v18 =	vadd.f32 v4, v18  }
0x97: {  	s7 =	sand.u32 $0x60, s8;
	v37 =	vadd.f32 v6, v37;
	v30 =	vadd.f32 v3, v30;
	v1 =	vmul.f32 v1, v15;
	v15 =	vld.idx.msk [tilespmem:v19+s21+$0x0], $0xffff  }
0x98: {  	s12 =	sand.u32 $0x780, s8;
	s5 =	sor.u32 $0x10, s7;
	v21 =	vadd.f32 v4, v21;
	v22 =	vmul.f32 v27, v22;
	v27 =	vld.idx.msk [tilespmem:v19+s22+$0x0], $0xffff;
	v14 =	vmul.f32 v31, v14  }
0x99: {  	s14 =	simm.s32 $0x0;
	s13 =	simm.s32 $0x40;
	s12 =	sor.u32 s5, s12;
	v11 =	vmul.f32 v32, v11;
	v36 =	vadd.f32 v1, v16;
	v1 =	vmul.f32 v10, v13;
	v13 =	vld.idx.msk [tilespmem:v19+s23+$0x0], $0xffff  }
0x9a: {  	s14 =	sand.u32 $0x3FFFFC00, s14;
	s13 =	sand.u32 $0xFFFFFF00, s13;
	v59 =	vadd.f32 v6, v46;
	v19 =	vmul.f32 v10, v23;
	v14 =	vadd.f32 v14, v18;
	v18 =	vld [tilespmem:s12+$0x0]  }
0x9b: {  	s14 =	sadd.s32 $0x3000, s14;
	s17 =	sadd.s32 $0x1000, s13;
	v45 =	vld.idx.msk [tilespmem:v2+s23+$0x0], $0xffff;
	v17 =	vmul.f32 v35, v17;
	v16 =	vmul.f32 v10, v12;
	v21 =	vadd.f32 v11, v21  }
0x9c: {  	s11 =	sor.u32 s11, s14;
	s13 =	sor.u32 s5, s17;
	v60 =	vld.idx.msk [tilespmem:v0+s23+$0x0], $0xffff;
	v12 =	vmul.f32 v7, v12;
	v1 =	vadd.f32 v4, v1;
	v19 =	vadd.f32 v4, v19  }
0x9d: {  	v48 =	vld [tilespmem:s13+$0x80];
	v20 =	vmul.f32 v20, v47;
	[tilespmem:s11+$0x280] =	vst v14;
	v14 =	vadd.f32 v3, v28;
	v52 =	vadd.f32 v4, v16  }
0x9e: {  	v44 =	vld.idx.msk [tilespmem:v24+s16+$0x0], $0xffff;
	v53 =	vadd.f32 v5, v12;
	v42 =	vmul.f32 v26, v15;
	v15 =	vmul.f32 v29, v15  }
0x9f: {  	v31 =	vld.idx.msk [tilespmem:v24+s22+$0x0], $0xffff;
	v22 =	vadd.f32 v22, v1;
	v1 =	vmul.f32 v29, v8;
	v2 =	vshrl.u32 v18, $0x10  }
0xa0: {  	v23 =	vld.idx.msk [tilespmem:v24+s25+$0x0], $0xffff;
	v58 =	vmul.f32 v29, v27;
	v43 =	vmul.f32 v26, v13;
	v15 =	vadd.f32 v6, v15  }
0xa1: {  	v24 =	vld.idx.msk [tilespmem:v24+s26+$0x0], $0xffff;
	s12 =	sor.u32 s7, s17;
	v13 =	vmul.f32 v29, v13;
	v29 =	vmul.f32 v29, v25;
	v49 =	vadd.f32 v6, v1  }
0xa2: {  	v61 =	vld [tilespmem:s12+$0x0];
	v42 =	vadd.f32 v3, v42;
	v1 =	vand.u32 $0xFFFF, v18;
	v0 =	vmul.f32 v15, v40  }
0xa3: {  	[tilespmem:s11+$0x300] =	vst v36;
	v15 =	vmul.f32 v26, v25;
	v25 =	vadd.f32 v6, v29;
	v29 =	vmul.f32 v49, v44;
	v49 =	vld [tilespmem:s13+$0x0]  }
0xa4: {  	v27 =	vmul.f32 v26, v27;
	v8 =	vmul.f32 v26, v8;
	v42 =	vadd.f32 v0, v42;
	v0 =	vld.idx.msk [tilespmem:v2+s16+$0x0], $0xffff  }
0xa5: {  	v11 =	vmul.f32 v37, v23;
	v13 =	vadd.f32 v6, v13;
	v23 =	vmul.f32 v25, v41;
	v25 =	vld.idx.msk [tilespmem:v2+s22+$0x0], $0xffff  }
0xa6: {  	v24 =	vmul.f32 v59, v24;
	v28 =	vadd.f32 v3, v8;
	v50 =	vadd.f32 v3, v15;
	v15 =	vld.idx.msk [tilespmem:v2+s24+$0x0], $0xffff  }
0xa7: {  	v8 =	vadd.f32 v17, v19;
	v62 =	vadd.f32 v3, v43;
	v13 =	vmul.f32 v13, v38;
	v17 =	vld.idx.msk [tilespmem:v2+s25+$0x0], $0xffff  }
0xa8: {  	v18 =	vadd.f32 v6, v39;
	[tilespmem:s11+$0x380] =	vst v22;
	v6 =	vadd.f32 v6, v58;
	v51 =	vld.idx.msk [tilespmem:v1+s26+$0x0], $0xffff  }
0xa9: {  	v19 =	vmul.f32 v26, v33;
	v11 =	vadd.f32 v11, v30;
	v13 =	vadd.f32 v13, v62;
	v26 =	vld.idx.msk [tilespmem:v1+s25+$0x0], $0xffff  }
0xaa: {  	s4 =	sor.u32 s4, s14;
	[tilespmem:s11+$0x80] =	vst v8;
	v6 =	vmul.f32 v6, v31;
	v31 =	vld.idx.msk [tilespmem:v1+s24+$0x0], $0xffff;
	v23 =	vadd.f32 v23, v50  }
0xab: {  	v22 =	vld [tilespmem:s12+$0x80];
	[tilespmem:s4+$0x200] =	vst v13;
	v13 =	vmul.f32 v18, v57;
	v18 =	vadd.f32 v24, v14;
	v24 =	vadd.f32 v3, v27  }
0xac: {  	v19 =	vadd.f32 v3, v19;
	[tilespmem:s4+$0x300] =	vst v11;
	v14 =	vld.idx.msk [tilespmem:v2+s18+$0x0], $0xffff;
	v27 =	vadd.f32 v29, v28;
	v28 =	vand.u32 $0xFFFF, v63  }
0xad: {  	v8 =	vshrl.u32 v63, $0x10;
	v11 =	vand.u32 $0xFFFF0000, v48;
	v29 =	vld.idx.msk [tilespmem:v2+s26+$0x0], $0xffff;
	[tilespmem:s4+$0x80] =	vst v23;
	v24 =	vadd.f32 v6, v24  }
0xae: {  	v3 =	vshll.u32 v48, $0x10;
	[tilespmem:s4+$0x380] =	vst v18;
	v18 =	vadd.f32 v20, v34;
	v20 =	vld.idx.msk [tilespmem:v1+s21+$0x0], $0xffff;
	v19 =	vadd.f32 v13, v19  }
0xaf: {  	v6 =	vshll.u32 v49, $0x10;
	[tilespmem:s4+$0x0] =	vst v27;
	v13 =	vld.idx.msk [tilespmem:v1+s22+$0x0], $0xffff;
	v27 =	vmul.f32 v7, v60;
	v12 =	vmul.f32 v3, v51  }
0xb0: {  	v7 =	vshll.u32 v61, $0x10;
	v38 =	vmul.f32 v6, v51;
	v40 =	vmul.f32 v6, v31;
	[tilespmem:s4+$0x280] =	vst v19;
	v19 =	vld.idx.msk [tilespmem:v1+s18+$0x0], $0xffff  }
0xb1: {  	[tilespmem:s4+$0x180] =	vst v24;
	v24 =	vmul.f32 v10, v60;
	v10 =	vand.u32 $0xFFFF0000, v49;
	v30 =	vadd.f32 v5, v27;
	v16 =	vld.idx.msk [tilespmem:v28+s18+$0x0], $0xffff  }
0xb2: {  	v27 =	vmul.f32 v3, v26;
	v5 =	vand.u32 $0xFFFF0000, v61;
	[tilespmem:s11+$0x100] =	vst v18;
	v18 =	vmul.f32 v3, v31;
	v23 =	vld.idx.msk [tilespmem:v28+s16+$0x0], $0xffff  }
0xb3: {  	v26 =	vmul.f32 v6, v26;
	v61 =	vmul.f32 v53, v9;
	v57 =	vadd.f32 v11, v12;
	v32 =	vld.idx.msk [tilespmem:v28+s25+$0x0], $0xffff  }
0xb4: {  	[tilespmem:s11+$0x180] =	vst v21;
	v12 =	vld.idx.msk [tilespmem:v28+s24+$0x0], $0xffff;
	v21 =	vadd.f32 v4, v24;
	v24 =	vshll.u32 v22, $0x10;
	v54 =	vadd.f32 v11, v27  }
0xb5: {  	v37 =	vld.idx.msk [tilespmem:v28+s23+$0x0], $0xffff;
	v41 =	vadd.f32 v61, v52;
	v55 =	vmul.f32 v6, v20;
	v56 =	vmul.f32 v3, v13  }
0xb6: {  	v4 =	vld.idx.msk [tilespmem:v1+s16+$0x0], $0xffff;
	v58 =	vmul.f32 v3, v20;
	v20 =	vadd.f32 v10, v26;
	v26 =	vmul.f32 v30, v45  }
0xb7: {  	v27 =	vld.idx.msk [tilespmem:v28+s26+$0x0], $0xffff;
	v60 =	vmul.f32 v57, v29;
	v29 =	vadd.f32 v11, v18;
	v18 =	vadd.f32 v10, v38  }
0xb8: {  	v30 =	vld.idx.msk [tilespmem:v28+s21+$0x0], $0xffff;
	v17 =	vmul.f32 v54, v17;
	v59 =	vadd.f32 v11, v56;
	v62 =	vmul.f32 v3, v19  }
0xb9: {  	v63 =	vadd.f32 v26, v21;
	v21 =	vld.idx.msk [tilespmem:v28+s22+$0x0], $0xffff;
	v28 =	vmul.f32 v6, v19;
	v31 =	vadd.f32 v60, v18  }
0xba: {  	v35 =	vld.idx.msk [tilespmem:v8+s23+$0x0], $0xffff;
	v18 =	vadd.f32 v10, v55;
	v20 =	vadd.f32 v17, v20;
	v39 =	vmul.f32 v24, v32  }
0xbb: {  	s19 =	simm.s32 $0x100;
	[tilespmem:s4+$0x100] =	vst v42;
	v34 =	vld.idx.msk [tilespmem:v8+s21+$0x0], $0xffff;
	v17 =	vand.u32 $0xFFFF0000, v22;
	v33 =	vmul.f32 v24, v12;
	v36 =	vmul.f32 v24, v23  }
0xbc: {  	s20 =	sand.u32 $0x3FFFFC00, s19;
	v19 =	vld.idx.msk [tilespmem:v8+s24+$0x0], $0xffff;
	v22 =	vadd.f32 v11, v58;
	v9 =	vmul.f32 v6, v4;
	v26 =	vmul.f32 v59, v25  }
0xbd: {  	s12 =	simm.s32 $0x40;
	s13 =	sadd.s32 $0x3000, s20;
	s4 =	simm.s32 $0x2;
	v25 =	vld.idx.msk [tilespmem:v8+s25+$0x0], $0xffff;
	[tilespmem:s11+$0x200] =	vst v63;
	v38 =	vadd.f32 v11, v62;
	v28 =	vadd.f32 v10, v28  }
.LBB2_3:
0xbe: {  	s4 =	sadd.s32 $0x2, s4;
	s14 =	sand.u32 $0x60, s12;
	v42 =	vld.idx.msk [tilespmem:v8+s18+$0x0], $0xffff;
	v40 =	vadd.f32 v10, v40;
	v15 =	vmul.f32 v29, v15;
	s8 =	sadd.s32 $0x20, s8;
	[tilespmem:s11+$0x0] =	vst v41;
	v29 =	vmov v11  }
0xbf: {  	s17 =	sand.u32 $0x780, s12;
	v41 =	vmul.f32 v7, v30;
	v43 =	vmul.f32 v7, v37;
	v39 =	vadd.f32 v17, v39;
	s11 =	sshll.u32 s4, $0x7;
	s15 =	sor.u32 $0x10, s14;
	v11 =	vld.idx.msk [tilespmem:v8+s22+$0x0], $0xffff  }
0xc0: {  	v37 =	vmul.f32 v24, v37;
	v32 =	vmul.f32 v7, v32;
	p1 =	slt.u32 s4, $0x7E;
	s19 =	sshra.s32 s11, $0x2;
	s17 =	sor.u32 s15, s17;
	v44 =	vld.idx.msk [tilespmem:v8+s16+$0x0], $0xffff;
	v15 =	vadd.f32 v15, v40  }
0xc1: {  	v45 =	vmul.f32 v24, v30;
	v14 =	vmul.f32 v38, v14;
	v38 =	vmovc v10;
	s11 =	sand.u32 $0x3FFFFC00, s11;
	v41 =	vadd.f32 v5, v41;
	s19 =	sand.u32 $0xFFFFFF00, s19;
	v40 =	vld [tilespmem:s17+$0x0]  }
0xc2: {  	v10 =	vmul.f32 v24, v21;
	v46 =	vmul.f32 v24, v27;
	v37 =	vadd.f32 v17, v37;
	s17 =	sadd.s32 $0x1000, s19;
	s19 =	sadd.s32 $0x3000, s11;
	v30 =	vld.idx.msk [tilespmem:v2+s23+$0x0], $0xffff  }
0xc3: {  	v24 =	vmul.f32 v24, v16;
	v45 =	vadd.f32 v17, v45;
	v32 =	vadd.f32 v5, v32;
	s20 =	sor.u32 s15, s17;
	v47 =	vld.idx.msk [tilespmem:v2+s21+$0x0], $0xffff  }
0xc4: {  	v23 =	vmul.f32 v7, v23;
	v27 =	vmul.f32 v7, v27;
	v36 =	vadd.f32 v17, v36;
	v48 =	vld [tilespmem:s20+$0x80]  }
0xc5: {  	v13 =	vmul.f32 v6, v13;
	v35 =	vmul.f32 v37, v35;
	v37 =	vadd.f32 v17, v46;
	v8 =	vld.idx.msk [tilespmem:v8+s26+$0x0], $0xffff  }
0xc6: {  	v33 =	vadd.f32 v17, v33;
	s11 =	sor.u32 s5, s13;
	s5 =	smov.u32 s15;
	s17 =	sor.u32 s14, s17;
	v2 =	vshrl.u32 v40, $0x10;
	v46 =	vld.idx.msk [tilespmem:v1+s23+$0x0], $0xffff;
	v1 =	vand.u32 $0xFFFF, v40  }
0xc7: {  	v16 =	vmul.f32 v7, v16;
	v13 =	vadd.f32 v38, v13;
	v34 =	vmul.f32 v45, v34;
	v40 =	vld [tilespmem:s17+$0x0];
	[tilespmem:s11+$0x380] =	vst v31  }
0xc8: {  	v24 =	vadd.f32 v17, v24;
	v43 =	vadd.f32 v5, v43;
	v36 =	vmul.f32 v36, v44;
	v31 =	vld [tilespmem:s17+$0x80];
	[tilespmem:s11+$0x300] =	vst v20  }
0xc9: {  	v21 =	vmul.f32 v7, v21;
	v26 =	vadd.f32 v26, v13;
	v34 =	vadd.f32 v34, v41;
	v20 =	vld [tilespmem:s8+$0x0];
	[tilespmem:s11+$0x280] =	vst v15  }
0xca: {  	v25 =	vmul.f32 v39, v25;
	v22 =	vmul.f32 v22, v47;
	v15 =	vadd.f32 v35, v43;
	v13 =	vld [tilespmem:s20+$0x0]  }
0xcb: {  	v27 =	vadd.f32 v5, v27;
	s15 =	sor.u32 s7, s13;
	v24 =	vmul.f32 v24, v42;
	s7 =	smov.u32 s14;
	s13 =	smov.u32 s19;
	v8 =	vmul.f32 v37, v8;
	v35 =	vld.idx.msk [tilespmem:v2+s16+$0x0], $0xffff  }
0xcc: {  	v23 =	vadd.f32 v5, v23;
	v16 =	vadd.f32 v5, v16;
	v39 =	vld.idx.msk [tilespmem:v2+s22+$0x0], $0xffff;
	[tilespmem:s15+$0x200] =	vst v15  }
0xcd: {  	v10 =	vadd.f32 v17, v10;
	v17 =	vmul.f32 v33, v19;
	v19 =	vadd.f32 v8, v27;
	v37 =	vld.idx.msk [tilespmem:v1+s26+$0x0], $0xffff  }
0xce: {  	v14 =	vadd.f32 v14, v28;
	v8 =	vshrl.u32 v20, $0x10;
	v33 =	vand.u32 $0xFFFF, v20;
	v15 =	vld.idx.msk [tilespmem:v2+s24+$0x0], $0xffff;
	[tilespmem:s15+$0x100] =	vst v34  }
0xcf: {  	v7 =	vmul.f32 v7, v12;
	v21 =	vadd.f32 v5, v21;
	v12 =	vadd.f32 v25, v32;
	v20 =	vld.idx.msk [tilespmem:v2+s25+$0x0], $0xffff  }
0xd0: {  	v10 =	vmul.f32 v10, v11;
	v25 =	vshll.u32 v48, $0x10;
	v18 =	vadd.f32 v22, v18;
	v27 =	vld.idx.msk [tilespmem:v1+s25+$0x0], $0xffff;
	[tilespmem:s11+$0x80] =	vst v14  }
0xd1: {  	v5 =	vadd.f32 v5, v7;
	v22 =	vadd.f32 v36, v23;
	v14 =	vld.idx.msk [tilespmem:v2+s18+$0x0], $0xffff;
	[tilespmem:s15+$0x300] =	vst v12  }
0xd2: {  	v7 =	vadd.f32 v10, v21;
	v11 =	vand.u32 $0xFFFF0000, v48;
	v28 =	vshll.u32 v13, $0x10;
	v34 =	vld.idx.msk [tilespmem:v1+s24+$0x0], $0xffff;
	[tilespmem:s15+$0x380] =	vst v19  }
0xd3: {  	v5 =	vadd.f32 v17, v5;
	v17 =	vmul.f32 v3, v4;
	v12 =	vld.idx.msk [tilespmem:v1+s21+$0x0], $0xffff;
	[tilespmem:s15+$0x0] =	vst v22  }
0xd4: {  	v4 =	vmul.f32 v6, v46;
	v6 =	vmul.f32 v3, v46;
	v10 =	vand.u32 $0xFFFF0000, v13;
	v13 =	vld.idx.msk [tilespmem:v1+s22+$0x0], $0xffff;
	[tilespmem:s15+$0x180] =	vst v7  }
0xd5: {  	v21 =	vadd.f32 v24, v16;
	v36 =	vadd.f32 v38, v9;
	v3 =	vmov v25;
	v19 =	vld.idx.msk [tilespmem:v2+s26+$0x0], $0xffff;
	[tilespmem:s15+$0x280] =	vst v5  }
0xd6: {  	v9 =	vadd.f32 v38, v4;
	v6 =	vadd.f32 v29, v6;
	v7 =	vshll.u32 v40, $0x10;
	v22 =	vld.idx.msk [tilespmem:v1+s18+$0x0], $0xffff;
	[tilespmem:s11+$0x180] =	vst v26  }
0xd7: {  	v17 =	vadd.f32 v29, v17;
	v5 =	vand.u32 $0xFFFF0000, v40;
	v25 =	vmul.f32 v3, v27;
	v4 =	vld.idx.msk [tilespmem:v1+s16+$0x0], $0xffff;
	[tilespmem:s11+$0x100] =	vst v18  }
0xd8: {  	v24 =	vshll.u32 v31, $0x10;
	v26 =	vmul.f32 v3, v37;
	v18 =	vmul.f32 v3, v34;
	v16 =	vld.idx.msk [tilespmem:v33+s18+$0x0], $0xffff;
	[tilespmem:s15+$0x80] =	vst v21  }
0xd9: {  	v25 =	vadd.f32 v11, v25;
	v42 =	vmul.f32 v28, v12;
	v21 =	vmul.f32 v28, v27;
	v23 =	vld.idx.msk [tilespmem:v33+s16+$0x0], $0xffff  }
0xda: {  	v41 =	vmul.f32 v3, v12;
	v26 =	vadd.f32 v11, v26;
	v29 =	vmul.f32 v3, v13;
	v27 =	vld.idx.msk [tilespmem:v33+s26+$0x0], $0xffff  }
0xdb: {  	v6 =	vmul.f32 v6, v30;
	v20 =	vmul.f32 v25, v20;
	v21 =	vadd.f32 v10, v21;
	v32 =	vld.idx.msk [tilespmem:v33+s25+$0x0], $0xffff  }
0xdc: {  	v44 =	vmul.f32 v17, v0;
	v43 =	vmul.f32 v26, v19;
	v25 =	vadd.f32 v11, v29;
	v12 =	vld.idx.msk [tilespmem:v33+s24+$0x0], $0xffff  }
0xdd: {  	v46 =	vadd.f32 v6, v9;
	v38 =	vmul.f32 v3, v22;
	v20 =	vadd.f32 v20, v21;
	v30 =	vld.idx.msk [tilespmem:v33+s21+$0x0], $0xffff  }
0xde: {  	v17 =	vand.u32 $0xFFFF0000, v31;
	v0 =	vmovc v35;
	v19 =	vmul.f32 v28, v37;
	v9 =	vmul.f32 v28, v4;
	v21 =	vld.idx.msk [tilespmem:v33+s22+$0x0], $0xffff  }
.Ltmp2:
0xdf: {  	v45 =	vmul.f32 v28, v22;
	v29 =	vadd.f32 v11, v18;
	v26 =	vmul.f32 v25, v39;
	v37 =	vld.idx.msk [tilespmem:v33+s23+$0x0], $0xffff;
	(pc) =	sbr.rel @p1 .LBB2_3-.Ltmp2, $4  }
0xe0: {  	v6 =	vmov v28;
	v40 =	vmul.f32 v28, v34;
	v18 =	vadd.f32 v10, v19;
	v25 =	vld.idx.msk [tilespmem:v8+s25+$0x0], $0xffff;
	[tilespmem:s11+$0x200] =	vst v46  }
0xe1: {  	v22 =	vadd.f32 v11, v41;
	v38 =	vadd.f32 v11, v38;
	v39 =	vmul.f32 v24, v32;
	v19 =	vld.idx.msk [tilespmem:v8+s24+$0x0], $0xffff  }
0xe2: {  	v41 =	vadd.f32 v44, v36;
	v31 =	vadd.f32 v43, v18;
	v33 =	vmul.f32 v24, v12;
	v35 =	vld.idx.msk [tilespmem:v8+s23+$0x0], $0xffff  }
0xe3: {  	s12 =	sadd.s32 $0x20, s12;
	v28 =	vadd.f32 v10, v45;
	v36 =	vmul.f32 v24, v23;
	v18 =	vadd.f32 v10, v42;
	v34 =	vld.idx.msk [tilespmem:v8+s21+$0x0], $0xffff  }
0xe4: {  	_ =	sdelay $0x1  }
0xe5: {  	v15 =	vmul.f32 v29, v15;
	v53 =	vmul.f32 v7, v30  }
0xe6: {  	v42 =	vmul.f32 v7, v37;
	v54 =	vmul.f32 v24, v37  }
0xe7: {  	v43 =	vld.idx.msk [tilespmem:v8+s18+$0x0], $0xffff;
	v32 =	vmul.f32 v7, v32;
	v30 =	vmul.f32 v24, v30  }
0xe8: {  	v29 =	vadd.f32 v10, v40;
	v55 =	vld.idx.msk [tilespmem:v8+s22+$0x0], $0xffff;
	v14 =	vmul.f32 v38, v14;
	v56 =	vmul.f32 v24, v21  }
0xe9: {  	v39 =	vadd.f32 v17, v39;
	v57 =	vld.idx.msk [tilespmem:v8+s16+$0x0], $0xffff;
	v44 =	vmul.f32 v24, v27;
	v24 =	vmul.f32 v24, v16  }
0xea: {  	v45 =	vld.idx.msk [tilespmem:v2+s23+$0x0], $0xffff;
	v23 =	vmul.f32 v7, v23;
	v33 =	vadd.f32 v17, v33;
	v36 =	vadd.f32 v17, v36  }
0xeb: {  	v27 =	vmul.f32 v7, v27;
	v2 =	vld.idx.msk [tilespmem:v2+s21+$0x0], $0xffff;
	v15 =	vadd.f32 v15, v29;
	v29 =	vadd.f32 v5, v53  }
0xec: {  	v13 =	vmul.f32 v6, v13;
	v8 =	vld.idx.msk [tilespmem:v8+s26+$0x0], $0xffff;
	v37 =	vadd.f32 v17, v54;
	v30 =	vadd.f32 v17, v30  }
0xed: {  	v1 =	vld.idx.msk [tilespmem:v1+s23+$0x0], $0xffff;
	s4 =	sor.u32 s5, s13;
	v16 =	vmul.f32 v7, v16;
	v32 =	vadd.f32 v5, v32;
	v58 =	vadd.f32 v17, v44  }
0xee: {  	[tilespmem:s4+$0x300] =	vst v20;
	v20 =	vmul.f32 v7, v21;
	v13 =	vadd.f32 v10, v13;
	v59 =	vadd.f32 v5, v42  }
0xef: {  	[tilespmem:s11+$0x0] =	vst v41;
	v7 =	vmul.f32 v7, v12;
	v24 =	vadd.f32 v17, v24;
	v23 =	vadd.f32 v5, v23  }
0xf0: {  	[tilespmem:s4+$0x380] =	vst v31;
	v17 =	vadd.f32 v17, v56;
	v14 =	vadd.f32 v14, v28;
	v35 =	vmul.f32 v37, v35  }
0xf1: {  	v19 =	vmul.f32 v33, v19;
	v30 =	vmul.f32 v30, v34;
	v13 =	vadd.f32 v26, v13;
	[tilespmem:s4+$0x280] =	vst v15  }
0xf2: {  	v7 =	vadd.f32 v5, v7;
	v15 =	vmul.f32 v39, v25;
	[tilespmem:s4+$0x80] =	vst v14;
	v21 =	vadd.f32 v35, v59  }
0xf3: {  	s2 =	sor.u32 s7, s13;
	v25 =	vadd.f32 v5, v27;
	v8 =	vmul.f32 v58, v8;
	v29 =	vadd.f32 v30, v29;
	[tilespmem:s4+$0x180] =	vst v13  }
0xf4: {  	v31 =	vmul.f32 v36, v57;
	v17 =	vmul.f32 v17, v55;
	v12 =	vadd.f32 v15, v32;
	[tilespmem:s2+$0x200] =	vst v21  }
0xf5: {  	v2 =	vmul.f32 v22, v2;
	v15 =	vadd.f32 v5, v20;
	v8 =	vadd.f32 v8, v25;
	[tilespmem:s2+$0x100] =	vst v29  }
0xf6: {  	v5 =	vadd.f32 v5, v16;
	v14 =	vadd.f32 v31, v23;
	[tilespmem:s2+$0x300] =	vst v12;
	v12 =	vmul.f32 v3, v1  }
0xf7: {  	v2 =	vadd.f32 v2, v18;
	v3 =	vmul.f32 v3, v4;
	v4 =	vadd.f32 v19, v7;
	[tilespmem:s2+$0x380] =	vst v8  }
0xf8: {  	v1 =	vmul.f32 v6, v1;
	v7 =	vmul.f32 v24, v43;
	[tilespmem:s2+$0x0] =	vst v14;
	v6 =	vadd.f32 v11, v12  }
0xf9: {  	v15 =	vadd.f32 v17, v15;
	[tilespmem:s4+$0x100] =	vst v2  }
0xfa: {  	[tilespmem:s2+$0x280] =	vst v4;
	v1 =	vadd.f32 v10, v1;
	v5 =	vadd.f32 v7, v5;
	v4 =	vmul.f32 v6, v45  }
0xfb: {  	[tilespmem:s2+$0x180] =	vst v15;
	v3 =	vadd.f32 v11, v3  }
0xfc: {  	[tilespmem:s2+$0x80] =	vst v5;
	v1 =	vadd.f32 v4, v1  }
0xfd: {  	v6 =	vadd.f32 v10, v9;
	v0 =	vmul.f32 v3, v0;
	[smem:$0x7F8] =	sst s3  }
0xfe: {  	s6 =	rddreg [dreg:$0x2];
	[tilespmem:s4+$0x200] =	vst v1  }
0xff: {  	s5 =	sshll.u32 s3, $0xD;
	v0 =	vadd.f32 v0, v6;
	s2 =	rddreg [dreg:$0x6]  }
0x100: {  	s8 =	simm.s32 $0x0;
	[smem:$0x7F9] =	sst s5;
	s5 =	sadd.s32 s2, s5  }
0x101: {  	s11 =	simm.s32 $0x3000;
	[tilespmem:s4+$0x0] =	vst v0;
	s4 =	simm.s32 @!p0 $0x4;
	s7 =	sadd.s32 s6, s5  }
0x102: {  	[hbm4b:s7+s8] =	stream.linear.scatter [tilespmem:s11], [sflag:$0x3], $0x4000, $0x38;
	[tilespmem:$0x1B000] =	vst v63  }
0x103: {  	s12 =	simm.s32 $0x800;
	s8 =	simm.s32 $0x0;
	_ =	swait.ge @!p0 [sflag:s4], $0x4000  }
0x104: {  	s11 =	sand.u32 $0xF80, s12;
	s8 =	sand.u32 $0x60, s8;
	[sflag:s4] =	ssyncset.done @!p0 $0x0  }
0x105: {  	s13 =	sor.u32 s8, s11;
	[sflag:s4] =	ssyncadd.s32 @!p0 $0xFFFFC000  }
0x106: {  	v0 =	vld [tilespmem:s13+$0x0];
	_ =	sdelay $0x2  }
0x107: {  	s14 =	simm.s32 $0x810;
	s15 =	simm.s32 $0x1020  }
0x108: {  	s12 =	sand.u32 $0x70, s14;
	s11 =	sand.u32 $0x1F00, s15  }
0x109: {  	s17 =	simm.s32 $0x1000;
	s19 =	sor.u32 s12, s11;
	v3 =	vld [tilespmem:s14+$0x0];
	v2 =	vand.u32 $0xFFFF, v0  }
0x10a: {  	s20 =	sand.u32 $0x1F00, s17;
	v4 =	vld [tilespmem:s19+$0x1080]  }
0x10b: {  	s11 =	sor.u32 s8, s20;
	v20 =	vld [tilespmem:s19+$0x1000]  }
0x10c: {  	v5 =	vld [tilespmem:s11+$0x1080]  }
0x10d: {  	v6 =	vld [tilespmem:s11+$0x1000];
	v21 =	vshrl.u32 v0, $0x10  }
0x10e: {  	v8 =	vld.idx.msk [tilespmem:v2+s26+$0x0], $0xffff  }
0x10f: {  	v7 =	vld.idx.msk [tilespmem:v2+s25+$0x0], $0xffff  }
0x110: {  	v9 =	vld.idx.msk [tilespmem:v2+s22+$0x0], $0xffff  }
0x111: {  	v13 =	vld.idx.msk [tilespmem:v2+s24+$0x0], $0xffff  }
0x112: {  	v15 =	vld.idx.msk [tilespmem:v21+s26+$0x0], $0xffff  }
0x113: {  	v10 =	vand.u32 $0xFFFF, v3;
	v19 =	vld.idx.msk [tilespmem:v2+s16+$0x0], $0xffff  }
0x114: {  	v12 =	vld.idx.msk [tilespmem:v21+s21+$0x0], $0xffff  }
0x115: {  	v1 =	vld.idx.msk [tilespmem:v21+s23+$0x0], $0xffff  }
0x116: {  	v62 =	vld.idx.msk [tilespmem:v2+s21+$0x0], $0xffff  }
0x117: {  	v0 =	vshrl.u32 v3, $0x10;
	v18 =	vshll.u32 v5, $0x10;
	v29 =	vld.idx.msk [tilespmem:v2+s23+$0x0], $0xffff  }
0x118: {  	v16 =	vshll.u32 v6, $0x10;
	v27 =	vld.idx.msk [tilespmem:v10+s16+$0x0], $0xffff;
	v22 =	vmul.f32 v18, v7;
	v23 =	vmul.f32 v18, v9  }
0x119: {  	v11 =	vand.u32 $0xFFFF0000, v5;
	v17 =	vld.idx.msk [tilespmem:v10+s26+$0x0], $0xffff;
	v5 =	vmul.f32 v18, v13;
	v25 =	vmul.f32 v18, v8  }
0x11a: {  	v14 =	vand.u32 $0xFFFF0000, v6;
	v63 =	vld.idx.msk [tilespmem:v10+s18+$0x0], $0xffff;
	v9 =	vmul.f32 v16, v9;
	v13 =	vmul.f32 v16, v13  }
0x11b: {  	v3 =	vld.idx.msk [tilespmem:v21+s22+$0x0], $0xffff;
	v60 =	vmul.f32 v16, v7;
	v7 =	vshll.u32 v4, $0x10;
	v36 =	vmul.f32 v18, v62  }
0x11c: {  	v26 =	vld.idx.msk [tilespmem:v21+s25+$0x0], $0xffff;
	v4 =	vand.u32 $0xFFFF0000, v4;
	v33 =	vmul.f32 v16, v62;
	v34 =	vmul.f32 v18, v29  }
0x11d: {  	v24 =	vld.idx.msk [tilespmem:v2+s18+$0x0], $0xffff;
	v35 =	vmul.f32 v7, v27;
	v6 =	vadd.f32 v11, v23;
	v23 =	vmul.f32 v16, v19  }
0x11e: {  	v30 =	vld.idx.msk [tilespmem:v21+s16+$0x0], $0xffff;
	v28 =	vadd.f32 v11, v5;
	v5 =	vmul.f32 v18, v19;
	v19 =	vadd.f32 v11, v25  }
0x11f: {  	v31 =	vld.idx.msk [tilespmem:v21+s24+$0x0], $0xffff;
	v37 =	vmul.f32 v7, v63;
	v9 =	vadd.f32 v14, v9;
	v25 =	vadd.f32 v14, v13  }
0x120: {  	v32 =	vld.idx.msk [tilespmem:v10+s23+$0x0], $0xffff;
	v2 =	vadd.f32 v11, v22;
	v13 =	vmul.f32 v16, v8;
	v8 =	vmul.f32 v7, v17  }
0x121: {  	v21 =	vld.idx.msk [tilespmem:v21+s18+$0x0], $0xffff;
	v61 =	vadd.f32 v11, v5;
	v3 =	vmul.f32 v6, v3;
	v5 =	vmul.f32 v19, v15  }
0x122: {  	v6 =	vshll.u32 v20, $0x10;
	v2 =	vmul.f32 v2, v26;
	v15 =	vadd.f32 v14, v13;
	v13 =	vld.idx.msk [tilespmem:v0+s23+$0x0], $0xffff  }
0x123: {  	v26 =	vmul.f32 v6, v27;
	v19 =	vadd.f32 v3, v9;
	v3 =	vadd.f32 v14, v60;
	v9 =	vld.idx.msk [tilespmem:v10+s21+$0x0], $0xffff  }
0x124: {  	s17 =	simm.s32 $0x830;
	s20 =	simm.s32 $0x100;
	v23 =	vadd.f32 v14, v23;
	v22 =	vmul.f32 v61, v30;
	v30 =	vmul.f32 v28, v31;
	v31 =	vld.idx.msk [tilespmem:v0+s16+$0x0], $0xffff  }
0x125: {  	s4 =	simm.s32 $0x1;
	s12 =	simm.s32 $0x830;
	s11 =	simm.s32 $0x0;
	v27 =	vmul.f32 v6, v63;
	v28 =	vld.idx.msk [tilespmem:v10+s22+$0x0], $0xffff;
	v3 =	vadd.f32 v2, v3;
	v2 =	vand.u32 $0xFFFF0000, v20  }
0x126: {  	s14 =	simm.s32 $0x0;
	s19 =	simm.s32 $0x1060;
	s13 =	simm.s32 $0x0;
	v22 =	vadd.f32 v22, v23;
	v23 =	vld.idx.msk [tilespmem:v10+s24+$0x0], $0xffff;
	v20 =	vmul.f32 v7, v32;
	v26 =	vadd.f32 v2, v26  }
.LBB2_5:
0x127: {  	s15 =	sadd.s32 $0xFFFFF7F0, s12;
	s3 =	sadd.s32 $0xFFFFFFF0, s12;
	s14 =	sadd.s32 $0x2, s14;
	v18 =	vmul.f32 v18, v24;
	v36 =	vadd.f32 v11, v36;
	v38 =	vld.idx.msk [tilespmem:v0+s18+$0x0], $0xffff;
	v32 =	vmul.f32 v6, v32  }
0x128: {  	v24 =	vmul.f32 v16, v24;
	v16 =	vmul.f32 v16, v29;
	s7 =	sand.u32 $0x60, s15;
	s3 =	sand.u32 $0xF80, s3;
	p0 =	slt.u32 s14, $0x7E;
	v10 =	vld.idx.msk [tilespmem:v10+s25+$0x0], $0xffff;
	v29 =	vadd.f32 v4, v37  }
0x129: {  	v35 =	vadd.f32 v4, v35;
	v17 =	vmul.f32 v6, v17;
	s3 =	sor.u32 s7, s3;
	v18 =	vadd.f32 v11, v18;
	v37 =	vld.idx.msk [tilespmem:v0+s24+$0x0], $0xffff  }
0x12a: {  	v27 =	vadd.f32 v2, v27;
	v24 =	vadd.f32 v14, v24;
	v12 =	vmul.f32 v36, v12;
	v39 =	vld [tilespmem:s3+$0x0]  }
0x12b: {  	v16 =	vadd.f32 v14, v16;
	v32 =	vadd.f32 v2, v32;
	v40 =	vmul.f32 v6, v23;
	v36 =	vld.idx.msk [tilespmem:v0+s22+$0x0], $0xffff  }
0x12c: {  	v25 =	vadd.f32 v30, v25;
	v14 =	vadd.f32 v14, v33;
	v23 =	vmul.f32 v7, v23;
	v30 =	vld.idx.msk [tilespmem:v0+s25+$0x0], $0xffff  }
0x12d: {  	v11 =	vadd.f32 v11, v34;
	v31 =	vmul.f32 v35, v31;
	v34 =	vmul.f32 v6, v28;
	s3 =	sand.u32 $0x3C00, s11;
	v33 =	vld.idx.msk [tilespmem:v0+s21+$0x0], $0xffff  }
0x12e: {  	s2 =	sand.u32 $0x70, s12;
	s6 =	sand.u32 $0x1F00, s19;
	s15 =	sor.u32 s8, s3;
	v23 =	vadd.f32 v4, v23;
	v41 =	vmul.f32 v7, v10;
	v35 =	vld.idx.msk [tilespmem:v0+s26+$0x0], $0xffff;
	v0 =	vmul.f32 v7, v28  }
0x12f: {  	s2 =	sor.u32 s2, s6;
	s3 =	sadd.s32 $0xFFFFFFE0, s19;
	s8 =	smov.u32 s7;
	v42 =	vand.u32 $0xFFFF, v39;
	v43 =	vld [tilespmem:s17+$0x0];
	[tilespmem:s15+$0x7280] =	vst v25;
	v25 =	vmul.f32 v29, v38;
	v29 =	vadd.f32 v2, v34  }
0x130: {  	s3 =	sand.u32 $0x1F00, s3;
	v37 =	vmul.f32 v23, v37;
	v28 =	vld [tilespmem:s2+$0x1080];
	v34 =	vadd.f32 v4, v0;
	v0 =	vadd.f32 v2, v40  }
0x131: {  	v12 =	vadd.f32 v12, v14;
	v1 =	vmul.f32 v11, v1;
	s3 =	sor.u32 s8, s3;
	v11 =	vadd.f32 v4, v41;
	v23 =	vld [tilespmem:s2+$0x1000];
	[tilespmem:s15+$0x7180] =	vst v19  }
0x132: {  	v19 =	vadd.f32 v25, v27;
	v14 =	vld [tilespmem:s3+$0x1080];
	[tilespmem:s15+$0x7000] =	vst v22;
	v22 =	vadd.f32 v37, v0;
	v0 =	vmul.f32 v6, v10  }
0x133: {  	v26 =	vadd.f32 v31, v26;
	v1 =	vadd.f32 v1, v16;
	v27 =	vshrl.u32 v39, $0x10;
	v25 =	vld [tilespmem:s3+$0x1000];
	[tilespmem:s15+$0x7100] =	vst v12  }
0x134: {  	v5 =	vadd.f32 v5, v15;
	v11 =	vmul.f32 v11, v30;
	v31 =	vld.idx.msk [tilespmem:v42+s26+$0x0], $0xffff;
	v15 =	vadd.f32 v2, v0  }
0x135: {  	v8 =	vadd.f32 v4, v8;
	v16 =	vadd.f32 v4, v20;
	v12 =	vmul.f32 v18, v21;
	v30 =	vld.idx.msk [tilespmem:v42+s25+$0x0], $0xffff  }
0x136: {  	v7 =	vmul.f32 v7, v9;
	v0 =	vshrl.u32 v43, $0x10;
	v10 =	vand.u32 $0xFFFF, v43;
	v20 =	vld.idx.msk [tilespmem:v42+s22+$0x0], $0xffff;
	[tilespmem:s15+$0x7200] =	vst v1  }
0x137: {  	v13 =	vmul.f32 v16, v13;
	v8 =	vmul.f32 v8, v35;
	v1 =	vadd.f32 v2, v17;
	v21 =	vld.idx.msk [tilespmem:v42+s24+$0x0], $0xffff  }
0x138: {  	s2 =	sand.u32 $0x3, s13;
	s13 =	smov.u32 s4;
	v17 =	vadd.f32 v12, v24;
	v35 =	vld.idx.msk [tilespmem:v27+s26+$0x0], $0xffff;
	[tilespmem:s15+$0x7090] =	vst v19;
	v19 =	vmul.f32 v34, v36  }
0x139: {  	s2 =	sshll.u32 s2, $0x5;
	v6 =	vmul.f32 v6, v9;
	v34 =	vld.idx.msk [tilespmem:v42+s16+$0x0], $0xffff;
	[tilespmem:s15+$0x7290] =	vst v22;
	v22 =	vadd.f32 v8, v1  }
0x13a: {  	s2 =	sadd.s32 s2, s11;
	s11 =	smov.u32 s20;
	v15 =	vadd.f32 v11, v15;
	v18 =	vshll.u32 v14, $0x10;
	v16 =	vshll.u32 v25, $0x10;
	v12 =	vld.idx.msk [tilespmem:v27+s21+$0x0], $0xffff;
	[tilespmem:s15+$0x7010] =	vst v26  }
0x13b: {  	v4 =	vadd.f32 v4, v7;
	s3 =	sor.u32 $0x300, s2;
	s6 =	sadd.s32 $0x10, s2;
	v8 =	vmul.f32 v18, v30;
	v1 =	vld.idx.msk [tilespmem:v27+s23+$0x0], $0xffff;
	[tilespmem:s15+$0x7080] =	vst v17  }
0x13c: {  	s2 =	sor.u32 $0x380, s2;
	v11 =	vand.u32 $0xFFFF0000, v14;
	v7 =	vmul.f32 v18, v20;
	v17 =	vld.idx.msk [tilespmem:v10+s26+$0x0], $0xffff;
	[tilespmem:s3+$0x7000] =	vst v3;
	v3 =	vadd.f32 v13, v32  }
0x13d: {  	v14 =	vand.u32 $0xFFFF0000, v25;
	v13 =	vmul.f32 v18, v21;
	v9 =	vld.idx.msk [tilespmem:v27+s22+$0x0], $0xffff;
	[tilespmem:s2+$0x7000] =	vst v5;
	v5 =	vadd.f32 v19, v29  }
0x13e: {  	v4 =	vmul.f32 v4, v33;
	v7 =	vadd.f32 v11, v7;
	v26 =	vld.idx.msk [tilespmem:v27+s25+$0x0], $0xffff;
	[tilespmem:s15+$0x7210] =	vst v3  }
0x13f: {  	v19 =	vmul.f32 v18, v31;
	v3 =	vmul.f32 v16, v34;
	v13 =	vadd.f32 v11, v13;
	v37 =	vld.idx.msk [tilespmem:v10+s16+$0x0], $0xffff  }
0x140: {  	v2 =	vadd.f32 v2, v6;
	v30 =	vmul.f32 v16, v30;
	v25 =	vmul.f32 v18, v34;
	v24 =	vld.idx.msk [tilespmem:v42+s18+$0x0], $0xffff  }
0x141: {  	v6 =	vmul.f32 v16, v20;
	v19 =	vadd.f32 v11, v19;
	v33 =	vld.idx.msk [tilespmem:v27+s16+$0x0], $0xffff;
	[tilespmem:s15+$0x7190] =	vst v5  }
0x142: {  	v21 =	vmul.f32 v16, v21;
	v34 =	vadd.f32 v14, v3;
	v3 =	vadd.f32 v11, v25;
	v20 =	vld.idx.msk [tilespmem:v27+s24+$0x0], $0xffff  }
0x143: {  	v6 =	vadd.f32 v14, v6;
	v5 =	vmul.f32 v19, v35;
	v9 =	vmul.f32 v7, v9;
	v38 =	vld.idx.msk [tilespmem:v42+s21+$0x0], $0xffff  }
0x144: {  	v2 =	vadd.f32 v4, v2;
	v25 =	vadd.f32 v14, v21;
	v7 =	vshll.u32 v28, $0x10;
	v29 =	vld.idx.msk [tilespmem:v42+s23+$0x0], $0xffff  }
0x145: {  	v4 =	vadd.f32 v11, v8;
	s2 =	sor.u32 $0x300, s6;
	v21 =	vmul.f32 v16, v31;
	v8 =	vmul.f32 v7, v17;
	v32 =	vld.idx.msk [tilespmem:v10+s23+$0x0], $0xffff  }
0x146: {  	s3 =	sor.u32 $0x380, s6;
	v31 =	vadd.f32 v14, v30;
	v19 =	vadd.f32 v9, v6;
	v6 =	vshll.u32 v23, $0x10;
	v39 =	vld.idx.msk [tilespmem:v10+s18+$0x0], $0xffff;
	[tilespmem:s15+$0x7110] =	vst v2  }
0x147: {  	v2 =	vmul.f32 v3, v33;
	v3 =	vmul.f32 v4, v26;
	v9 =	vld.idx.msk [tilespmem:v10+s21+$0x0], $0xffff;
	[tilespmem:s2+$0x7000] =	vst v15  }
.Ltmp3:
0x148: {  	v4 =	vand.u32 $0xFFFF0000, v28;
	v30 =	vmul.f32 v13, v20;
	v15 =	vadd.f32 v14, v21;
	v13 =	vld.idx.msk [tilespmem:v0+s23+$0x0], $0xffff;
	[tilespmem:s3+$0x7000] =	vst v22;
	(pc) =	sbr.rel @p0 .LBB2_5-.Ltmp3, $4  }
0x149: {  	v26 =	vmul.f32 v6, v37;
	v36 =	vmul.f32 v18, v38;
	v3 =	vadd.f32 v3, v31;
	v31 =	vld.idx.msk [tilespmem:v0+s16+$0x0], $0xffff  }
0x14a: {  	v35 =	vmul.f32 v7, v37;
	v22 =	vadd.f32 v2, v34;
	v33 =	vmul.f32 v16, v38;
	v28 =	vld.idx.msk [tilespmem:v10+s22+$0x0], $0xffff  }
0x14b: {  	s19 =	sadd.s32 $0x40, s19;
	s17 =	sadd.s32 $0x20, s17;
	v2 =	vand.u32 $0xFFFF0000, v23;
	v34 =	vmul.f32 v18, v29;
	v20 =	vmul.f32 v7, v32;
	v23 =	vld.idx.msk [tilespmem:v10+s24+$0x0], $0xffff  }
0x14c: {  	s12 =	sadd.s32 $0x20, s12;
	s4 =	sadd.s32 $0x1, s4;
	s20 =	sadd.s32 $0x100, s20;
	v26 =	vadd.f32 v2, v26;
	v37 =	vmul.f32 v7, v39;
	v21 =	vld.idx.msk [tilespmem:v27+s18+$0x0], $0xffff;
	v27 =	vmul.f32 v6, v39  }
0x14d: {  	_ =	sdelay $0x3  }
0x14e: {  	v18 =	vmul.f32 v18, v24;
	v36 =	vadd.f32 v11, v36;
	v38 =	vld.idx.msk [tilespmem:v0+s18+$0x0], $0xffff  }
0x14f: {  	v24 =	vmul.f32 v16, v24;
	v10 =	vld.idx.msk [tilespmem:v10+s25+$0x0], $0xffff;
	v35 =	vadd.f32 v4, v35;
	v25 =	vadd.f32 v30, v25  }
0x150: {  	v16 =	vmul.f32 v16, v29;
	v48 =	vld.idx.msk [tilespmem:v0+s24+$0x0], $0xffff;
	v5 =	vadd.f32 v5, v15;
	v29 =	vadd.f32 v4, v37  }
0x151: {  	v32 =	vmul.f32 v6, v32;
	v49 =	vld.idx.msk [tilespmem:v0+s22+$0x0], $0xffff;
	v27 =	vadd.f32 v2, v27;
	v18 =	vadd.f32 v11, v18  }
0x152: {  	v17 =	vmul.f32 v6, v17;
	v30 =	vld.idx.msk [tilespmem:v0+s25+$0x0], $0xffff;
	v24 =	vadd.f32 v14, v24;
	v16 =	vadd.f32 v14, v16  }
0x153: {  	s2 =	sand.u32 $0x3C00, s11;
	v50 =	vld.idx.msk [tilespmem:v0+s21+$0x0], $0xffff;
	v11 =	vadd.f32 v11, v34;
	v39 =	vmul.f32 v6, v23;
	v23 =	vmul.f32 v7, v23  }
0x154: {  	v0 =	vld.idx.msk [tilespmem:v0+s26+$0x0], $0xffff;
	s2 =	sor.u32 s8, s2;
	v12 =	vmul.f32 v36, v12;
	v32 =	vadd.f32 v2, v32;
	v14 =	vadd.f32 v14, v33  }
0x155: {  	v31 =	vmul.f32 v35, v31;
	[tilespmem:s2+$0x7280] =	vst v25;
	v1 =	vmul.f32 v11, v1;
	v23 =	vadd.f32 v4, v23  }
0x156: {  	[tilespmem:s2+$0x7180] =	vst v19;
	v11 =	vmul.f32 v7, v28;
	v12 =	vadd.f32 v12, v14;
	v25 =	vmul.f32 v29, v38  }
0x157: {  	[tilespmem:s2+$0x7000] =	vst v22;
	v14 =	vadd.f32 v2, v39;
	v1 =	vadd.f32 v1, v16;
	v19 =	vmul.f32 v23, v48  }
0x158: {  	v16 =	vmul.f32 v7, v10;
	[tilespmem:s2+$0x7100] =	vst v12;
	v7 =	vmul.f32 v7, v9;
	v23 =	vadd.f32 v25, v27  }
0x159: {  	[tilespmem:s2+$0x7200] =	vst v1;
	v1 =	vadd.f32 v31, v26;
	v12 =	vadd.f32 v19, v14;
	v14 =	vmul.f32 v18, v21  }
0x15a: {  	s3 =	sand.u32 $0x3, s13;
	v51 =	vmul.f32 v6, v28;
	v10 =	vmul.f32 v6, v10;
	v18 =	vadd.f32 v4, v20;
	[tilespmem:s2+$0x7090] =	vst v23  }
0x15b: {  	s3 =	sshll.u32 s3, $0x5;
	v6 =	vmul.f32 v6, v9;
	[tilespmem:s2+$0x7010] =	vst v1;
	v1 =	vadd.f32 v4, v7;
	v14 =	vadd.f32 v14, v24  }
0x15c: {  	s3 =	sadd.s32 s3, s11;
	v22 =	vadd.f32 v2, v51;
	v11 =	vadd.f32 v4, v11;
	[tilespmem:s2+$0x7290] =	vst v12;
	v12 =	vmul.f32 v18, v13  }
0x15d: {  	s4 =	sor.u32 $0x300, s3;
	v16 =	vadd.f32 v4, v16;
	v6 =	vadd.f32 v2, v6;
	v1 =	vmul.f32 v1, v50;
	[tilespmem:s2+$0x7080] =	vst v14  }
0x15e: {  	s11 =	sor.u32 $0x380, s3;
	v4 =	vadd.f32 v4, v8;
	v7 =	vmul.f32 v11, v49;
	[tilespmem:s4+$0x7000] =	vst v3;
	v3 =	vadd.f32 v12, v32  }
0x15f: {  	v8 =	vadd.f32 v2, v10;
	v9 =	vmul.f32 v16, v30;
	v1 =	vadd.f32 v1, v6;
	[tilespmem:s11+$0x7000] =	vst v5  }
0x160: {  	v2 =	vadd.f32 v2, v17;
	v0 =	vmul.f32 v4, v0;
	v5 =	vadd.f32 v7, v22;
	[tilespmem:s2+$0x7210] =	vst v3  }
0x161: {  	s3 =	sadd.s32 $0x10, s3;
	v3 =	vadd.f32 v9, v8;
	[tilespmem:s2+$0x7110] =	vst v1  }
0x162: {  	s12 =	sor.u32 $0x300, s3;
	v0 =	vadd.f32 v0, v2;
	[tilespmem:s2+$0x7190] =	vst v5  }
0x163: {  	s13 =	sor.u32 $0x380, s3;
	[tilespmem:s12+$0x7000] =	vst v3  }
0x164: {  	[tilespmem:s13+$0x7000] =	vst v0  }
0x165: {  	s2 =	rddreg [dreg:$0x1f]  }
0x166: {  	s14 =	simm.s32 $0x0;
	s17 =	sld [smem:$0x7F8]  }
0x167: {  	s15 =	simm.s32 $0x7000;
	s3 =	sld [smem:$0x7F9];
	s2 =	sadd.s32 s5, s2  }
0x168: {  	[hbm4b:s2+s14] =	stream.linear.scatter [tilespmem:s15], [sflag:$0x4], $0x4000, $0x38;
	[tilespmem:$0x1B000] =	vst v63  }
0x169: {  	s2 =	sld [smem:$0x7FB];
	_ =	sdelay $0x1  }
0x16a: {  	p0 =	seq.s32 s17, $0x7  }
0x16b: {  	s4 =	simm.s32 @!p0 $0x80;
	s2 =	sadd.s32 @!p0 s2, s3;
	s3 =	rddreg [dreg:$0x0]  }
0x16c: {  	s5 =	simm.s32 @!p0 $0x400;
	s6 =	simm.s32 @!p0 $0xB000;
	s3 =	sadd.s32 @!p0 s3, s2  }
0x16d: {  	[tilespmem:s6], [sflag:$0x1] =	stream.strided.gather @!p0 [hbm4b:s3+s4], $0x1000, s5, s4, $0x38;
	[tilespmem:$0x1B000] =	vst v63  }
0x16e: {  	s3 =	rddreg [dreg:$0x7]  }
0x16f: {  	s6 =	simm.s32 @!p0 $0xC000;
	s3 =	sadd.s32 @!p0 s2, s3  }
0x170: {  	[tilespmem:s6], [sflag:$0x1] =	stream.strided.gather @!p0 [hbm4b:s3+s4], $0x1000, s5, s4, $0x38;
	[tilespmem:$0x1B000] =	vst v63  }
0x171: {  	s3 =	rddreg [dreg:$0xa]  }
0x172: {  	s6 =	simm.s32 @!p0 $0xD000;
	s3 =	sadd.s32 @!p0 s2, s3  }
0x173: {  	[tilespmem:s6], [sflag:$0x1] =	stream.strided.gather @!p0 [hbm4b:s3+s4], $0x1000, s5, s4, $0x38;
	[tilespmem:$0x1B000] =	vst v63  }
0x174: {  	s3 =	rddreg [dreg:$0xc]  }
0x175: {  	s6 =	simm.s32 @!p0 $0xE000;
	s3 =	sadd.s32 @!p0 s2, s3  }
0x176: {  	[tilespmem:s6], [sflag:$0x1] =	stream.strided.gather @!p0 [hbm4b:s3+s4], $0x1000, s5, s4, $0x38;
	[tilespmem:$0x1B000] =	vst v63  }
0x177: {  	s3 =	rddreg [dreg:$0xd]  }
0x178: {  	s6 =	simm.s32 @!p0 $0xF000;
	s3 =	sadd.s32 @!p0 s2, s3  }
0x179: {  	[tilespmem:s6], [sflag:$0x1] =	stream.strided.gather @!p0 [hbm4b:s3+s4], $0x1000, s5, s4, $0x38;
	[tilespmem:$0x1B000] =	vst v63  }
0x17a: {  	s3 =	rddreg [dreg:$0x10]  }
0x17b: {  	s6 =	simm.s32 @!p0 $0x10000;
	s3 =	sadd.s32 @!p0 s2, s3  }
0x17c: {  	[tilespmem:s6], [sflag:$0x1] =	stream.strided.gather @!p0 [hbm4b:s3+s4], $0x1000, s5, s4, $0x38;
	[tilespmem:$0x1B000] =	vst v63  }
0x17d: {  	s3 =	rddreg [dreg:$0x12]  }
0x17e: {  	s6 =	simm.s32 @!p0 $0x11000;
	s3 =	sadd.s32 @!p0 s2, s3  }
0x17f: {  	[tilespmem:s6], [sflag:$0x1] =	stream.strided.gather @!p0 [hbm4b:s3+s4], $0x1000, s5, s4, $0x38;
	[tilespmem:$0x1B000] =	vst v63  }
0x180: {  	s3 =	rddreg [dreg:$0x13]  }
0x181: {  	s19 =	simm.s32 $0x2;
	s2 =	sadd.s32 @!p0 s2, s3;
	s3 =	simm.s32 @!p0 $0x12000  }
0x182: {  	[tilespmem:s3], [sflag:$0x1] =	stream.strided.gather @!p0 [hbm4b:s2+s4], $0x1000, s5, s4, $0x38;
	[tilespmem:$0x1B000] =	vst v63  }
0x183: {  	_ =	swait.ge [sflag:s19], $0x1000  }
0x184: {  	[sflag:s19] =	ssyncset.done $0x0  }
0x185: {  	[sflag:s19] =	ssyncadd.s32 $0xFFFFF000  }
0x186: {  	_ =	swait.ge [sflag:s19], $0x1000  }
0x187: {  	[sflag:s19] =	ssyncset.done $0x0  }
0x188: {  	[sflag:s19] =	ssyncadd.s32 $0xFFFFF000  }
0x189: {  	_ =	swait.ge [sflag:s19], $0x1000  }
0x18a: {  	[sflag:s19] =	ssyncset.done $0x0  }
0x18b: {  	[sflag:s19] =	ssyncadd.s32 $0xFFFFF000  }
0x18c: {  	_ =	swait.ge [sflag:s19], $0x1000  }
0x18d: {  	[sflag:s19] =	ssyncset.done $0x0  }
0x18e: {  	[sflag:s19] =	ssyncadd.s32 $0xFFFFF000  }
0x18f: {  	_ =	swait.ge [sflag:s19], $0x1000  }
0x190: {  	[sflag:s19] =	ssyncset.done $0x0  }
0x191: {  	[sflag:s19] =	ssyncadd.s32 $0xFFFFF000  }
0x192: {  	_ =	swait.ge [sflag:s19], $0x1000  }
0x193: {  	[sflag:s19] =	ssyncset.done $0x0  }
0x194: {  	[sflag:s19] =	ssyncadd.s32 $0xFFFFF000  }
0x195: {  	_ =	swait.ge [sflag:s19], $0x1000  }
0x196: {  	[sflag:s19] =	ssyncset.done $0x0  }
0x197: {  	[sflag:s19] =	ssyncadd.s32 $0xFFFFF000  }
0x198: {  	_ =	swait.ge [sflag:s19], $0x1000  }
0x199: {  	[sflag:s19] =	ssyncset.done $0x0  }
0x19a: {  	s20 =	simm.s32 $0x0;
	s4 =	simm.s32 $0x3;
	[sflag:s19] =	ssyncadd.s32 $0xFFFFF000  }
0x19b: {  	s6 =	sand.u32 $0x60, s20;
	_ =	swait.ge [sflag:s4], $0x4000  }
0x19c: {  	s7 =	sand.u32 $0x780, s20;
	s12 =	sor.u32 $0x10, s6;
	[sflag:s4] =	ssyncset.done $0x0  }
0x19d: {  	s3 =	sor.u32 s12, s7;
	[sflag:s4] =	ssyncadd.s32 $0xFFFFC000  }
0x19e: {  	v0 =	vld [tilespmem:s3+$0x0];
	_ =	sdelay $0x1  }
0x19f: {  	s8 =	simm.s32 $0x0  }
0x1a0: {  	s3 =	sand.u32 $0xFFFFFF00, s8  }
0x1a1: {  	s3 =	sadd.s32 $0x1000, s3  }
0x1a2: {  	v4 =	vld [tilespmem:s20+$0x0];
	s11 =	sor.u32 s12, s3;
	v2 =	vshrl.u32 v0, $0x10  }
0x1a3: {  	s3 =	sor.u32 s6, s3;
	v1 =	vld [tilespmem:s11+$0x80]  }
0x1a4: {  	v3 =	vld [tilespmem:s3+$0x0];
	v0 =	vand.u32 $0xFFFF, v0  }
0x1a5: {  	v6 =	vld [tilespmem:s3+$0x80]  }
0x1a6: {  	v8 =	vld [tilespmem:s11+$0x0]  }
0x1a7: {  	v9 =	vld.idx.msk [tilespmem:v2+s28+$0x0], $0xffff  }
0x1a8: {  	v11 =	vld.idx.msk [tilespmem:v2+s31+$0x0], $0xffff  }
0x1a9: {  	v13 =	vld.idx.msk [tilespmem:v0+s10+$0x0], $0xffff  }
0x1aa: {  	v14 =	vld.idx.msk [tilespmem:v2+s9+$0x0], $0xffff  }
0x1ab: {  	v15 =	vld.idx.msk [tilespmem:v2+s1+$0x0], $0xffff  }
0x1ac: {  	v16 =	vld.idx.msk [tilespmem:v0+s1+$0x0], $0xffff  }
0x1ad: {  	v17 =	vld.idx.msk [tilespmem:v2+s29+$0x0], $0xffff  }
0x1ae: {  	v18 =	vld.idx.msk [tilespmem:v0+s9+$0x0], $0xffff  }
0x1af: {  	v19 =	vand.u32 $0xFFFF, v4;
	v20 =	vld.idx.msk [tilespmem:v0+s30+$0x0], $0xffff  }
0x1b0: {  	v21 =	vld.idx.msk [tilespmem:v0+s31+$0x0], $0xffff  }
0x1b1: {  	v22 =	vld.idx.msk [tilespmem:v2+s10+$0x0], $0xffff  }
0x1b2: {  	v23 =	vld.idx.msk [tilespmem:v0+s29+$0x0], $0xffff  }
0x1b3: {  	v12 =	vld.idx.msk [tilespmem:v0+s28+$0x0], $0xffff  }
0x1b4: {  	v24 =	vshrl.u32 v4, $0x10;
	v25 =	vld.idx.msk [tilespmem:v19+s29+$0x0], $0xffff  }
0x1b5: {  	v10 =	vshll.u32 v8, $0x10;
	v4 =	vand.u32 $0xFFFF0000, v8;
	v8 =	vld.idx.msk [tilespmem:v19+s28+$0x0], $0xffff  }
0x1b6: {  	v7 =	vshll.u32 v1, $0x10;
	v30 =	vld.idx.msk [tilespmem:v19+s1+$0x0], $0xffff  }
0x1b7: {  	v5 =	vand.u32 $0xFFFF0000, v1;
	v53 =	vld.idx.msk [tilespmem:v19+s9+$0x0], $0xffff;
	v1 =	vmul.f32 v7, v16;
	v27 =	vmul.f32 v7, v13  }
0x1b8: {  	v26 =	vshll.u32 v3, $0x10;
	v28 =	vld.idx.msk [tilespmem:v19+s10+$0x0], $0xffff;
	v16 =	vmul.f32 v10, v16;
	v31 =	vmul.f32 v7, v18  }
0x1b9: {  	v3 =	vand.u32 $0xFFFF0000, v3;
	v57 =	vld.idx.msk [tilespmem:v24+s9+$0x0], $0xffff;
	v52 =	vmul.f32 v7, v21;
	v54 =	vmul.f32 v10, v20  }
0x1ba: {  	v29 =	vshll.u32 v6, $0x10;
	v59 =	vld.idx.msk [tilespmem:v24+s0+$0x0], $0xffff;
	v20 =	vmul.f32 v7, v20;
	v55 =	vmul.f32 v7, v23  }
0x1bb: {  	v6 =	vand.u32 $0xFFFF0000, v6;
	v40 =	vld.idx.msk [tilespmem:v24+s30+$0x0], $0xffff;
	v18 =	vmul.f32 v10, v18;
	v58 =	vmul.f32 v29, v30  }
0x1bc: {  	v41 =	vld.idx.msk [tilespmem:v24+s29+$0x0], $0xffff;
	v60 =	vmul.f32 v29, v53;
	v1 =	vadd.f32 v5, v1;
	v27 =	vadd.f32 v5, v27  }
0x1bd: {  	v44 =	vld.idx.msk [tilespmem:v24+s28+$0x0], $0xffff;
	v30 =	vmul.f32 v26, v30;
	v16 =	vadd.f32 v4, v16;
	v32 =	vadd.f32 v5, v52  }
0x1be: {  	v48 =	vld.idx.msk [tilespmem:v2+s0+$0x0], $0xffff;
	v47 =	vmul.f32 v29, v28;
	v31 =	vadd.f32 v5, v31;
	v35 =	vadd.f32 v5, v55  }
0x1bf: {  	v49 =	vld.idx.msk [tilespmem:v2+s30+$0x0], $0xffff;
	v28 =	vmul.f32 v26, v28;
	v20 =	vadd.f32 v5, v20;
	v34 =	vadd.f32 v4, v54  }
0x1c0: {  	v62 =	vld.idx.msk [tilespmem:v0+s0+$0x0], $0xffff;
	v21 =	vmul.f32 v10, v21;
	v18 =	vadd.f32 v4, v18;
	v37 =	vadd.f32 v6, v58  }
0x1c1: {  	s11 =	simm.s32 $0x20;
	v30 =	vadd.f32 v3, v30;
	v61 =	vadd.f32 v6, v47;
	v1 =	vmul.f32 v1, v15;
	v15 =	vld.idx.msk [tilespmem:v19+s30+$0x0], $0xffff  }
0x1c2: {  	s5 =	sand.u32 $0x60, s11;
	v21 =	vadd.f32 v4, v21;
	v22 =	vmul.f32 v27, v22;
	v27 =	vld.idx.msk [tilespmem:v19+s31+$0x0], $0xffff;
	v14 =	vmul.f32 v31, v14  }
0x1c3: {  	s14 =	sand.u32 $0x780, s11;
	s8 =	sor.u32 $0x10, s5;
	v11 =	vmul.f32 v32, v11;
	v31 =	vld.idx.msk [tilespmem:v24+s31+$0x0], $0xffff;
	v56 =	vadd.f32 v1, v16;
	v1 =	vmul.f32 v10, v13  }
0x1c4: {  	s17 =	simm.s32 $0x0;
	s3 =	sor.u32 s8, s14;
	v13 =	vld.idx.msk [tilespmem:v19+s0+$0x0], $0xffff;
	v16 =	vmul.f32 v10, v12;
	v19 =	vmul.f32 v10, v23;
	v14 =	vadd.f32 v14, v18  }
0x1c5: {  	v18 =	vld [tilespmem:s3+$0x0];
	s3 =	sand.u32 $0x3FFFFC00, s17;
	v21 =	vadd.f32 v11, v21;
	v12 =	vmul.f32 v7, v12;
	v1 =	vadd.f32 v4, v1  }
0x1c6: {  	s13 =	simm.s32 $0x40;
	v35 =	vmul.f32 v35, v17;
	v23 =	vld.idx.msk [tilespmem:v24+s1+$0x0], $0xffff;
	s3 =	sadd.s32 $0x3000, s3;
	v19 =	vadd.f32 v4, v19;
	v52 =	vadd.f32 v4, v16  }
0x1c7: {  	s2 =	sand.u32 $0xFFFFFF00, s13;
	v24 =	vld.idx.msk [tilespmem:v24+s10+$0x0], $0xffff;
	s13 =	sor.u32 s12, s3;
	v54 =	vadd.f32 v5, v12;
	v42 =	vmul.f32 v26, v15;
	v15 =	vmul.f32 v29, v15  }
0x1c8: {  	s2 =	sadd.s32 $0x1000, s2;
	v45 =	vmul.f32 v29, v27;
	v27 =	vmul.f32 v26, v27;
	[tilespmem:s13+$0x280] =	vst v14;
	v14 =	vadd.f32 v3, v28  }
0x1c9: {  	s15 =	sor.u32 s5, s2;
	v22 =	vadd.f32 v22, v1;
	v1 =	vmul.f32 v29, v8;
	v8 =	vmul.f32 v26, v8  }
0x1ca: {  	v46 =	vld [tilespmem:s15+$0x0];
	s2 =	sor.u32 s8, s2;
	v43 =	vmul.f32 v26, v13;
	v13 =	vmul.f32 v29, v13;
	v2 =	vshrl.u32 v18, $0x10  }
0x1cb: {  	v63 =	vld [tilespmem:s2+$0x80];
	v42 =	vadd.f32 v3, v42;
	v29 =	vmul.f32 v29, v25;
	v15 =	vadd.f32 v6, v15  }
0x1cc: {  	v47 =	vld [tilespmem:s11+$0x0];
	v11 =	vmul.f32 v37, v23;
	v23 =	vmul.f32 v61, v24;
	v50 =	vadd.f32 v6, v1  }
0x1cd: {  	v17 =	vld [tilespmem:s15+$0x80];
	v1 =	vand.u32 $0xFFFF, v18;
	v18 =	vadd.f32 v6, v60;
	v0 =	vmul.f32 v15, v40  }
0x1ce: {  	[tilespmem:s13+$0x300] =	vst v56;
	v24 =	vadd.f32 v3, v8;
	v15 =	vmul.f32 v26, v25;
	v25 =	vmul.f32 v50, v44;
	v50 =	vld [tilespmem:s2+$0x0]  }
0x1cf: {  	[tilespmem:s13+$0x180] =	vst v21;
	v13 =	vadd.f32 v6, v13;
	v42 =	vadd.f32 v0, v42;
	v0 =	vld.idx.msk [tilespmem:v2+s28+$0x0], $0xffff  }
0x1d0: {  	[tilespmem:s13+$0x380] =	vst v22;
	v8 =	vadd.f32 v35, v19;
	v22 =	vadd.f32 v6, v29;
	v28 =	vld.idx.msk [tilespmem:v2+s31+$0x0], $0xffff  }
0x1d1: {  	v29 =	vadd.f32 v3, v43;
	v6 =	vadd.f32 v6, v45;
	v13 =	vmul.f32 v13, v59;
	v19 =	vld.idx.msk [tilespmem:v2+s1+$0x0], $0xffff  }
0x1d2: {  	v61 =	vmul.f32 v54, v9;
	v11 =	vadd.f32 v11, v30;
	v24 =	vadd.f32 v25, v24;
	v30 =	vld.idx.msk [tilespmem:v2+s10+$0x0], $0xffff  }
0x1d3: {  	s19 =	sor.u32 s6, s3;
	[tilespmem:s13+$0x80] =	vst v8;
	v22 =	vmul.f32 v22, v41;
	v13 =	vadd.f32 v13, v29;
	v51 =	vld.idx.msk [tilespmem:v1+s10+$0x0], $0xffff  }
0x1d4: {  	v8 =	vshrl.u32 v47, $0x10;
	v6 =	vmul.f32 v6, v31;
	v29 =	vadd.f32 v3, v15;
	v15 =	vld.idx.msk [tilespmem:v2+s9+$0x0], $0xffff;
	[tilespmem:s19+$0x0] =	vst v24  }
0x1d5: {  	v31 =	vld.idx.msk [tilespmem:v1+s9+$0x0], $0xffff;
	v24 =	vmul.f32 v10, v62;
	[tilespmem:s19+$0x200] =	vst v13;
	v13 =	vmul.f32 v18, v57  }
0x1d6: {  	v18 =	vadd.f32 v23, v14;
	v23 =	vmul.f32 v26, v53;
	v26 =	vadd.f32 v3, v27;
	v27 =	vld.idx.msk [tilespmem:v1+s1+$0x0], $0xffff  }
0x1d7: {  	v20 =	vmul.f32 v20, v49;
	[tilespmem:s19+$0x300] =	vst v11;
	v41 =	vadd.f32 v61, v52;
	v25 =	vand.u32 $0xFFFF, v47;
	v14 =	vld.idx.msk [tilespmem:v2+s29+$0x0], $0xffff  }
0x1d8: {  	v11 =	vand.u32 $0xFFFF0000, v63;
	[tilespmem:s19+$0x100] =	vst v42;
	v22 =	vadd.f32 v22, v29;
	v29 =	vld.idx.msk [tilespmem:v1+s29+$0x0], $0xffff;
	v21 =	vadd.f32 v4, v24  }
0x1d9: {  	v10 =	vand.u32 $0xFFFF0000, v50;
	v35 =	vld.idx.msk [tilespmem:v8+s0+$0x0], $0xffff;
	v23 =	vadd.f32 v3, v23;
	v26 =	vadd.f32 v6, v26;
	[tilespmem:s19+$0x380] =	vst v18  }
0x1da: {  	v4 =	vld.idx.msk [tilespmem:v1+s28+$0x0], $0xffff;
	v3 =	vshll.u32 v63, $0x10;
	v18 =	vadd.f32 v20, v34;
	v6 =	vshll.u32 v50, $0x10;
	[tilespmem:s19+$0x80] =	vst v22  }
0x1db: {  	v24 =	vshll.u32 v17, $0x10;
	v20 =	vld.idx.msk [tilespmem:v1+s30+$0x0], $0xffff;
	v12 =	vmul.f32 v3, v51;
	v40 =	vmul.f32 v6, v31;
	[tilespmem:s19+$0x180] =	vst v26  }
0x1dc: {  	v17 =	vand.u32 $0xFFFF0000, v17;
	v16 =	vld.idx.msk [tilespmem:v25+s29+$0x0], $0xffff;
	v26 =	vmul.f32 v7, v62;
	[tilespmem:s13+$0x100] =	vst v18;
	v18 =	vmul.f32 v3, v31  }
0x1dd: {  	v23 =	vadd.f32 v13, v23;
	v13 =	vld.idx.msk [tilespmem:v1+s31+$0x0], $0xffff;
	v53 =	vmul.f32 v3, v27;
	v22 =	vmul.f32 v6, v27  }
0x1de: {  	v32 =	vld.idx.msk [tilespmem:v25+s1+$0x0], $0xffff;
	v58 =	vadd.f32 v11, v12;
	v62 =	vmul.f32 v3, v29;
	v63 =	vmul.f32 v6, v29  }
0x1df: {  	v12 =	vld.idx.msk [tilespmem:v25+s9+$0x0], $0xffff;
	v26 =	vadd.f32 v5, v26;
	v9 =	vmul.f32 v6, v4;
	v55 =	vadd.f32 v11, v53  }
0x1e0: {  	v7 =	vshll.u32 v46, $0x10;
	[tilespmem:s19+$0x280] =	vst v23;
	v23 =	vld.idx.msk [tilespmem:v25+s28+$0x0], $0xffff;
	v56 =	vmul.f32 v6, v20;
	v59 =	vmul.f32 v3, v20  }
0x1e1: {  	v37 =	vld.idx.msk [tilespmem:v25+s0+$0x0], $0xffff;
	v20 =	vadd.f32 v10, v22;
	v22 =	vmul.f32 v26, v48;
	v19 =	vmul.f32 v55, v19  }
0x1e2: {  	v34 =	vld.idx.msk [tilespmem:v8+s30+$0x0], $0xffff;
	v29 =	vadd.f32 v11, v18;
	v60 =	vmul.f32 v58, v30;
	v57 =	vmul.f32 v3, v13  }
0x1e3: {  	v27 =	vld.idx.msk [tilespmem:v25+s10+$0x0], $0xffff;
	v20 =	vadd.f32 v19, v20;
	v19 =	vadd.f32 v22, v21;
	v22 =	vmul.f32 v6, v51  }
0x1e4: {  	v30 =	vld.idx.msk [tilespmem:v25+s30+$0x0], $0xffff;
	v39 =	vmul.f32 v24, v32;
	v38 =	vadd.f32 v11, v62;
	v26 =	vadd.f32 v11, v57  }
0x1e5: {  	s20 =	simm.s32 $0x100;
	v33 =	vmul.f32 v24, v12;
	v21 =	vld.idx.msk [tilespmem:v25+s31+$0x0], $0xffff;
	v36 =	vmul.f32 v24, v23;
	v18 =	vadd.f32 v10, v22  }
0x1e6: {  	s2 =	sand.u32 $0x3FFFFC00, s20;
	v25 =	vld.idx.msk [tilespmem:v8+s1+$0x0], $0xffff;
	v26 =	vmul.f32 v26, v28;
	v22 =	vadd.f32 v11, v59;
	v28 =	vadd.f32 v10, v63  }
0x1e7: {  	s4 =	simm.s32 $0x2;
	s12 =	simm.s32 $0x40;
	s14 =	sadd.s32 $0x3000, s2;
	v5 =	vand.u32 $0xFFFF0000, v46;
	[tilespmem:s13+$0x200] =	vst v19;
	v19 =	vld.idx.msk [tilespmem:v8+s9+$0x0], $0xffff;
	v31 =	vadd.f32 v60, v18;
	v18 =	vadd.f32 v10, v56  }
.LBB2_7:
0x1e8: {  	s4 =	sadd.s32 $0x2, s4;
	s15 =	sand.u32 $0x60, s12;
	v42 =	vld.idx.msk [tilespmem:v8+s29+$0x0], $0xffff;
	v40 =	vadd.f32 v10, v40;
	v15 =	vmul.f32 v29, v15;
	s11 =	sadd.s32 $0x20, s11;
	[tilespmem:s13+$0x0] =	vst v41;
	v29 =	vmov v11  }
0x1e9: {  	s6 =	sand.u32 $0x780, s12;
	v41 =	vmul.f32 v7, v30;
	v43 =	vmul.f32 v7, v37;
	v39 =	vadd.f32 v17, v39;
	s2 =	sshll.u32 s4, $0x7;
	s3 =	sor.u32 $0x10, s15;
	v11 =	vld.idx.msk [tilespmem:v8+s31+$0x0], $0xffff  }
0x1ea: {  	v37 =	vmul.f32 v24, v37;
	v32 =	vmul.f32 v7, v32;
	p1 =	slt.u32 s4, $0x7E;
	s7 =	sshra.s32 s2, $0x2;
	s6 =	sor.u32 s3, s6;
	v44 =	vld.idx.msk [tilespmem:v8+s28+$0x0], $0xffff;
	v15 =	vadd.f32 v15, v40  }
0x1eb: {  	v45 =	vmul.f32 v24, v30;
	v14 =	vmul.f32 v38, v14;
	v38 =	vmovc v10;
	s2 =	sand.u32 $0x3FFFFC00, s2;
	v41 =	vadd.f32 v5, v41;
	s7 =	sand.u32 $0xFFFFFF00, s7;
	v40 =	vld [tilespmem:s6+$0x0]  }
0x1ec: {  	v10 =	vmul.f32 v24, v21;
	v46 =	vmul.f32 v24, v27;
	v37 =	vadd.f32 v17, v37;
	s2 =	sadd.s32 $0x3000, s2;
	s6 =	sadd.s32 $0x1000, s7;
	v30 =	vld.idx.msk [tilespmem:v2+s0+$0x0], $0xffff  }
0x1ed: {  	v24 =	vmul.f32 v24, v16;
	v45 =	vadd.f32 v17, v45;
	v32 =	vadd.f32 v5, v32;
	s7 =	sor.u32 s3, s6;
	v47 =	vld.idx.msk [tilespmem:v2+s30+$0x0], $0xffff  }
0x1ee: {  	v23 =	vmul.f32 v7, v23;
	v27 =	vmul.f32 v7, v27;
	v36 =	vadd.f32 v17, v36;
	v48 =	vld [tilespmem:s7+$0x80]  }
0x1ef: {  	v13 =	vmul.f32 v6, v13;
	v35 =	vmul.f32 v37, v35;
	v37 =	vadd.f32 v17, v46;
	v8 =	vld.idx.msk [tilespmem:v8+s10+$0x0], $0xffff  }
0x1f0: {  	v33 =	vadd.f32 v17, v33;
	s13 =	sor.u32 s8, s14;
	s8 =	smov.u32 s3;
	s6 =	sor.u32 s15, s6;
	v2 =	vshrl.u32 v40, $0x10;
	v46 =	vld.idx.msk [tilespmem:v1+s0+$0x0], $0xffff;
	v1 =	vand.u32 $0xFFFF, v40  }
0x1f1: {  	v16 =	vmul.f32 v7, v16;
	v13 =	vadd.f32 v38, v13;
	v34 =	vmul.f32 v45, v34;
	v40 =	vld [tilespmem:s6+$0x0];
	[tilespmem:s13+$0x380] =	vst v31  }
0x1f2: {  	v24 =	vadd.f32 v17, v24;
	v43 =	vadd.f32 v5, v43;
	v36 =	vmul.f32 v36, v44;
	v31 =	vld [tilespmem:s6+$0x80];
	[tilespmem:s13+$0x300] =	vst v20  }
0x1f3: {  	v21 =	vmul.f32 v7, v21;
	v26 =	vadd.f32 v26, v13;
	v34 =	vadd.f32 v34, v41;
	v20 =	vld [tilespmem:s11+$0x0];
	[tilespmem:s13+$0x280] =	vst v15  }
0x1f4: {  	v25 =	vmul.f32 v39, v25;
	v22 =	vmul.f32 v22, v47;
	v15 =	vadd.f32 v35, v43;
	v13 =	vld [tilespmem:s7+$0x0]  }
0x1f5: {  	s17 =	sor.u32 s5, s14;
	s5 =	smov.u32 s15;
	v27 =	vadd.f32 v5, v27;
	s14 =	smov.u32 s2;
	v24 =	vmul.f32 v24, v42;
	v8 =	vmul.f32 v37, v8;
	v35 =	vld.idx.msk [tilespmem:v2+s28+$0x0], $0xffff  }
0x1f6: {  	v23 =	vadd.f32 v5, v23;
	v16 =	vadd.f32 v5, v16;
	v39 =	vld.idx.msk [tilespmem:v2+s31+$0x0], $0xffff;
	[tilespmem:s17+$0x200] =	vst v15  }
0x1f7: {  	v10 =	vadd.f32 v17, v10;
	v17 =	vmul.f32 v33, v19;
	v19 =	vadd.f32 v8, v27;
	v37 =	vld.idx.msk [tilespmem:v1+s10+$0x0], $0xffff  }
0x1f8: {  	v14 =	vadd.f32 v14, v28;
	v8 =	vshrl.u32 v20, $0x10;
	v33 =	vand.u32 $0xFFFF, v20;
	v15 =	vld.idx.msk [tilespmem:v2+s9+$0x0], $0xffff;
	[tilespmem:s17+$0x100] =	vst v34  }
0x1f9: {  	v7 =	vmul.f32 v7, v12;
	v21 =	vadd.f32 v5, v21;
	v12 =	vadd.f32 v25, v32;
	v20 =	vld.idx.msk [tilespmem:v2+s1+$0x0], $0xffff  }
0x1fa: {  	v10 =	vmul.f32 v10, v11;
	v25 =	vshll.u32 v48, $0x10;
	v18 =	vadd.f32 v22, v18;
	v27 =	vld.idx.msk [tilespmem:v1+s1+$0x0], $0xffff;
	[tilespmem:s13+$0x80] =	vst v14  }
0x1fb: {  	v5 =	vadd.f32 v5, v7;
	v22 =	vadd.f32 v36, v23;
	v14 =	vld.idx.msk [tilespmem:v2+s29+$0x0], $0xffff;
	[tilespmem:s17+$0x300] =	vst v12  }
0x1fc: {  	v7 =	vadd.f32 v10, v21;
	v11 =	vand.u32 $0xFFFF0000, v48;
	v28 =	vshll.u32 v13, $0x10;
	v34 =	vld.idx.msk [tilespmem:v1+s9+$0x0], $0xffff;
	[tilespmem:s17+$0x380] =	vst v19  }
0x1fd: {  	v5 =	vadd.f32 v17, v5;
	v17 =	vmul.f32 v3, v4;
	v12 =	vld.idx.msk [tilespmem:v1+s30+$0x0], $0xffff;
	[tilespmem:s17+$0x0] =	vst v22  }
0x1fe: {  	v4 =	vmul.f32 v6, v46;
	v6 =	vmul.f32 v3, v46;
	v10 =	vand.u32 $0xFFFF0000, v13;
	v13 =	vld.idx.msk [tilespmem:v1+s31+$0x0], $0xffff;
	[tilespmem:s17+$0x180] =	vst v7  }
0x1ff: {  	v21 =	vadd.f32 v24, v16;
	v36 =	vadd.f32 v38, v9;
	v3 =	vmov v25;
	v19 =	vld.idx.msk [tilespmem:v2+s10+$0x0], $0xffff;
	[tilespmem:s17+$0x280] =	vst v5  }
0x200: {  	v9 =	vadd.f32 v38, v4;
	v6 =	vadd.f32 v29, v6;
	v7 =	vshll.u32 v40, $0x10;
	v22 =	vld.idx.msk [tilespmem:v1+s29+$0x0], $0xffff;
	[tilespmem:s13+$0x180] =	vst v26  }
0x201: {  	v17 =	vadd.f32 v29, v17;
	v5 =	vand.u32 $0xFFFF0000, v40;
	v25 =	vmul.f32 v3, v27;
	v4 =	vld.idx.msk [tilespmem:v1+s28+$0x0], $0xffff;
	[tilespmem:s13+$0x100] =	vst v18  }
0x202: {  	v24 =	vshll.u32 v31, $0x10;
	v26 =	vmul.f32 v3, v37;
	v18 =	vmul.f32 v3, v34;
	v16 =	vld.idx.msk [tilespmem:v33+s29+$0x0], $0xffff;
	[tilespmem:s17+$0x80] =	vst v21  }
0x203: {  	v25 =	vadd.f32 v11, v25;
	v42 =	vmul.f32 v28, v12;
	v21 =	vmul.f32 v28, v27;
	v23 =	vld.idx.msk [tilespmem:v33+s28+$0x0], $0xffff  }
0x204: {  	v41 =	vmul.f32 v3, v12;
	v26 =	vadd.f32 v11, v26;
	v29 =	vmul.f32 v3, v13;
	v27 =	vld.idx.msk [tilespmem:v33+s10+$0x0], $0xffff  }
0x205: {  	v6 =	vmul.f32 v6, v30;
	v20 =	vmul.f32 v25, v20;
	v21 =	vadd.f32 v10, v21;
	v32 =	vld.idx.msk [tilespmem:v33+s1+$0x0], $0xffff  }
0x206: {  	v44 =	vmul.f32 v17, v0;
	v43 =	vmul.f32 v26, v19;
	v25 =	vadd.f32 v11, v29;
	v12 =	vld.idx.msk [tilespmem:v33+s9+$0x0], $0xffff  }
0x207: {  	v46 =	vadd.f32 v6, v9;
	v38 =	vmul.f32 v3, v22;
	v20 =	vadd.f32 v20, v21;
	v30 =	vld.idx.msk [tilespmem:v33+s30+$0x0], $0xffff  }
0x208: {  	v17 =	vand.u32 $0xFFFF0000, v31;
	v0 =	vmovc v35;
	v19 =	vmul.f32 v28, v37;
	v9 =	vmul.f32 v28, v4;
	v21 =	vld.idx.msk [tilespmem:v33+s31+$0x0], $0xffff  }
.Ltmp4:
0x209: {  	v45 =	vmul.f32 v28, v22;
	v29 =	vadd.f32 v11, v18;
	v26 =	vmul.f32 v25, v39;
	v37 =	vld.idx.msk [tilespmem:v33+s0+$0x0], $0xffff;
	(pc) =	sbr.rel @p1 .LBB2_7-.Ltmp4, $4  }
0x20a: {  	v6 =	vmov v28;
	v40 =	vmul.f32 v28, v34;
	v18 =	vadd.f32 v10, v19;
	v25 =	vld.idx.msk [tilespmem:v8+s1+$0x0], $0xffff;
	[tilespmem:s13+$0x200] =	vst v46  }
0x20b: {  	v22 =	vadd.f32 v11, v41;
	v38 =	vadd.f32 v11, v38;
	v39 =	vmul.f32 v24, v32;
	v19 =	vld.idx.msk [tilespmem:v8+s9+$0x0], $0xffff  }
0x20c: {  	v41 =	vadd.f32 v44, v36;
	v31 =	vadd.f32 v43, v18;
	v33 =	vmul.f32 v24, v12;
	v35 =	vld.idx.msk [tilespmem:v8+s0+$0x0], $0xffff  }
0x20d: {  	s12 =	sadd.s32 $0x20, s12;
	v28 =	vadd.f32 v10, v45;
	v36 =	vmul.f32 v24, v23;
	v18 =	vadd.f32 v10, v42;
	v34 =	vld.idx.msk [tilespmem:v8+s30+$0x0], $0xffff  }
0x20e: {  	_ =	sdelay $0x1  }
0x20f: {  	v15 =	vmul.f32 v29, v15;
	v53 =	vmul.f32 v7, v30  }
0x210: {  	v42 =	vmul.f32 v7, v37;
	v54 =	vmul.f32 v24, v37  }
0x211: {  	v43 =	vld.idx.msk [tilespmem:v8+s29+$0x0], $0xffff;
	v32 =	vmul.f32 v7, v32;
	v30 =	vmul.f32 v24, v30  }
0x212: {  	v29 =	vadd.f32 v10, v40;
	v55 =	vld.idx.msk [tilespmem:v8+s31+$0x0], $0xffff;
	v14 =	vmul.f32 v38, v14;
	v56 =	vmul.f32 v24, v21  }
0x213: {  	v39 =	vadd.f32 v17, v39;
	v57 =	vld.idx.msk [tilespmem:v8+s28+$0x0], $0xffff;
	v44 =	vmul.f32 v24, v27;
	v24 =	vmul.f32 v24, v16  }
0x214: {  	v45 =	vld.idx.msk [tilespmem:v2+s0+$0x0], $0xffff;
	v23 =	vmul.f32 v7, v23;
	v33 =	vadd.f32 v17, v33;
	v36 =	vadd.f32 v17, v36  }
0x215: {  	v27 =	vmul.f32 v7, v27;
	v2 =	vld.idx.msk [tilespmem:v2+s30+$0x0], $0xffff;
	v15 =	vadd.f32 v15, v29;
	v29 =	vadd.f32 v5, v53  }
0x216: {  	v13 =	vmul.f32 v6, v13;
	v8 =	vld.idx.msk [tilespmem:v8+s10+$0x0], $0xffff;
	v37 =	vadd.f32 v17, v54;
	v30 =	vadd.f32 v17, v30  }
0x217: {  	v1 =	vld.idx.msk [tilespmem:v1+s0+$0x0], $0xffff;
	s2 =	sor.u32 s8, s14;
	v16 =	vmul.f32 v7, v16;
	v32 =	vadd.f32 v5, v32;
	v58 =	vadd.f32 v17, v44  }
0x218: {  	[tilespmem:s2+$0x300] =	vst v20;
	v20 =	vmul.f32 v7, v21;
	v13 =	vadd.f32 v10, v13;
	v59 =	vadd.f32 v5, v42  }
0x219: {  	[tilespmem:s13+$0x0] =	vst v41;
	v7 =	vmul.f32 v7, v12;
	v24 =	vadd.f32 v17, v24;
	v23 =	vadd.f32 v5, v23  }
0x21a: {  	[tilespmem:s2+$0x380] =	vst v31;
	v17 =	vadd.f32 v17, v56;
	v14 =	vadd.f32 v14, v28;
	v35 =	vmul.f32 v37, v35  }
0x21b: {  	v19 =	vmul.f32 v33, v19;
	v13 =	vadd.f32 v26, v13;
	[tilespmem:s2+$0x280] =	vst v15;
	v15 =	vmul.f32 v39, v25  }
0x21c: {  	v7 =	vadd.f32 v5, v7;
	v30 =	vmul.f32 v30, v34;
	[tilespmem:s2+$0x80] =	vst v14;
	v21 =	vadd.f32 v35, v59  }
0x21d: {  	s3 =	sor.u32 s5, s14;
	v25 =	vadd.f32 v5, v27;
	v8 =	vmul.f32 v58, v8;
	v12 =	vadd.f32 v15, v32;
	[tilespmem:s2+$0x180] =	vst v13  }
0x21e: {  	v31 =	vmul.f32 v36, v57;
	v17 =	vmul.f32 v17, v55;
	v29 =	vadd.f32 v30, v29;
	[tilespmem:s3+$0x200] =	vst v21  }
0x21f: {  	v2 =	vmul.f32 v22, v2;
	v8 =	vadd.f32 v8, v25;
	[tilespmem:s3+$0x300] =	vst v12;
	v12 =	vmul.f32 v3, v1  }
0x220: {  	v15 =	vadd.f32 v5, v20;
	v14 =	vadd.f32 v31, v23;
	[tilespmem:s3+$0x100] =	vst v29;
	v3 =	vmul.f32 v3, v4  }
0x221: {  	v4 =	vadd.f32 v19, v7;
	v1 =	vmul.f32 v6, v1;
	[tilespmem:s3+$0x380] =	vst v8;
	v6 =	vadd.f32 v11, v12  }
0x222: {  	v5 =	vadd.f32 v5, v16;
	v2 =	vadd.f32 v2, v18;
	v7 =	vmul.f32 v24, v43;
	[tilespmem:s3+$0x0] =	vst v14  }
0x223: {  	v15 =	vadd.f32 v17, v15;
	[tilespmem:s3+$0x280] =	vst v4;
	v1 =	vadd.f32 v10, v1;
	v4 =	vmul.f32 v6, v45  }
0x224: {  	[tilespmem:s2+$0x100] =	vst v2;
	v5 =	vadd.f32 v7, v5  }
0x225: {  	[tilespmem:s3+$0x180] =	vst v15;
	v1 =	vadd.f32 v4, v1  }
0x226: {  	[tilespmem:s3+$0x80] =	vst v5  }
0x227: {  	v3 =	vadd.f32 v11, v3;
	[tilespmem:s2+$0x200] =	vst v1  }
0x228: {  	s3 =	sld [smem:$0x7FC]  }
0x229: {  	v6 =	vadd.f32 v10, v9;
	v0 =	vmul.f32 v3, v0;
	s4 =	sld [smem:$0x7F9];
	_ =	sdelay $0x1  }
0x22a: {  	v0 =	vadd.f32 v0, v6  }
0x22b: {  	s8 =	simm.s32 $0x0;
	s5 =	sadd.s32 s3, s4;
	s4 =	rddreg [dreg:$0x2]  }
0x22c: {  	s6 =	simm.s32 $0x3000;
	s7 =	simm.s32 $0x4;
	[tilespmem:s2+$0x0] =	vst v0;
	s2 =	sadd.s32 s4, s5  }
0x22d: {  	[hbm4b:s2+s8] =	stream.linear.scatter [tilespmem:s6], [sflag:$0x3], $0x4000, $0x38;
	[tilespmem:$0x1B000] =	vst v63  }
0x22e: {  	s11 =	simm.s32 $0x0;
	s12 =	simm.s32 $0x800;
	_ =	swait.ge [sflag:s7], $0x4000  }
0x22f: {  	s11 =	sand.u32 $0x60, s11;
	s13 =	sand.u32 $0xF80, s12;
	[sflag:s7] =	ssyncset.done $0x0  }
0x230: {  	s2 =	sor.u32 s11, s13;
	[sflag:s7] =	ssyncadd.s32 $0xFFFFC000  }
0x231: {  	v0 =	vld [tilespmem:s2+$0x0];
	_ =	sdelay $0x2  }
0x232: {  	s14 =	simm.s32 $0x810;
	s15 =	simm.s32 $0x1020  }
0x233: {  	s17 =	sand.u32 $0x70, s14;
	s3 =	sand.u32 $0x1F00, s15  }
0x234: {  	s19 =	sor.u32 s17, s3;
	s6 =	simm.s32 $0x1000;
	v3 =	vld [tilespmem:s14+$0x0];
	v2 =	vand.u32 $0xFFFF, v0  }
0x235: {  	s20 =	sand.u32 $0x1F00, s6;
	v4 =	vld [tilespmem:s19+$0x1080]  }
0x236: {  	s3 =	sor.u32 s11, s20;
	v20 =	vld [tilespmem:s19+$0x1000]  }
0x237: {  	v5 =	vld [tilespmem:s3+$0x1080]  }
0x238: {  	v6 =	vld [tilespmem:s3+$0x1000];
	v21 =	vshrl.u32 v0, $0x10  }
0x239: {  	v8 =	vld.idx.msk [tilespmem:v2+s10+$0x0], $0xffff  }
0x23a: {  	v7 =	vld.idx.msk [tilespmem:v2+s1+$0x0], $0xffff  }
0x23b: {  	v9 =	vld.idx.msk [tilespmem:v2+s31+$0x0], $0xffff  }
0x23c: {  	v13 =	vld.idx.msk [tilespmem:v2+s9+$0x0], $0xffff  }
0x23d: {  	v15 =	vld.idx.msk [tilespmem:v21+s10+$0x0], $0xffff  }
0x23e: {  	v10 =	vand.u32 $0xFFFF, v3;
	v19 =	vld.idx.msk [tilespmem:v2+s28+$0x0], $0xffff  }
0x23f: {  	v12 =	vld.idx.msk [tilespmem:v21+s30+$0x0], $0xffff  }
0x240: {  	v1 =	vld.idx.msk [tilespmem:v21+s0+$0x0], $0xffff  }
0x241: {  	v62 =	vld.idx.msk [tilespmem:v2+s30+$0x0], $0xffff  }
0x242: {  	v0 =	vshrl.u32 v3, $0x10;
	v18 =	vshll.u32 v5, $0x10;
	v29 =	vld.idx.msk [tilespmem:v2+s0+$0x0], $0xffff  }
0x243: {  	v16 =	vshll.u32 v6, $0x10;
	v27 =	vld.idx.msk [tilespmem:v10+s28+$0x0], $0xffff;
	v22 =	vmul.f32 v18, v7;
	v23 =	vmul.f32 v18, v9  }
0x244: {  	v11 =	vand.u32 $0xFFFF0000, v5;
	v17 =	vld.idx.msk [tilespmem:v10+s10+$0x0], $0xffff;
	v5 =	vmul.f32 v18, v13;
	v25 =	vmul.f32 v18, v8  }
0x245: {  	v14 =	vand.u32 $0xFFFF0000, v6;
	v63 =	vld.idx.msk [tilespmem:v10+s29+$0x0], $0xffff;
	v9 =	vmul.f32 v16, v9;
	v13 =	vmul.f32 v16, v13  }
0x246: {  	v3 =	vld.idx.msk [tilespmem:v21+s31+$0x0], $0xffff;
	v60 =	vmul.f32 v16, v7;
	v7 =	vshll.u32 v4, $0x10;
	v36 =	vmul.f32 v18, v62  }
0x247: {  	v26 =	vld.idx.msk [tilespmem:v21+s1+$0x0], $0xffff;
	v4 =	vand.u32 $0xFFFF0000, v4;
	v32 =	vmul.f32 v16, v62;
	v34 =	vmul.f32 v18, v29  }
0x248: {  	v24 =	vld.idx.msk [tilespmem:v2+s29+$0x0], $0xffff;
	v35 =	vmul.f32 v7, v27;
	v6 =	vadd.f32 v11, v23;
	v23 =	vmul.f32 v16, v19  }
0x249: {  	v30 =	vld.idx.msk [tilespmem:v21+s28+$0x0], $0xffff;
	v28 =	vadd.f32 v11, v5;
	v5 =	vmul.f32 v18, v19;
	v19 =	vadd.f32 v11, v25  }
0x24a: {  	v31 =	vld.idx.msk [tilespmem:v21+s9+$0x0], $0xffff;
	v37 =	vmul.f32 v7, v63;
	v9 =	vadd.f32 v14, v9;
	v25 =	vadd.f32 v14, v13  }
0x24b: {  	v33 =	vld.idx.msk [tilespmem:v10+s0+$0x0], $0xffff;
	v2 =	vadd.f32 v11, v22;
	v13 =	vmul.f32 v16, v8;
	v8 =	vmul.f32 v7, v17  }
0x24c: {  	v21 =	vld.idx.msk [tilespmem:v21+s29+$0x0], $0xffff;
	v61 =	vadd.f32 v11, v5;
	v3 =	vmul.f32 v6, v3;
	v5 =	vmul.f32 v19, v15  }
0x24d: {  	v6 =	vshll.u32 v20, $0x10;
	v2 =	vmul.f32 v2, v26;
	v15 =	vadd.f32 v14, v13;
	v13 =	vld.idx.msk [tilespmem:v0+s0+$0x0], $0xffff  }
0x24e: {  	v26 =	vmul.f32 v6, v27;
	v19 =	vadd.f32 v3, v9;
	v3 =	vadd.f32 v14, v60;
	v9 =	vld.idx.msk [tilespmem:v10+s30+$0x0], $0xffff  }
0x24f: {  	s12 =	simm.s32 $0x830;
	v23 =	vadd.f32 v14, v23;
	v22 =	vmul.f32 v61, v30;
	v30 =	vmul.f32 v28, v31;
	v31 =	vld.idx.msk [tilespmem:v0+s28+$0x0], $0xffff  }
0x250: {  	s17 =	simm.s32 $0x830;
	s4 =	simm.s32 $0x1;
	s13 =	simm.s32 $0x0;
	v27 =	vmul.f32 v6, v63;
	v28 =	vld.idx.msk [tilespmem:v10+s31+$0x0], $0xffff;
	v3 =	vadd.f32 v2, v3;
	v2 =	vand.u32 $0xFFFF0000, v20  }
0x251: {  	s20 =	simm.s32 $0x100;
	s14 =	simm.s32 $0x0;
	s19 =	simm.s32 $0x1060;
	v22 =	vadd.f32 v22, v23;
	v23 =	vld.idx.msk [tilespmem:v10+s9+$0x0], $0xffff;
	v20 =	vmul.f32 v7, v33;
	v26 =	vadd.f32 v2, v26  }
.LBB2_9:
0x252: {  	s2 =	sadd.s32 $0xFFFFF7F0, s12;
	s3 =	sadd.s32 $0xFFFFFFF0, s12;
	s14 =	sadd.s32 $0x2, s14;
	v18 =	vmul.f32 v18, v24;
	v36 =	vadd.f32 v11, v36;
	v38 =	vld.idx.msk [tilespmem:v0+s29+$0x0], $0xffff;
	v33 =	vmul.f32 v6, v33  }
0x253: {  	v24 =	vmul.f32 v16, v24;
	v16 =	vmul.f32 v16, v29;
	s2 =	sand.u32 $0x60, s2;
	s3 =	sand.u32 $0xF80, s3;
	p1 =	slt.u32 s14, $0x7E;
	v10 =	vld.idx.msk [tilespmem:v10+s1+$0x0], $0xffff;
	v29 =	vadd.f32 v4, v37  }
0x254: {  	v35 =	vadd.f32 v4, v35;
	v17 =	vmul.f32 v6, v17;
	s3 =	sor.u32 s2, s3;
	v18 =	vadd.f32 v11, v18;
	v37 =	vld.idx.msk [tilespmem:v0+s9+$0x0], $0xffff  }
0x255: {  	v27 =	vadd.f32 v2, v27;
	v24 =	vadd.f32 v14, v24;
	v12 =	vmul.f32 v36, v12;
	v39 =	vld [tilespmem:s3+$0x0]  }
0x256: {  	v16 =	vadd.f32 v14, v16;
	v33 =	vadd.f32 v2, v33;
	v40 =	vmul.f32 v6, v23;
	v36 =	vld.idx.msk [tilespmem:v0+s31+$0x0], $0xffff  }
0x257: {  	v25 =	vadd.f32 v30, v25;
	v14 =	vadd.f32 v14, v32;
	v23 =	vmul.f32 v7, v23;
	v30 =	vld.idx.msk [tilespmem:v0+s1+$0x0], $0xffff  }
0x258: {  	v11 =	vadd.f32 v11, v34;
	v31 =	vmul.f32 v35, v31;
	v34 =	vmul.f32 v6, v28;
	s3 =	sand.u32 $0x3C00, s8;
	v32 =	vld.idx.msk [tilespmem:v0+s30+$0x0], $0xffff  }
0x259: {  	s6 =	sand.u32 $0x70, s12;
	s7 =	sand.u32 $0x1F00, s19;
	s15 =	sor.u32 s11, s3;
	v23 =	vadd.f32 v4, v23;
	v41 =	vmul.f32 v7, v10;
	v35 =	vld.idx.msk [tilespmem:v0+s10+$0x0], $0xffff;
	v0 =	vmul.f32 v7, v28  }
0x25a: {  	s6 =	sor.u32 s6, s7;
	s3 =	sadd.s32 $0xFFFFFFE0, s19;
	s11 =	smov.u32 s2;
	v42 =	vand.u32 $0xFFFF, v39;
	v43 =	vld [tilespmem:s17+$0x0];
	[tilespmem:s15+$0x7280] =	vst v25;
	v25 =	vmul.f32 v29, v38;
	v29 =	vadd.f32 v2, v34  }
0x25b: {  	s2 =	sand.u32 $0x1F00, s3;
	v37 =	vmul.f32 v23, v37;
	v28 =	vld [tilespmem:s6+$0x1080];
	v34 =	vadd.f32 v4, v0;
	v0 =	vadd.f32 v2, v40  }
0x25c: {  	v12 =	vadd.f32 v12, v14;
	v1 =	vmul.f32 v11, v1;
	s2 =	sor.u32 s11, s2;
	v11 =	vadd.f32 v4, v41;
	v23 =	vld [tilespmem:s6+$0x1000];
	[tilespmem:s15+$0x7180] =	vst v19  }
0x25d: {  	v19 =	vadd.f32 v25, v27;
	v14 =	vld [tilespmem:s2+$0x1080];
	[tilespmem:s15+$0x7000] =	vst v22;
	v22 =	vadd.f32 v37, v0;
	v0 =	vmul.f32 v6, v10  }
0x25e: {  	v26 =	vadd.f32 v31, v26;
	v1 =	vadd.f32 v1, v16;
	v27 =	vshrl.u32 v39, $0x10;
	v25 =	vld [tilespmem:s2+$0x1000];
	[tilespmem:s15+$0x7100] =	vst v12  }
0x25f: {  	v5 =	vadd.f32 v5, v15;
	v11 =	vmul.f32 v11, v30;
	v31 =	vld.idx.msk [tilespmem:v42+s10+$0x0], $0xffff;
	v15 =	vadd.f32 v2, v0  }
0x260: {  	v8 =	vadd.f32 v4, v8;
	v16 =	vadd.f32 v4, v20;
	v12 =	vmul.f32 v18, v21;
	v30 =	vld.idx.msk [tilespmem:v42+s1+$0x0], $0xffff  }
0x261: {  	v7 =	vmul.f32 v7, v9;
	v0 =	vshrl.u32 v43, $0x10;
	v10 =	vand.u32 $0xFFFF, v43;
	v20 =	vld.idx.msk [tilespmem:v42+s31+$0x0], $0xffff;
	[tilespmem:s15+$0x7200] =	vst v1  }
0x262: {  	v13 =	vmul.f32 v16, v13;
	v8 =	vmul.f32 v8, v35;
	v1 =	vadd.f32 v2, v17;
	v21 =	vld.idx.msk [tilespmem:v42+s9+$0x0], $0xffff  }
0x263: {  	s2 =	sand.u32 $0x3, s13;
	s13 =	smov.u32 s4;
	v17 =	vadd.f32 v12, v24;
	v35 =	vld.idx.msk [tilespmem:v27+s10+$0x0], $0xffff;
	[tilespmem:s15+$0x7090] =	vst v19;
	v19 =	vmul.f32 v34, v36  }
0x264: {  	v6 =	vmul.f32 v6, v9;
	s2 =	sshll.u32 s2, $0x5;
	v34 =	vld.idx.msk [tilespmem:v42+s28+$0x0], $0xffff;
	[tilespmem:s15+$0x7290] =	vst v22;
	v22 =	vadd.f32 v8, v1  }
0x265: {  	s2 =	sadd.s32 s2, s8;
	s8 =	smov.u32 s20;
	v15 =	vadd.f32 v11, v15;
	v18 =	vshll.u32 v14, $0x10;
	v16 =	vshll.u32 v25, $0x10;
	v12 =	vld.idx.msk [tilespmem:v27+s30+$0x0], $0xffff;
	[tilespmem:s15+$0x7010] =	vst v26  }
0x266: {  	v4 =	vadd.f32 v4, v7;
	s3 =	sor.u32 $0x300, s2;
	s6 =	sadd.s32 $0x10, s2;
	v8 =	vmul.f32 v18, v30;
	v1 =	vld.idx.msk [tilespmem:v27+s0+$0x0], $0xffff;
	[tilespmem:s15+$0x7080] =	vst v17  }
0x267: {  	s2 =	sor.u32 $0x380, s2;
	v11 =	vand.u32 $0xFFFF0000, v14;
	v7 =	vmul.f32 v18, v20;
	v17 =	vld.idx.msk [tilespmem:v10+s10+$0x0], $0xffff;
	[tilespmem:s3+$0x7000] =	vst v3;
	v3 =	vadd.f32 v13, v33  }
0x268: {  	v14 =	vand.u32 $0xFFFF0000, v25;
	v13 =	vmul.f32 v18, v21;
	v9 =	vld.idx.msk [tilespmem:v27+s31+$0x0], $0xffff;
	[tilespmem:s2+$0x7000] =	vst v5;
	v5 =	vadd.f32 v19, v29  }
0x269: {  	v4 =	vmul.f32 v4, v32;
	v7 =	vadd.f32 v11, v7;
	v26 =	vld.idx.msk [tilespmem:v27+s1+$0x0], $0xffff;
	[tilespmem:s15+$0x7210] =	vst v3  }
0x26a: {  	v19 =	vmul.f32 v18, v31;
	v3 =	vmul.f32 v16, v34;
	v13 =	vadd.f32 v11, v13;
	v37 =	vld.idx.msk [tilespmem:v10+s28+$0x0], $0xffff  }
0x26b: {  	v2 =	vadd.f32 v2, v6;
	v30 =	vmul.f32 v16, v30;
	v25 =	vmul.f32 v18, v34;
	v24 =	vld.idx.msk [tilespmem:v42+s29+$0x0], $0xffff  }
0x26c: {  	v6 =	vmul.f32 v16, v20;
	v19 =	vadd.f32 v11, v19;
	v32 =	vld.idx.msk [tilespmem:v27+s28+$0x0], $0xffff;
	[tilespmem:s15+$0x7190] =	vst v5  }
0x26d: {  	v21 =	vmul.f32 v16, v21;
	v34 =	vadd.f32 v14, v3;
	v3 =	vadd.f32 v11, v25;
	v20 =	vld.idx.msk [tilespmem:v27+s9+$0x0], $0xffff  }
0x26e: {  	v6 =	vadd.f32 v14, v6;
	v5 =	vmul.f32 v19, v35;
	v9 =	vmul.f32 v7, v9;
	v38 =	vld.idx.msk [tilespmem:v42+s30+$0x0], $0xffff  }
0x26f: {  	v2 =	vadd.f32 v4, v2;
	v25 =	vadd.f32 v14, v21;
	v7 =	vshll.u32 v28, $0x10;
	v29 =	vld.idx.msk [tilespmem:v42+s0+$0x0], $0xffff  }
0x270: {  	v4 =	vadd.f32 v11, v8;
	s2 =	sor.u32 $0x300, s6;
	v21 =	vmul.f32 v16, v31;
	v8 =	vmul.f32 v7, v17;
	v33 =	vld.idx.msk [tilespmem:v10+s0+$0x0], $0xffff  }
0x271: {  	s3 =	sor.u32 $0x380, s6;
	v31 =	vadd.f32 v14, v30;
	v19 =	vadd.f32 v9, v6;
	v6 =	vshll.u32 v23, $0x10;
	v39 =	vld.idx.msk [tilespmem:v10+s29+$0x0], $0xffff;
	[tilespmem:s15+$0x7110] =	vst v2  }
0x272: {  	v2 =	vmul.f32 v3, v32;
	v3 =	vmul.f32 v4, v26;
	v9 =	vld.idx.msk [tilespmem:v10+s30+$0x0], $0xffff;
	[tilespmem:s2+$0x7000] =	vst v15  }
.Ltmp5:
0x273: {  	v4 =	vand.u32 $0xFFFF0000, v28;
	v30 =	vmul.f32 v13, v20;
	v15 =	vadd.f32 v14, v21;
	v13 =	vld.idx.msk [tilespmem:v0+s0+$0x0], $0xffff;
	[tilespmem:s3+$0x7000] =	vst v22;
	(pc) =	sbr.rel @p1 .LBB2_9-.Ltmp5, $4  }
0x274: {  	v26 =	vmul.f32 v6, v37;
	v36 =	vmul.f32 v18, v38;
	v3 =	vadd.f32 v3, v31;
	v31 =	vld.idx.msk [tilespmem:v0+s28+$0x0], $0xffff  }
0x275: {  	v35 =	vmul.f32 v7, v37;
	v22 =	vadd.f32 v2, v34;
	v32 =	vmul.f32 v16, v38;
	v28 =	vld.idx.msk [tilespmem:v10+s31+$0x0], $0xffff  }
0x276: {  	s19 =	sadd.s32 $0x40, s19;
	s17 =	sadd.s32 $0x20, s17;
	v2 =	vand.u32 $0xFFFF0000, v23;
	v34 =	vmul.f32 v18, v29;
	v20 =	vmul.f32 v7, v33;
	v23 =	vld.idx.msk [tilespmem:v10+s9+$0x0], $0xffff  }
0x277: {  	s12 =	sadd.s32 $0x20, s12;
	s4 =	sadd.s32 $0x1, s4;
	s20 =	sadd.s32 $0x100, s20;
	v26 =	vadd.f32 v2, v26;
	v37 =	vmul.f32 v7, v39;
	v21 =	vld.idx.msk [tilespmem:v27+s29+$0x0], $0xffff;
	v27 =	vmul.f32 v6, v39  }
0x278: {  	_ =	sdelay $0x2  }
0x279: {  	v18 =	vmul.f32 v18, v24  }
0x27a: {  	v36 =	vadd.f32 v11, v36;
	v33 =	vmul.f32 v6, v33;
	v38 =	vld.idx.msk [tilespmem:v0+s29+$0x0], $0xffff;
	v35 =	vadd.f32 v4, v35  }
0x27b: {  	v54 =	vmul.f32 v16, v24;
	v10 =	vld.idx.msk [tilespmem:v10+s1+$0x0], $0xffff;
	v25 =	vadd.f32 v30, v25;
	v60 =	vadd.f32 v11, v34  }
0x27c: {  	v55 =	vmul.f32 v16, v29;
	v57 =	vld.idx.msk [tilespmem:v0+s9+$0x0], $0xffff;
	v61 =	vadd.f32 v14, v32;
	v51 =	vadd.f32 v4, v20  }
0x27d: {  	v17 =	vmul.f32 v6, v17;
	v58 =	vld.idx.msk [tilespmem:v0+s31+$0x0], $0xffff;
	v5 =	vadd.f32 v5, v15;
	v56 =	vadd.f32 v4, v37  }
0x27e: {  	v30 =	vld.idx.msk [tilespmem:v0+s1+$0x0], $0xffff;
	v52 =	vmul.f32 v7, v9;
	v27 =	vadd.f32 v2, v27;
	v18 =	vadd.f32 v11, v18  }
0x27f: {  	s2 =	sand.u32 $0x3C00, s8;
	v62 =	vld.idx.msk [tilespmem:v0+s30+$0x0], $0xffff;
	v24 =	vadd.f32 v14, v54;
	v12 =	vmul.f32 v36, v12;
	v31 =	vmul.f32 v35, v31  }
0x280: {  	v40 =	vld.idx.msk [tilespmem:v0+s10+$0x0], $0xffff;
	s2 =	sor.u32 s11, s2;
	v16 =	vadd.f32 v14, v55;
	v63 =	vmul.f32 v6, v28;
	v1 =	vmul.f32 v60, v1  }
0x281: {  	v33 =	vadd.f32 v2, v33;
	[tilespmem:s2+$0x7280] =	vst v25;
	v41 =	vmul.f32 v7, v28;
	v53 =	vmul.f32 v51, v13  }
0x282: {  	[tilespmem:s2+$0x7180] =	vst v19;
	v54 =	vmul.f32 v6, v9;
	v55 =	vadd.f32 v4, v52;
	v12 =	vadd.f32 v12, v61  }
0x283: {  	[tilespmem:s2+$0x7000] =	vst v22;
	v59 =	vmul.f32 v7, v23;
	v1 =	vadd.f32 v1, v16;
	v49 =	vmul.f32 v18, v21  }
0x284: {  	v46 =	vadd.f32 v2, v63;
	v50 =	vadd.f32 v31, v26;
	v42 =	vmul.f32 v56, v38;
	[tilespmem:s2+$0x7100] =	vst v12  }
0x285: {  	s3 =	sand.u32 $0x3, s13;
	v39 =	vmul.f32 v6, v23;
	v11 =	vadd.f32 v4, v41;
	[tilespmem:s2+$0x7200] =	vst v1;
	v14 =	vadd.f32 v49, v24  }
0x286: {  	s3 =	sshll.u32 s3, $0x5;
	v23 =	vadd.f32 v4, v59;
	v45 =	vmul.f32 v7, v10;
	[tilespmem:s2+$0x7010] =	vst v50;
	v47 =	vadd.f32 v42, v27  }
0x287: {  	s3 =	sadd.s32 s3, s8;
	v10 =	vmul.f32 v6, v10;
	v6 =	vadd.f32 v2, v54;
	v1 =	vmul.f32 v55, v62;
	[tilespmem:s2+$0x7080] =	vst v14  }
0x288: {  	s4 =	sor.u32 $0x300, s3;
	v44 =	vmul.f32 v23, v57;
	v57 =	vmul.f32 v11, v58;
	v58 =	vadd.f32 v53, v33;
	[tilespmem:s2+$0x7090] =	vst v47  }
0x289: {  	v43 =	vadd.f32 v2, v39;
	v16 =	vadd.f32 v4, v45;
	[tilespmem:s4+$0x7000] =	vst v3  }
0x28a: {  	s14 =	sor.u32 $0x380, s3;
	v56 =	vadd.f32 v4, v8;
	v1 =	vadd.f32 v1, v6;
	[tilespmem:s2+$0x7210] =	vst v58  }
0x28b: {  	v59 =	vadd.f32 v2, v10;
	v48 =	vadd.f32 v44, v43;
	v60 =	vmul.f32 v16, v30;
	[tilespmem:s14+$0x7000] =	vst v5  }
0x28c: {  	v62 =	vadd.f32 v2, v17;
	v0 =	vmul.f32 v56, v40;
	v61 =	vadd.f32 v57, v46;
	[tilespmem:s2+$0x7110] =	vst v1  }
0x28d: {  	s3 =	sadd.s32 $0x10, s3;
	[tilespmem:s2+$0x7290] =	vst v48;
	v63 =	vadd.f32 v60, v59  }
0x28e: {  	s15 =	sor.u32 $0x300, s3;
	v0 =	vadd.f32 v0, v62;
	[tilespmem:s2+$0x7190] =	vst v61  }
.Ltmp6:
0x28f: {  	s17 =	sor.u32 $0x380, s3;
	[tilespmem:s15+$0x7000] =	vst v63;
	(pc) =	sbr.rel @p0 .LBB2_12-.Ltmp6, $4  }
0x290: {  	[tilespmem:s17+$0x7000] =	vst v0  }
0x291: {  	s2 =	rddreg [dreg:$0x1f]  }
0x292: {  	s19 =	simm.s32 $0x0;
	s20 =	simm.s32 $0x7000;
	s2 =	sadd.s32 s5, s2  }
0x293: {  	[hbm4b:s2+s19] =	stream.linear.scatter [tilespmem:s20], [sflag:$0x4], $0x4000, $0x38;
	[tilespmem:$0x1B000] =	vst v63  }
0x294: {  	s2 =	sld [smem:$0x7FD]  }
0x295: {  	s3 =	sld [smem:$0x7F9];
	_ =	sdelay $0x2  }
0x296: {  	s8 =	rddreg [dreg:$0x0];
	s4 =	simm.s32 $0x80;
	s2 =	sadd.s32 s2, s3  }
0x297: {  	s5 =	simm.s32 $0x400;
	s11 =	rddreg [dreg:$0x7];
	s3 =	sadd.s32 s8, s2  }
0x298: {  	[tilespmem:s28], [sflag:$0x2] =	stream.strided.gather [hbm4b:s3+s4], $0x1000, s5, s4, $0x38;
	[tilespmem:$0x1B000] =	vst v63  }
0x299: {  	s12 =	rddreg [dreg:$0xa];
	s3 =	sadd.s32 s2, s11  }
0x29a: {  	[tilespmem:s29], [sflag:$0x2] =	stream.strided.gather [hbm4b:s3+s4], $0x1000, s5, s4, $0x38;
	[tilespmem:$0x1B000] =	vst v63  }
0x29b: {  	s13 =	rddreg [dreg:$0xc];
	s3 =	sadd.s32 s2, s12  }
0x29c: {  	[tilespmem:s30], [sflag:$0x2] =	stream.strided.gather [hbm4b:s3+s4], $0x1000, s5, s4, $0x38;
	[tilespmem:$0x1B000] =	vst v63  }
0x29d: {  	s14 =	rddreg [dreg:$0xd];
	s3 =	sadd.s32 s2, s13  }
0x29e: {  	[tilespmem:s31], [sflag:$0x2] =	stream.strided.gather [hbm4b:s3+s4], $0x1000, s5, s4, $0x38;
	[tilespmem:$0x1B000] =	vst v63  }
0x29f: {  	s15 =	rddreg [dreg:$0x10];
	s3 =	sadd.s32 s2, s14  }
0x2a0: {  	[tilespmem:s0], [sflag:$0x2] =	stream.strided.gather [hbm4b:s3+s4], $0x1000, s5, s4, $0x38;
	[tilespmem:$0x1B000] =	vst v63  }
0x2a1: {  	s17 =	rddreg [dreg:$0x12];
	s3 =	sadd.s32 s2, s15  }
0x2a2: {  	[tilespmem:s9], [sflag:$0x2] =	stream.strided.gather [hbm4b:s3+s4], $0x1000, s5, s4, $0x38;
	[tilespmem:$0x1B000] =	vst v63  }
.Ltmp7:
0x2a3: {  	s20 =	sld [smem:$0x7F8];
	(pc) =	sbr.rel .LBB2_2-.Ltmp7, $4  }
0x2a4: {  	s19 =	rddreg [dreg:$0x13];
	s3 =	sadd.s32 s2, s17  }
0x2a5: {  	[tilespmem:s1], [sflag:$0x2] =	stream.strided.gather [hbm4b:s3+s4], $0x1000, s5, s4, $0x38;
	[tilespmem:$0x1B000] =	vst v63  }
0x2a6: {  	s2 =	sadd.s32 s2, s19;
	s3 =	sadd.s32 $0x1, s20  }
0x2a7: {  	[tilespmem:s10], [sflag:$0x2] =	stream.strided.gather [hbm4b:s2+s4], $0x1000, s5, s4, $0x38;
	[tilespmem:$0x1B000] =	vst v63  }
.LBB2_13:
0x2a8: {  	_ =	sfence.sel $0x180000  }
0x2a9: {  	[bflag:$0x0] =	sbarrier.arrive $0xFFFF  }
0x2aa: {  	_ =	strace $0x90000047  }
0x2ab: {  	s0 =	stileid.u32;
	[bflag:$0x2] =	sbarrier.arrive $0xFFFF  }
0x2ac: {  	p0 =	sne.s32 s0, $0x0;
	s0 =	rddreg [dreg:$0x3]  }
0x2ad: {  	s0 =	sadd.s32 @!p0 $0x100000, s0  }
0x2ae: {  	[sflag:s0] =	ssyncadd.tile.s32 @!p0 $0x1;
	_ =	shalt  }
.Lfunc_end2:
_tile_overlayer_lowered:
.L_overlay_start_2:
0x2af: {  	(tag) =	ssettag $0x2  }
0x2b0: {  	s0 =	rddreg [dreg:$0x0];
	s2 =	stileid.u32  }
0x2b1: {  	s1 =	rddreg [dreg:$0x1];
	p0 =	sne.s32 s2, $0x0  }
0x2b2: {  	s3 =	rddreg [dreg:$0x2];
	[bflag:$0x3] =	sbarrier.arrive $0xFFFF;
	s2 =	simm.s32 @!p0 $0x1C05  }
0x2b3: {  	[timem:s3], [sflag:s2] =	dma.local @!p0 [hbm:s0], s1  }
0x2b4: {  	s0 =	simm.s32 @!p0 $0x5  }
0x2b5: {  	_ =	swait.ge @!p0 [sflag:s0], s1  }
0x2b6: {  	s1 =	ssub.s32 @!p0 $0x0, s1;
	[sflag:s0] =	ssyncset.done @!p0 $0x0  }
0x2b7: {  	[sflag:s0] =	ssyncadd.s32 @!p0 s1  }
0x2b8: {  	[bflag:$0x3] =	sbarrier.arrive $0xFFFF  }
0x2b9: {  	_ =	shalt  }

</sc_bundles>
